<compile_context>
chip_gen: v7x
topology: tpu7x:2x2x1
jax: 0.10.2.dev20260603
libtpu: 0.0.44.dev20260713+nightly
codegen_flags: <defaults>
</compile_context>

<pallas_src>
import dataclasses
import functools

import jax
import jax.numpy as jnp
from jax.experimental import pallas as pl
from jax.experimental.pallas import tpu as pltpu
from jax.experimental.pallas import tpu_sc as plsc

IN_F = 4096
OUT_F = 1024
BATCH = 16384
ROWS_PER_STEP = 8
LANES = 16


def _argmax_body(w_ref, o_ref):
    i = pl.program_id(0)
    w = w_ref[...]
    m = jnp.max(w, axis=1, keepdims=True)
    ii = jax.lax.broadcasted_iota(jnp.int32, w.shape, 1)
    cand = jnp.where(w == m, ii, IN_F)
    am = jnp.min(cand, axis=1).astype(jnp.int32)
    rows = jax.lax.broadcasted_iota(jnp.int32, (OUT_F // 128, 128), 0)
    o_ref[...] = jnp.where(rows == i, am[None, :], o_ref[...])


def _argmax(raw_weight):
    return pl.pallas_call(
        _argmax_body,
        grid=(OUT_F // 128,),
        in_specs=[pl.BlockSpec((128, IN_F), lambda i: (i, 0))],
        out_specs=pl.BlockSpec((OUT_F // 128, 128), lambda i: (0, 0)),
        out_shape=jax.ShapeDtypeStruct((OUT_F // 128, 128), jnp.int32),
    )(raw_weight)


def _gather_sc(x, idx):
    mesh = plsc.VectorSubcoreMesh(core_axis_name="c", subcore_axis_name="s")
    cp = pltpu.CompilerParams()
    if "needs_layout_passes" in pltpu.CompilerParams.__dataclass_fields__:
        cp = dataclasses.replace(cp, needs_layout_passes=False)

    n_tiles = 32
    rows_per_tile = BATCH // n_tiles
    n_chunks = rows_per_tile // ROWS_PER_STEP

    @functools.partial(
        pl.kernel,
        mesh=mesh,
        out_type=jax.ShapeDtypeStruct((BATCH, OUT_F), jnp.float32),
        scratch_types=[
            pltpu.VMEM((OUT_F // 128, 128), jnp.int32),
            pltpu.VMEM((1, OUT_F), jnp.int32),
            pltpu.VMEM((2, ROWS_PER_STEP, IN_F), jnp.float32),
            pltpu.VMEM((2, ROWS_PER_STEP, OUT_F), jnp.float32),
        ] + [pltpu.SemaphoreType.DMA] * 12,
        compiler_params=cp,
    )
    def k(i_hbm, x_hbm, o_hbm, i8_vmem, i_vmem, xb, ob, *sems):
        pltpu.async_copy(i_hbm, i8_vmem, sems[0]).wait()
        for rr in range(OUT_F // 128):
            for kk in range(128 // LANES):
                i_vmem[0, pl.ds(rr * 128 + kk * LANES, LANES)] = (
                    i8_vmem[rr, pl.ds(kk * LANES, LANES)])
        idx_ref = i_vmem.at[0]
        n_split = 4
        part = ROWS_PER_STEP // n_split
        sin = (sems[0:n_split], sems[n_split:2 * n_split])
        sout = (sems[2 * n_split:2 * n_split + 2],
                sems[2 * n_split + 2:2 * n_split + 4])
        ohalf = ROWS_PER_STEP // 2

        wid = jax.lax.axis_index("s") * 2 + jax.lax.axis_index("c")
        base = wid * rows_per_tile

        def in_copies(chunk, buf):
            row0 = base + chunk * ROWS_PER_STEP
            return tuple(
                pltpu.make_async_copy(
                    x_hbm.at[pl.ds(row0 + p * part, part)],
                    xb.at[buf].at[pl.ds(p * part, part)], sin[buf][p])
                for p in range(n_split))

        def out_copies(chunk, buf):
            row0 = base + chunk * ROWS_PER_STEP
            return tuple(
                pltpu.make_async_copy(
                    ob.at[buf].at[pl.ds(p * ohalf, ohalf)],
                    o_hbm.at[pl.ds(row0 + p * ohalf, ohalf)], sout[buf][p])
                for p in range(2))

        for c in in_copies(0, 0):
            c.start()

        @pl.loop(0, n_chunks, step=2)
        def _(g):
            for b in range(2):
                gi = g + b

                @pl.when(gi + 1 < n_chunks)
                def _():
                    for c in in_copies(gi + 1, 1 - b):
                        c.start()

                for c in in_copies(gi, b):
                    c.wait()

                @pl.when(gi >= 1)
                def _():
                    for c in out_copies(gi - 1, 1 - b):
                        c.start()

                @pl.when(gi >= 2)
                def _():
                    for c in out_copies(gi - 2, b):
                        c.wait()

                x_vmem = xb.at[b]
                o_vmem = ob.at[b]

                @plsc.parallel_loop(0, OUT_F // LANES, unroll=8)
                def _(j):
                    cols = idx_ref[pl.ds(j * LANES, LANES)]
                    for r in range(ROWS_PER_STEP):
                        rows = jnp.full((LANES,), r, jnp.int32)
                        vals = plsc.load_gather(x_vmem, [rows, cols])
                        o_vmem[r, pl.ds(j * LANES, LANES)] = vals

                plsc.subcore_barrier()

        for c in out_copies(n_chunks - 1, 1):
            c.start()
        for c in out_copies(n_chunks - 2, 0):
            c.wait()
        for c in out_copies(n_chunks - 1, 1):
            c.wait()

    return k(idx, x)


def kernel(x, raw_weight):
    idx = _argmax(raw_weight)
    return _gather_sc(x, idx)

# --- scband reference (transcript-rebuilt; emitter-appended) ---
"""Pipeline reference for scband-digital-mapper-v2-1-48696339202283 (READ-ONLY COPY).

The authoritative reference and input builder live on the scoring server;
editing this copy changes nothing except your own understanding.
"""

import jax, jax.numpy as jnp
import numpy as np

IN_FEATURES = 4096
OUT_FEATURES = 1024
BATCH = 16384

def setup_inputs(seed: int = 0) -> dict:
    key = jax.random.key(seed)
    k1, k2 = jax.random.split(key)
    x = jax.random.normal(k1, (BATCH, IN_FEATURES), dtype=jnp.float32)
    # raw_weight initialized uniform[0,1) per __reset_parameters__the_plain_rand01_style
    raw_weight = jax.random.uniform(k2, (OUT_FEATURES, IN_FEATURES), dtype=jnp.float32)
    return {"x": x, "raw_weight": raw_weight}

def reference(x, raw_weight):
    # DigitalMapper_V2_1 forward: gramo layers are identity in forward;
    # DigitalMapperFunction_v2_1.forward selects, per output feature, the
    # input column where raw_weight is maximal.
    index_of_max_o = jnp.argmax(raw_weight, axis=1)  # [out_features]
    output = jnp.take(x, index_of_max_o, axis=1)     # [batch, out_features]
    return output

if __name__ == "__main__":
    import jax
    _d = setup_inputs()
    print(jax.jit(kernel)(*tuple(_d.values())))

</pallas_src>

<mosaic_0001>
#map = affine_map<(d0, d1) -> (0, 0)>
module attributes {stable_mosaic.version = 14 : i64} {
  func.func @k(%arg0: i32, %arg1: i32, %arg2: memref<8x128xi32, #tpu.memory_space<hbm>>, %arg3: memref<16384x4096xf32, #tpu.memory_space<hbm>>, %arg4: memref<16384x1024xf32, #tpu.memory_space<hbm>>, %arg5: memref<8x128xi32, #tpu.memory_space<vmem>>, %arg6: memref<1x1024xi32, #tpu.memory_space<vmem>>, %arg7: memref<2x8x4096xf32, #tpu.memory_space<vmem>>, %arg8: memref<2x8x1024xf32, #tpu.memory_space<vmem>>, %arg9: memref<!tpu.dma_semaphore, #tpu.memory_space<semaphore_mem>>, %arg10: memref<!tpu.dma_semaphore, #tpu.memory_space<semaphore_mem>>, %arg11: memref<!tpu.dma_semaphore, #tpu.memory_space<semaphore_mem>>, %arg12: memref<!tpu.dma_semaphore, #tpu.memory_space<semaphore_mem>>, %arg13: memref<!tpu.dma_semaphore, #tpu.memory_space<semaphore_mem>>, %arg14: memref<!tpu.dma_semaphore, #tpu.memory_space<semaphore_mem>>, %arg15: memref<!tpu.dma_semaphore, #tpu.memory_space<semaphore_mem>>, %arg16: memref<!tpu.dma_semaphore, #tpu.memory_space<semaphore_mem>>, %arg17: memref<!tpu.dma_semaphore, #tpu.memory_space<semaphore_mem>>, %arg18: memref<!tpu.dma_semaphore, #tpu.memory_space<semaphore_mem>>, %arg19: memref<!tpu.dma_semaphore, #tpu.memory_space<semaphore_mem>>, %arg20: memref<!tpu.dma_semaphore, #tpu.memory_space<semaphore_mem>>) attributes {dimension_semantics = [#tpu.dimension_semantics<core_parallel>, #tpu.dimension_semantics<subcore_parallel>], iteration_bounds = array<i64: 2, 16>, scalar_prefetch = 0 : i64, scratch_operands = 16 : i64, tpu.core_type = #tpu.core_type<sc_vector_subcore>, window_params = [{transform_indices = #map}, {transform_indices = #map}, {transform_indices = #map}]} {
    tpu.enqueue_dma source(%arg2 : memref<8x128xi32, #tpu.memory_space<hbm>>) target(%arg5 : memref<8x128xi32, #tpu.memory_space<vmem>>) target_semaphore(%arg9 : memref<!tpu.dma_semaphore, #tpu.memory_space<semaphore_mem>>)
    tpu.wait_dma2 semaphore(%arg9 : memref<!tpu.dma_semaphore, #tpu.memory_space<semaphore_mem>>) src(%arg2 : memref<8x128xi32, #tpu.memory_space<hbm>>) dst(%arg5 : memref<8x128xi32, #tpu.memory_space<vmem>>)
    %get3A = arith.constant 0 : i32
    %get3A_0 = arith.index_cast %get3A : i32 to index
    %get3A_1 = arith.constant 0 : index
    %get3A_2 = tpu.vector_load %arg5[%get3A_0, %get3A_1] {strides = array<i32>} : memref<8x128xi32, #tpu.memory_space<vmem>>, vector<16xi32>,
    %swap3A = arith.constant 0 : i32
    %swap3A_3 = arith.index_cast %swap3A : i32 to index
    %swap3A_4 = arith.constant 0 : index
    %swap3A_5 = tpu.vector_load %arg6[%swap3A_3, %swap3A_4] {strides = array<i32>} : memref<1x1024xi32, #tpu.memory_space<vmem>>, vector<16xi32>,
    tpu.vector_store %arg6[%swap3A_3, %swap3A_4], %get3A_2 {strides = array<i32>} : memref<1x1024xi32, #tpu.memory_space<vmem>>, vector<16xi32>,
    %get3A_6 = arith.constant 0 : i32
    %get3A_7 = arith.index_cast %get3A_6 : i32 to index
    %get3A_8 = arith.constant 16 : index
    %get3A_9 = tpu.vector_load %arg5[%get3A_7, %get3A_8] {strides = array<i32>} : memref<8x128xi32, #tpu.memory_space<vmem>>, vector<16xi32>,
    %swap3A_10 = arith.constant 0 : i32
    %swap3A_11 = arith.index_cast %swap3A_10 : i32 to index
    %swap3A_12 = arith.constant 16 : index
    %swap3A_13 = tpu.vector_load %arg6[%swap3A_11, %swap3A_12] {strides = array<i32>} : memref<1x1024xi32, #tpu.memory_space<vmem>>, vector<16xi32>,
    tpu.vector_store %arg6[%swap3A_11, %swap3A_12], %get3A_9 {strides = array<i32>} : memref<1x1024xi32, #tpu.memory_space<vmem>>, vector<16xi32>,
    %get3A_14 = arith.constant 0 : i32
    %get3A_15 = arith.index_cast %get3A_14 : i32 to index
    %get3A_16 = arith.constant 32 : index
    %get3A_17 = tpu.vector_load %arg5[%get3A_15, %get3A_16] {strides = array<i32>} : memref<8x128xi32, #tpu.memory_space<vmem>>, vector<16xi32>,
    %swap3A_18 = arith.constant 0 : i32
    %swap3A_19 = arith.index_cast %swap3A_18 : i32 to index
    %swap3A_20 = arith.constant 32 : index
    %swap3A_21 = tpu.vector_load %arg6[%swap3A_19, %swap3A_20] {strides = array<i32>} : memref<1x1024xi32, #tpu.memory_space<vmem>>, vector<16xi32>,
    tpu.vector_store %arg6[%swap3A_19, %swap3A_20], %get3A_17 {strides = array<i32>} : memref<1x1024xi32, #tpu.memory_space<vmem>>, vector<16xi32>,
    %get3A_22 = arith.constant 0 : i32
    %get3A_23 = arith.index_cast %get3A_22 : i32 to index
    %get3A_24 = arith.constant 48 : index
    %get3A_25 = tpu.vector_load %arg5[%get3A_23, %get3A_24] {strides = array<i32>} : memref<8x128xi32, #tpu.memory_space<vmem>>, vector<16xi32>,
    %swap3A_26 = arith.constant 0 : i32
    %swap3A_27 = arith.index_cast %swap3A_26 : i32 to index
    %swap3A_28 = arith.constant 48 : index
    %swap3A_29 = tpu.vector_load %arg6[%swap3A_27, %swap3A_28] {strides = array<i32>} : memref<1x1024xi32, #tpu.memory_space<vmem>>, vector<16xi32>,
    tpu.vector_store %arg6[%swap3A_27, %swap3A_28], %get3A_25 {strides = array<i32>} : memref<1x1024xi32, #tpu.memory_space<vmem>>, vector<16xi32>,
    %get3A_30 = arith.constant 0 : i32
    %get3A_31 = arith.index_cast %get3A_30 : i32 to index
    %get3A_32 = arith.constant 64 : index
    %get3A_33 = tpu.vector_load %arg5[%get3A_31, %get3A_32] {strides = array<i32>} : memref<8x128xi32, #tpu.memory_space<vmem>>, vector<16xi32>,
    %swap3A_34 = arith.constant 0 : i32
    %swap3A_35 = arith.index_cast %swap3A_34 : i32 to index
    %swap3A_36 = arith.constant 64 : index
    %swap3A_37 = tpu.vector_load %arg6[%swap3A_35, %swap3A_36] {strides = array<i32>} : memref<1x1024xi32, #tpu.memory_space<vmem>>, vector<16xi32>,
    tpu.vector_store %arg6[%swap3A_35, %swap3A_36], %get3A_33 {strides = array<i32>} : memref<1x1024xi32, #tpu.memory_space<vmem>>, vector<16xi32>,
    %get3A_38 = arith.constant 0 : i32
    %get3A_39 = arith.index_cast %get3A_38 : i32 to index
    %get3A_40 = arith.constant 80 : index
    %get3A_41 = tpu.vector_load %arg5[%get3A_39, %get3A_40] {strides = array<i32>} : memref<8x128xi32, #tpu.memory_space<vmem>>, vector<16xi32>,
    %swap3A_42 = arith.constant 0 : i32
    %swap3A_43 = arith.index_cast %swap3A_42 : i32 to index
    %swap3A_44 = arith.constant 80 : index
    %swap3A_45 = tpu.vector_load %arg6[%swap3A_43, %swap3A_44] {strides = array<i32>} : memref<1x1024xi32, #tpu.memory_space<vmem>>, vector<16xi32>,
    tpu.vector_store %arg6[%swap3A_43, %swap3A_44], %get3A_41 {strides = array<i32>} : memref<1x1024xi32, #tpu.memory_space<vmem>>, vector<16xi32>,
    %get3A_46 = arith.constant 0 : i32
    %get3A_47 = arith.index_cast %get3A_46 : i32 to index
    %get3A_48 = arith.constant 96 : index
    %get3A_49 = tpu.vector_load %arg5[%get3A_47, %get3A_48] {strides = array<i32>} : memref<8x128xi32, #tpu.memory_space<vmem>>, vector<16xi32>,
    %swap3A_50 = arith.constant 0 : i32
    %swap3A_51 = arith.index_cast %swap3A_50 : i32 to index
    %swap3A_52 = arith.constant 96 : index
    %swap3A_53 = tpu.vector_load %arg6[%swap3A_51, %swap3A_52] {strides = array<i32>} : memref<1x1024xi32, #tpu.memory_space<vmem>>, vector<16xi32>,
    tpu.vector_store %arg6[%swap3A_51, %swap3A_52], %get3A_49 {strides = array<i32>} : memref<1x1024xi32, #tpu.memory_space<vmem>>, vector<16xi32>,
    %get3A_54 = arith.constant 0 : i32
    %get3A_55 = arith.index_cast %get3A_54 : i32 to index
    %get3A_56 = arith.constant 112 : index
    %get3A_57 = tpu.vector_load %arg5[%get3A_55, %get3A_56] {strides = array<i32>} : memref<8x128xi32, #tpu.memory_space<vmem>>, vector<16xi32>,
    %swap3A_58 = arith.constant 0 : i32
    %swap3A_59 = arith.index_cast %swap3A_58 : i32 to index
    %swap3A_60 = arith.constant 112 : index
    %swap3A_61 = tpu.vector_load %arg6[%swap3A_59, %swap3A_60] {strides = array<i32>} : memref<1x1024xi32, #tpu.memory_space<vmem>>, vector<16xi32>,
    tpu.vector_store %arg6[%swap3A_59, %swap3A_60], %get3A_57 {strides = array<i32>} : memref<1x1024xi32, #tpu.memory_space<vmem>>, vector<16xi32>,
    %get3A_62 = arith.constant 1 : i32
    %get3A_63 = arith.index_cast %get3A_62 : i32 to index
    %get3A_64 = arith.constant 0 : index
    %get3A_65 = tpu.vector_load %arg5[%get3A_63, %get3A_64] {strides = array<i32>} : memref<8x128xi32, #tpu.memory_space<vmem>>, vector<16xi32>,
    %swap3A_66 = arith.constant 0 : i32
    %swap3A_67 = arith.index_cast %swap3A_66 : i32 to index
    %swap3A_68 = arith.constant 128 : index
    %swap3A_69 = tpu.vector_load %arg6[%swap3A_67, %swap3A_68] {strides = array<i32>} : memref<1x1024xi32, #tpu.memory_space<vmem>>, vector<16xi32>,
    tpu.vector_store %arg6[%swap3A_67, %swap3A_68], %get3A_65 {strides = array<i32>} : memref<1x1024xi32, #tpu.memory_space<vmem>>, vector<16xi32>,
    %get3A_70 = arith.constant 1 : i32
    %get3A_71 = arith.index_cast %get3A_70 : i32 to index
    %get3A_72 = arith.constant 16 : index
    %get3A_73 = tpu.vector_load %arg5[%get3A_71, %get3A_72] {strides = array<i32>} : memref<8x128xi32, #tpu.memory_space<vmem>>, vector<16xi32>,
    %swap3A_74 = arith.constant 0 : i32
    %swap3A_75 = arith.index_cast %swap3A_74 : i32 to index
    %swap3A_76 = arith.constant 144 : index
    %swap3A_77 = tpu.vector_load %arg6[%swap3A_75, %swap3A_76] {strides = array<i32>} : memref<1x1024xi32, #tpu.memory_space<vmem>>, vector<16xi32>,
    tpu.vector_store %arg6[%swap3A_75, %swap3A_76], %get3A_73 {strides = array<i32>} : memref<1x1024xi32, #tpu.memory_space<vmem>>, vector<16xi32>,
    %get3A_78 = arith.constant 1 : i32
    %get3A_79 = arith.index_cast %get3A_78 : i32 to index
    %get3A_80 = arith.constant 32 : index
    %get3A_81 = tpu.vector_load %arg5[%get3A_79, %get3A_80] {strides = array<i32>} : memref<8x128xi32, #tpu.memory_space<vmem>>, vector<16xi32>,
    %swap3A_82 = arith.constant 0 : i32
    %swap3A_83 = arith.index_cast %swap3A_82 : i32 to index
    %swap3A_84 = arith.constant 160 : index
    %swap3A_85 = tpu.vector_load %arg6[%swap3A_83, %swap3A_84] {strides = array<i32>} : memref<1x1024xi32, #tpu.memory_space<vmem>>, vector<16xi32>,
    tpu.vector_store %arg6[%swap3A_83, %swap3A_84], %get3A_81 {strides = array<i32>} : memref<1x1024xi32, #tpu.memory_space<vmem>>, vector<16xi32>,
    %get3A_86 = arith.constant 1 : i32
    %get3A_87 = arith.index_cast %get3A_86 : i32 to index
    %get3A_88 = arith.constant 48 : index
    %get3A_89 = tpu.vector_load %arg5[%get3A_87, %get3A_88] {strides = array<i32>} : memref<8x128xi32, #tpu.memory_space<vmem>>, vector<16xi32>,
    %swap3A_90 = arith.constant 0 : i32
    %swap3A_91 = arith.index_cast %swap3A_90 : i32 to index
    %swap3A_92 = arith.constant 176 : index
    %swap3A_93 = tpu.vector_load %arg6[%swap3A_91, %swap3A_92] {strides = array<i32>} : memref<1x1024xi32, #tpu.memory_space<vmem>>, vector<16xi32>,
    tpu.vector_store %arg6[%swap3A_91, %swap3A_92], %get3A_89 {strides = array<i32>} : memref<1x1024xi32, #tpu.memory_space<vmem>>, vector<16xi32>,
    %get3A_94 = arith.constant 1 : i32
    %get3A_95 = arith.index_cast %get3A_94 : i32 to index
    %get3A_96 = arith.constant 64 : index
    %get3A_97 = tpu.vector_load %arg5[%get3A_95, %get3A_96] {strides = array<i32>} : memref<8x128xi32, #tpu.memory_space<vmem>>, vector<16xi32>,
    %swap3A_98 = arith.constant 0 : i32
    %swap3A_99 = arith.index_cast %swap3A_98 : i32 to index
    %swap3A_100 = arith.constant 192 : index
    %swap3A_101 = tpu.vector_load %arg6[%swap3A_99, %swap3A_100] {strides = array<i32>} : memref<1x1024xi32, #tpu.memory_space<vmem>>, vector<16xi32>,
    tpu.vector_store %arg6[%swap3A_99, %swap3A_100], %get3A_97 {strides = array<i32>} : memref<1x1024xi32, #tpu.memory_space<vmem>>, vector<16xi32>,
    %get3A_102 = arith.constant 1 : i32
    %get3A_103 = arith.index_cast %get3A_102 : i32 to index
    %get3A_104 = arith.constant 80 : index
    %get3A_105 = tpu.vector_load %arg5[%get3A_103, %get3A_104] {strides = array<i32>} : memref<8x128xi32, #tpu.memory_space<vmem>>, vector<16xi32>,
    %swap3A_106 = arith.constant 0 : i32
    %swap3A_107 = arith.index_cast %swap3A_106 : i32 to index
    %swap3A_108 = arith.constant 208 : index
    %swap3A_109 = tpu.vector_load %arg6[%swap3A_107, %swap3A_108] {strides = array<i32>} : memref<1x1024xi32, #tpu.memory_space<vmem>>, vector<16xi32>,
    tpu.vector_store %arg6[%swap3A_107, %swap3A_108], %get3A_105 {strides = array<i32>} : memref<1x1024xi32, #tpu.memory_space<vmem>>, vector<16xi32>,
    %get3A_110 = arith.constant 1 : i32
    %get3A_111 = arith.index_cast %get3A_110 : i32 to index
    %get3A_112 = arith.constant 96 : index
    %get3A_113 = tpu.vector_load %arg5[%get3A_111, %get3A_112] {strides = array<i32>} : memref<8x128xi32, #tpu.memory_space<vmem>>, vector<16xi32>,
    %swap3A_114 = arith.constant 0 : i32
    %swap3A_115 = arith.index_cast %swap3A_114 : i32 to index
    %swap3A_116 = arith.constant 224 : index
    %swap3A_117 = tpu.vector_load %arg6[%swap3A_115, %swap3A_116] {strides = array<i32>} : memref<1x1024xi32, #tpu.memory_space<vmem>>, vector<16xi32>,
    tpu.vector_store %arg6[%swap3A_115, %swap3A_116], %get3A_113 {strides = array<i32>} : memref<1x1024xi32, #tpu.memory_space<vmem>>, vector<16xi32>,
    %get3A_118 = arith.constant 1 : i32
    %get3A_119 = arith.index_cast %get3A_118 : i32 to index
    %get3A_120 = arith.constant 112 : index
    %get3A_121 = tpu.vector_load %arg5[%get3A_119, %get3A_120] {strides = array<i32>} : memref<8x128xi32, #tpu.memory_space<vmem>>, vector<16xi32>,
    %swap3A_122 = arith.constant 0 : i32
    %swap3A_123 = arith.index_cast %swap3A_122 : i32 to index
    %swap3A_124 = arith.constant 240 : index
    %swap3A_125 = tpu.vector_load %arg6[%swap3A_123, %swap3A_124] {strides = array<i32>} : memref<1x1024xi32, #tpu.memory_space<vmem>>, vector<16xi32>,
    tpu.vector_store %arg6[%swap3A_123, %swap3A_124], %get3A_121 {strides = array<i32>} : memref<1x1024xi32, #tpu.memory_space<vmem>>, vector<16xi32>,
    %get3A_126 = arith.constant 2 : i32
    %get3A_127 = arith.index_cast %get3A_126 : i32 to index
    %get3A_128 = arith.constant 0 : index
    %get3A_129 = tpu.vector_load %arg5[%get3A_127, %get3A_128] {strides = array<i32>} : memref<8x128xi32, #tpu.memory_space<vmem>>, vector<16xi32>,
    %swap3A_130 = arith.constant 0 : i32
    %swap3A_131 = arith.index_cast %swap3A_130 : i32 to index
    %swap3A_132 = arith.constant 256 : index
    %swap3A_133 = tpu.vector_load %arg6[%swap3A_131, %swap3A_132] {strides = array<i32>} : memref<1x1024xi32, #tpu.memory_space<vmem>>, vector<16xi32>,
    tpu.vector_store %arg6[%swap3A_131, %swap3A_132], %get3A_129 {strides = array<i32>} : memref<1x1024xi32, #tpu.memory_space<vmem>>, vector<16xi32>,
    %get3A_134 = arith.constant 2 : i32
    %get3A_135 = arith.index_cast %get3A_134 : i32 to index
    %get3A_136 = arith.constant 16 : index
    %get3A_137 = tpu.vector_load %arg5[%get3A_135, %get3A_136] {strides = array<i32>} : memref<8x128xi32, #tpu.memory_space<vmem>>, vector<16xi32>,
    %swap3A_138 = arith.constant 0 : i32
    %swap3A_139 = arith.index_cast %swap3A_138 : i32 to index
    %swap3A_140 = arith.constant 272 : index
    %swap3A_141 = tpu.vector_load %arg6[%swap3A_139, %swap3A_140] {strides = array<i32>} : memref<1x1024xi32, #tpu.memory_space<vmem>>, vector<16xi32>,
    tpu.vector_store %arg6[%swap3A_139, %swap3A_140], %get3A_137 {strides = array<i32>} : memref<1x1024xi32, #tpu.memory_space<vmem>>, vector<16xi32>,
    %get3A_142 = arith.constant 2 : i32
    %get3A_143 = arith.index_cast %get3A_142 : i32 to index
    %get3A_144 = arith.constant 32 : index
    %get3A_145 = tpu.vector_load %arg5[%get3A_143, %get3A_144] {strides = array<i32>} : memref<8x128xi32, #tpu.memory_space<vmem>>, vector<16xi32>,
    %swap3A_146 = arith.constant 0 : i32
    %swap3A_147 = arith.index_cast %swap3A_146 : i32 to index
    %swap3A_148 = arith.constant 288 : index
    %swap3A_149 = tpu.vector_load %arg6[%swap3A_147, %swap3A_148] {strides = array<i32>} : memref<1x1024xi32, #tpu.memory_space<vmem>>, vector<16xi32>,
    tpu.vector_store %arg6[%swap3A_147, %swap3A_148], %get3A_145 {strides = array<i32>} : memref<1x1024xi32, #tpu.memory_space<vmem>>, vector<16xi32>,
    %get3A_150 = arith.constant 2 : i32
    %get3A_151 = arith.index_cast %get3A_150 : i32 to index
    %get3A_152 = arith.constant 48 : index
    %get3A_153 = tpu.vector_load %arg5[%get3A_151, %get3A_152] {strides = array<i32>} : memref<8x128xi32, #tpu.memory_space<vmem>>, vector<16xi32>,
    %swap3A_154 = arith.constant 0 : i32
    %swap3A_155 = arith.index_cast %swap3A_154 : i32 to index
    %swap3A_156 = arith.constant 304 : index
    %swap3A_157 = tpu.vector_load %arg6[%swap3A_155, %swap3A_156] {strides = array<i32>} : memref<1x1024xi32, #tpu.memory_space<vmem>>, vector<16xi32>,
    tpu.vector_store %arg6[%swap3A_155, %swap3A_156], %get3A_153 {strides = array<i32>} : memref<1x1024xi32, #tpu.memory_space<vmem>>, vector<16xi32>,
    %get3A_158 = arith.constant 2 : i32
    %get3A_159 = arith.index_cast %get3A_158 : i32 to index
    %get3A_160 = arith.constant 64 : index
    %get3A_161 = tpu.vector_load %arg5[%get3A_159, %get3A_160] {strides = array<i32>} : memref<8x128xi32, #tpu.memory_space<vmem>>, vector<16xi32>,
    %swap3A_162 = arith.constant 0 : i32
    %swap3A_163 = arith.index_cast %swap3A_162 : i32 to index
    %swap3A_164 = arith.constant 320 : index
    %swap3A_165 = tpu.vector_load %arg6[%swap3A_163, %swap3A_164] {strides = array<i32>} : memref<1x1024xi32, #tpu.memory_space<vmem>>, vector<16xi32>,
    tpu.vector_store %arg6[%swap3A_163, %swap3A_164], %get3A_161 {strides = array<i32>} : memref<1x1024xi32, #tpu.memory_space<vmem>>, vector<16xi32>,
    %get3A_166 = arith.constant 2 : i32
    %get3A_167 = arith.index_cast %get3A_166 : i32 to index
    %get3A_168 = arith.constant 80 : index
    %get3A_169 = tpu.vector_load %arg5[%get3A_167, %get3A_168] {strides = array<i32>} : memref<8x128xi32, #tpu.memory_space<vmem>>, vector<16xi32>,
    %swap3A_170 = arith.constant 0 : i32
    %swap3A_171 = arith.index_cast %swap3A_170 : i32 to index
    %swap3A_172 = arith.constant 336 : index
    %swap3A_173 = tpu.vector_load %arg6[%swap3A_171, %swap3A_172] {strides = array<i32>} : memref<1x1024xi32, #tpu.memory_space<vmem>>, vector<16xi32>,
    tpu.vector_store %arg6[%swap3A_171, %swap3A_172], %get3A_169 {strides = array<i32>} : memref<1x1024xi32, #tpu.memory_space<vmem>>, vector<16xi32>,
    %get3A_174 = arith.constant 2 : i32
    %get3A_175 = arith.index_cast %get3A_174 : i32 to index
    %get3A_176 = arith.constant 96 : index
    %get3A_177 = tpu.vector_load %arg5[%get3A_175, %get3A_176] {strides = array<i32>} : memref<8x128xi32, #tpu.memory_space<vmem>>, vector<16xi32>,
    %swap3A_178 = arith.constant 0 : i32
    %swap3A_179 = arith.index_cast %swap3A_178 : i32 to index
    %swap3A_180 = arith.constant 352 : index
    %swap3A_181 = tpu.vector_load %arg6[%swap3A_179, %swap3A_180] {strides = array<i32>} : memref<1x1024xi32, #tpu.memory_space<vmem>>, vector<16xi32>,
    tpu.vector_store %arg6[%swap3A_179, %swap3A_180], %get3A_177 {strides = array<i32>} : memref<1x1024xi32, #tpu.memory_space<vmem>>, vector<16xi32>,
    %get3A_182 = arith.constant 2 : i32
    %get3A_183 = arith.index_cast %get3A_182 : i32 to index
    %get3A_184 = arith.constant 112 : index
    %get3A_185 = tpu.vector_load %arg5[%get3A_183, %get3A_184] {strides = array<i32>} : memref<8x128xi32, #tpu.memory_space<vmem>>, vector<16xi32>,
    %swap3A_186 = arith.constant 0 : i32
    %swap3A_187 = arith.index_cast %swap3A_186 : i32 to index
    %swap3A_188 = arith.constant 368 : index
    %swap3A_189 = tpu.vector_load %arg6[%swap3A_187, %swap3A_188] {strides = array<i32>} : memref<1x1024xi32, #tpu.memory_space<vmem>>, vector<16xi32>,
    tpu.vector_store %arg6[%swap3A_187, %swap3A_188], %get3A_185 {strides = array<i32>} : memref<1x1024xi32, #tpu.memory_space<vmem>>, vector<16xi32>,
    %get3A_190 = arith.constant 3 : i32
    %get3A_191 = arith.index_cast %get3A_190 : i32 to index
    %get3A_192 = arith.constant 0 : index
    %get3A_193 = tpu.vector_load %arg5[%get3A_191, %get3A_192] {strides = array<i32>} : memref<8x128xi32, #tpu.memory_space<vmem>>, vector<16xi32>,
    %swap3A_194 = arith.constant 0 : i32
    %swap3A_195 = arith.index_cast %swap3A_194 : i32 to index
    %swap3A_196 = arith.constant 384 : index
    %swap3A_197 = tpu.vector_load %arg6[%swap3A_195, %swap3A_196] {strides = array<i32>} : memref<1x1024xi32, #tpu.memory_space<vmem>>, vector<16xi32>,
    tpu.vector_store %arg6[%swap3A_195, %swap3A_196], %get3A_193 {strides = array<i32>} : memref<1x1024xi32, #tpu.memory_space<vmem>>, vector<16xi32>,
    %get3A_198 = arith.constant 3 : i32
    %get3A_199 = arith.index_cast %get3A_198 : i32 to index
    %get3A_200 = arith.constant 16 : index
    %get3A_201 = tpu.vector_load %arg5[%get3A_199, %get3A_200] {strides = array<i32>} : memref<8x128xi32, #tpu.memory_space<vmem>>, vector<16xi32>,
    %swap3A_202 = arith.constant 0 : i32
    %swap3A_203 = arith.index_cast %swap3A_202 : i32 to index
    %swap3A_204 = arith.constant 400 : index
    %swap3A_205 = tpu.vector_load %arg6[%swap3A_203, %swap3A_204] {strides = array<i32>} : memref<1x1024xi32, #tpu.memory_space<vmem>>, vector<16xi32>,
    tpu.vector_store %arg6[%swap3A_203, %swap3A_204], %get3A_201 {strides = array<i32>} : memref<1x1024xi32, #tpu.memory_space<vmem>>, vector<16xi32>,
    %get3A_206 = arith.constant 3 : i32
    %get3A_207 = arith.index_cast %get3A_206 : i32 to index
    %get3A_208 = arith.constant 32 : index
    %get3A_209 = tpu.vector_load %arg5[%get3A_207, %get3A_208] {strides = array<i32>} : memref<8x128xi32, #tpu.memory_space<vmem>>, vector<16xi32>,
    %swap3A_210 = arith.constant 0 : i32
    %swap3A_211 = arith.index_cast %swap3A_210 : i32 to index
    %swap3A_212 = arith.constant 416 : index
    %swap3A_213 = tpu.vector_load %arg6[%swap3A_211, %swap3A_212] {strides = array<i32>} : memref<1x1024xi32, #tpu.memory_space<vmem>>, vector<16xi32>,
    tpu.vector_store %arg6[%swap3A_211, %swap3A_212], %get3A_209 {strides = array<i32>} : memref<1x1024xi32, #tpu.memory_space<vmem>>, vector<16xi32>,
    %get3A_214 = arith.constant 3 : i32
    %get3A_215 = arith.index_cast %get3A_214 : i32 to index
    %get3A_216 = arith.constant 48 : index
    %get3A_217 = tpu.vector_load %arg5[%get3A_215, %get3A_216] {strides = array<i32>} : memref<8x128xi32, #tpu.memory_space<vmem>>, vector<16xi32>,
    %swap3A_218 = arith.constant 0 : i32
    %swap3A_219 = arith.index_cast %swap3A_218 : i32 to index
    %swap3A_220 = arith.constant 432 : index
    %swap3A_221 = tpu.vector_load %arg6[%swap3A_219, %swap3A_220] {strides = array<i32>} : memref<1x1024xi32, #tpu.memory_space<vmem>>, vector<16xi32>,
    tpu.vector_store %arg6[%swap3A_219, %swap3A_220], %get3A_217 {strides = array<i32>} : memref<1x1024xi32, #tpu.memory_space<vmem>>, vector<16xi32>,
    %get3A_222 = arith.constant 3 : i32
    %get3A_223 = arith.index_cast %get3A_222 : i32 to index
    %get3A_224 = arith.constant 64 : index
    %get3A_225 = tpu.vector_load %arg5[%get3A_223, %get3A_224] {strides = array<i32>} : memref<8x128xi32, #tpu.memory_space<vmem>>, vector<16xi32>,
    %swap3A_226 = arith.constant 0 : i32
    %swap3A_227 = arith.index_cast %swap3A_226 : i32 to index
    %swap3A_228 = arith.constant 448 : index
    %swap3A_229 = tpu.vector_load %arg6[%swap3A_227, %swap3A_228] {strides = array<i32>} : memref<1x1024xi32, #tpu.memory_space<vmem>>, vector<16xi32>,
    tpu.vector_store %arg6[%swap3A_227, %swap3A_228], %get3A_225 {strides = array<i32>} : memref<1x1024xi32, #tpu.memory_space<vmem>>, vector<16xi32>,
    %get3A_230 = arith.constant 3 : i32
    %get3A_231 = arith.index_cast %get3A_230 : i32 to index
    %get3A_232 = arith.constant 80 : index
    %get3A_233 = tpu.vector_load %arg5[%get3A_231, %get3A_232] {strides = array<i32>} : memref<8x128xi32, #tpu.memory_space<vmem>>, vector<16xi32>,
    %swap3A_234 = arith.constant 0 : i32
    %swap3A_235 = arith.index_cast %swap3A_234 : i32 to index
    %swap3A_236 = arith.constant 464 : index
    %swap3A_237 = tpu.vector_load %arg6[%swap3A_235, %swap3A_236] {strides = array<i32>} : memref<1x1024xi32, #tpu.memory_space<vmem>>, vector<16xi32>,
    tpu.vector_store %arg6[%swap3A_235, %swap3A_236], %get3A_233 {strides = array<i32>} : memref<1x1024xi32, #tpu.memory_space<vmem>>, vector<16xi32>,
    %get3A_238 = arith.constant 3 : i32
    %get3A_239 = arith.index_cast %get3A_238 : i32 to index
    %get3A_240 = arith.constant 96 : index
    %get3A_241 = tpu.vector_load %arg5[%get3A_239, %get3A_240] {strides = array<i32>} : memref<8x128xi32, #tpu.memory_space<vmem>>, vector<16xi32>,
    %swap3A_242 = arith.constant 0 : i32
    %swap3A_243 = arith.index_cast %swap3A_242 : i32 to index
    %swap3A_244 = arith.constant 480 : index
    %swap3A_245 = tpu.vector_load %arg6[%swap3A_243, %swap3A_244] {strides = array<i32>} : memref<1x1024xi32, #tpu.memory_space<vmem>>, vector<16xi32>,
    tpu.vector_store %arg6[%swap3A_243, %swap3A_244], %get3A_241 {strides = array<i32>} : memref<1x1024xi32, #tpu.memory_space<vmem>>, vector<16xi32>,
    %get3A_246 = arith.constant 3 : i32
    %get3A_247 = arith.index_cast %get3A_246 : i32 to index
    %get3A_248 = arith.constant 112 : index
    %get3A_249 = tpu.vector_load %arg5[%get3A_247, %get3A_248] {strides = array<i32>} : memref<8x128xi32, #tpu.memory_space<vmem>>, vector<16xi32>,
    %swap3A_250 = arith.constant 0 : i32
    %swap3A_251 = arith.index_cast %swap3A_250 : i32 to index
    %swap3A_252 = arith.constant 496 : index
    %swap3A_253 = tpu.vector_load %arg6[%swap3A_251, %swap3A_252] {strides = array<i32>} : memref<1x1024xi32, #tpu.memory_space<vmem>>, vector<16xi32>,
    tpu.vector_store %arg6[%swap3A_251, %swap3A_252], %get3A_249 {strides = array<i32>} : memref<1x1024xi32, #tpu.memory_space<vmem>>, vector<16xi32>,
    %get3A_254 = arith.constant 4 : i32
    %get3A_255 = arith.index_cast %get3A_254 : i32 to index
    %get3A_256 = arith.constant 0 : index
    %get3A_257 = tpu.vector_load %arg5[%get3A_255, %get3A_256] {strides = array<i32>} : memref<8x128xi32, #tpu.memory_space<vmem>>, vector<16xi32>,
    %swap3A_258 = arith.constant 0 : i32
    %swap3A_259 = arith.index_cast %swap3A_258 : i32 to index
    %swap3A_260 = arith.constant 512 : index
    %swap3A_261 = tpu.vector_load %arg6[%swap3A_259, %swap3A_260] {strides = array<i32>} : memref<1x1024xi32, #tpu.memory_space<vmem>>, vector<16xi32>,
    tpu.vector_store %arg6[%swap3A_259, %swap3A_260], %get3A_257 {strides = array<i32>} : memref<1x1024xi32, #tpu.memory_space<vmem>>, vector<16xi32>,
    %get3A_262 = arith.constant 4 : i32
    %get3A_263 = arith.index_cast %get3A_262 : i32 to index
    %get3A_264 = arith.constant 16 : index
    %get3A_265 = tpu.vector_load %arg5[%get3A_263, %get3A_264] {strides = array<i32>} : memref<8x128xi32, #tpu.memory_space<vmem>>, vector<16xi32>,
    %swap3A_266 = arith.constant 0 : i32
    %swap3A_267 = arith.index_cast %swap3A_266 : i32 to index
    %swap3A_268 = arith.constant 528 : index
    %swap3A_269 = tpu.vector_load %arg6[%swap3A_267, %swap3A_268] {strides = array<i32>} : memref<1x1024xi32, #tpu.memory_space<vmem>>, vector<16xi32>,
    tpu.vector_store %arg6[%swap3A_267, %swap3A_268], %get3A_265 {strides = array<i32>} : memref<1x1024xi32, #tpu.memory_space<vmem>>, vector<16xi32>,
    %get3A_270 = arith.constant 4 : i32
    %get3A_271 = arith.index_cast %get3A_270 : i32 to index
    %get3A_272 = arith.constant 32 : index
    %get3A_273 = tpu.vector_load %arg5[%get3A_271, %get3A_272] {strides = array<i32>} : memref<8x128xi32, #tpu.memory_space<vmem>>, vector<16xi32>,
    %swap3A_274 = arith.constant 0 : i32
    %swap3A_275 = arith.index_cast %swap3A_274 : i32 to index
    %swap3A_276 = arith.constant 544 : index
    %swap3A_277 = tpu.vector_load %arg6[%swap3A_275, %swap3A_276] {strides = array<i32>} : memref<1x1024xi32, #tpu.memory_space<vmem>>, vector<16xi32>,
    tpu.vector_store %arg6[%swap3A_275, %swap3A_276], %get3A_273 {strides = array<i32>} : memref<1x1024xi32, #tpu.memory_space<vmem>>, vector<16xi32>,
    %get3A_278 = arith.constant 4 : i32
    %get3A_279 = arith.index_cast %get3A_278 : i32 to index
    %get3A_280 = arith.constant 48 : index
    %get3A_281 = tpu.vector_load %arg5[%get3A_279, %get3A_280] {strides = array<i32>} : memref<8x128xi32, #tpu.memory_space<vmem>>, vector<16xi32>,
    %swap3A_282 = arith.constant 0 : i32
    %swap3A_283 = arith.index_cast %swap3A_282 : i32 to index
    %swap3A_284 = arith.constant 560 : index
    %swap3A_285 = tpu.vector_load %arg6[%swap3A_283, %swap3A_284] {strides = array<i32>} : memref<1x1024xi32, #tpu.memory_space<vmem>>, vector<16xi32>,
    tpu.vector_store %arg6[%swap3A_283, %swap3A_284], %get3A_281 {strides = array<i32>} : memref<1x1024xi32, #tpu.memory_space<vmem>>, vector<16xi32>,
    %get3A_286 = arith.constant 4 : i32
    %get3A_287 = arith.index_cast %get3A_286 : i32 to index
    %get3A_288 = arith.constant 64 : index
    %get3A_289 = tpu.vector_load %arg5[%get3A_287, %get3A_288] {strides = array<i32>} : memref<8x128xi32, #tpu.memory_space<vmem>>, vector<16xi32>,
    %swap3A_290 = arith.constant 0 : i32
    %swap3A_291 = arith.index_cast %swap3A_290 : i32 to index
    %swap3A_292 = arith.constant 576 : index
    %swap3A_293 = tpu.vector_load %arg6[%swap3A_291, %swap3A_292] {strides = array<i32>} : memref<1x1024xi32, #tpu.memory_space<vmem>>, vector<16xi32>,
    tpu.vector_store %arg6[%swap3A_291, %swap3A_292], %get3A_289 {strides = array<i32>} : memref<1x1024xi32, #tpu.memory_space<vmem>>, vector<16xi32>,
    %get3A_294 = arith.constant 4 : i32
    %get3A_295 = arith.index_cast %get3A_294 : i32 to index
    %get3A_296 = arith.constant 80 : index
    %get3A_297 = tpu.vector_load %arg5[%get3A_295, %get3A_296] {strides = array<i32>} : memref<8x128xi32, #tpu.memory_space<vmem>>, vector<16xi32>,
    %swap3A_298 = arith.constant 0 : i32
    %swap3A_299 = arith.index_cast %swap3A_298 : i32 to index
    %swap3A_300 = arith.constant 592 : index
    %swap3A_301 = tpu.vector_load %arg6[%swap3A_299, %swap3A_300] {strides = array<i32>} : memref<1x1024xi32, #tpu.memory_space<vmem>>, vector<16xi32>,
    tpu.vector_store %arg6[%swap3A_299, %swap3A_300], %get3A_297 {strides = array<i32>} : memref<1x1024xi32, #tpu.memory_space<vmem>>, vector<16xi32>,
    %get3A_302 = arith.constant 4 : i32
    %get3A_303 = arith.index_cast %get3A_302 : i32 to index
    %get3A_304 = arith.constant 96 : index
    %get3A_305 = tpu.vector_load %arg5[%get3A_303, %get3A_304] {strides = array<i32>} : memref<8x128xi32, #tpu.memory_space<vmem>>, vector<16xi32>,
    %swap3A_306 = arith.constant 0 : i32
    %swap3A_307 = arith.index_cast %swap3A_306 : i32 to index
    %swap3A_308 = arith.constant 608 : index
    %swap3A_309 = tpu.vector_load %arg6[%swap3A_307, %swap3A_308] {strides = array<i32>} : memref<1x1024xi32, #tpu.memory_space<vmem>>, vector<16xi32>,
    tpu.vector_store %arg6[%swap3A_307, %swap3A_308], %get3A_305 {strides = array<i32>} : memref<1x1024xi32, #tpu.memory_space<vmem>>, vector<16xi32>,
    %get3A_310 = arith.constant 4 : i32
    %get3A_311 = arith.index_cast %get3A_310 : i32 to index
    %get3A_312 = arith.constant 112 : index
    %get3A_313 = tpu.vector_load %arg5[%get3A_311, %get3A_312] {strides = array<i32>} : memref<8x128xi32, #tpu.memory_space<vmem>>, vector<16xi32>,
    %swap3A_314 = arith.constant 0 : i32
    %swap3A_315 = arith.index_cast %swap3A_314 : i32 to index
    %swap3A_316 = arith.constant 624 : index
    %swap3A_317 = tpu.vector_load %arg6[%swap3A_315, %swap3A_316] {strides = array<i32>} : memref<1x1024xi32, #tpu.memory_space<vmem>>, vector<16xi32>,
    tpu.vector_store %arg6[%swap3A_315, %swap3A_316], %get3A_313 {strides = array<i32>} : memref<1x1024xi32, #tpu.memory_space<vmem>>, vector<16xi32>,
    %get3A_318 = arith.constant 5 : i32
    %get3A_319 = arith.index_cast %get3A_318 : i32 to index
    %get3A_320 = arith.constant 0 : index
    %get3A_321 = tpu.vector_load %arg5[%get3A_319, %get3A_320] {strides = array<i32>} : memref<8x128xi32, #tpu.memory_space<vmem>>, vector<16xi32>,
    %swap3A_322 = arith.constant 0 : i32
    %swap3A_323 = arith.index_cast %swap3A_322 : i32 to index
    %swap3A_324 = arith.constant 640 : index
    %swap3A_325 = tpu.vector_load %arg6[%swap3A_323, %swap3A_324] {strides = array<i32>} : memref<1x1024xi32, #tpu.memory_space<vmem>>, vector<16xi32>,
    tpu.vector_store %arg6[%swap3A_323, %swap3A_324], %get3A_321 {strides = array<i32>} : memref<1x1024xi32, #tpu.memory_space<vmem>>, vector<16xi32>,
    %get3A_326 = arith.constant 5 : i32
    %get3A_327 = arith.index_cast %get3A_326 : i32 to index
    %get3A_328 = arith.constant 16 : index
    %get3A_329 = tpu.vector_load %arg5[%get3A_327, %get3A_328] {strides = array<i32>} : memref<8x128xi32, #tpu.memory_space<vmem>>, vector<16xi32>,
    %swap3A_330 = arith.constant 0 : i32
    %swap3A_331 = arith.index_cast %swap3A_330 : i32 to index
    %swap3A_332 = arith.constant 656 : index
    %swap3A_333 = tpu.vector_load %arg6[%swap3A_331, %swap3A_332] {strides = array<i32>} : memref<1x1024xi32, #tpu.memory_space<vmem>>, vector<16xi32>,
    tpu.vector_store %arg6[%swap3A_331, %swap3A_332], %get3A_329 {strides = array<i32>} : memref<1x1024xi32, #tpu.memory_space<vmem>>, vector<16xi32>,
    %get3A_334 = arith.constant 5 : i32
    %get3A_335 = arith.index_cast %get3A_334 : i32 to index
    %get3A_336 = arith.constant 32 : index
    %get3A_337 = tpu.vector_load %arg5[%get3A_335, %get3A_336] {strides = array<i32>} : memref<8x128xi32, #tpu.memory_space<vmem>>, vector<16xi32>,
    %swap3A_338 = arith.constant 0 : i32
    %swap3A_339 = arith.index_cast %swap3A_338 : i32 to index
    %swap3A_340 = arith.constant 672 : index
    %swap3A_341 = tpu.vector_load %arg6[%swap3A_339, %swap3A_340] {strides = array<i32>} : memref<1x1024xi32, #tpu.memory_space<vmem>>, vector<16xi32>,
    tpu.vector_store %arg6[%swap3A_339, %swap3A_340], %get3A_337 {strides = array<i32>} : memref<1x1024xi32, #tpu.memory_space<vmem>>, vector<16xi32>,
    %get3A_342 = arith.constant 5 : i32
    %get3A_343 = arith.index_cast %get3A_342 : i32 to index
    %get3A_344 = arith.constant 48 : index
    %get3A_345 = tpu.vector_load %arg5[%get3A_343, %get3A_344] {strides = array<i32>} : memref<8x128xi32, #tpu.memory_space<vmem>>, vector<16xi32>,
    %swap3A_346 = arith.constant 0 : i32
    %swap3A_347 = arith.index_cast %swap3A_346 : i32 to index
    %swap3A_348 = arith.constant 688 : index
    %swap3A_349 = tpu.vector_load %arg6[%swap3A_347, %swap3A_348] {strides = array<i32>} : memref<1x1024xi32, #tpu.memory_space<vmem>>, vector<16xi32>,
    tpu.vector_store %arg6[%swap3A_347, %swap3A_348], %get3A_345 {strides = array<i32>} : memref<1x1024xi32, #tpu.memory_space<vmem>>, vector<16xi32>,
    %get3A_350 = arith.constant 5 : i32
    %get3A_351 = arith.index_cast %get3A_350 : i32 to index
    %get3A_352 = arith.constant 64 : index
    %get3A_353 = tpu.vector_load %arg5[%get3A_351, %get3A_352] {strides = array<i32>} : memref<8x128xi32, #tpu.memory_space<vmem>>, vector<16xi32>,
    %swap3A_354 = arith.constant 0 : i32
    %swap3A_355 = arith.index_cast %swap3A_354 : i32 to index
    %swap3A_356 = arith.constant 704 : index
    %swap3A_357 = tpu.vector_load %arg6[%swap3A_355, %swap3A_356] {strides = array<i32>} : memref<1x1024xi32, #tpu.memory_space<vmem>>, vector<16xi32>,
    tpu.vector_store %arg6[%swap3A_355, %swap3A_356], %get3A_353 {strides = array<i32>} : memref<1x1024xi32, #tpu.memory_space<vmem>>, vector<16xi32>,
    %get3A_358 = arith.constant 5 : i32
    %get3A_359 = arith.index_cast %get3A_358 : i32 to index
    %get3A_360 = arith.constant 80 : index
    %get3A_361 = tpu.vector_load %arg5[%get3A_359, %get3A_360] {strides = array<i32>} : memref<8x128xi32, #tpu.memory_space<vmem>>, vector<16xi32>,
    %swap3A_362 = arith.constant 0 : i32
    %swap3A_363 = arith.index_cast %swap3A_362 : i32 to index
    %swap3A_364 = arith.constant 720 : index
    %swap3A_365 = tpu.vector_load %arg6[%swap3A_363, %swap3A_364] {strides = array<i32>} : memref<1x1024xi32, #tpu.memory_space<vmem>>, vector<16xi32>,
    tpu.vector_store %arg6[%swap3A_363, %swap3A_364], %get3A_361 {strides = array<i32>} : memref<1x1024xi32, #tpu.memory_space<vmem>>, vector<16xi32>,
    %get3A_366 = arith.constant 5 : i32
    %get3A_367 = arith.index_cast %get3A_366 : i32 to index
    %get3A_368 = arith.constant 96 : index
    %get3A_369 = tpu.vector_load %arg5[%get3A_367, %get3A_368] {strides = array<i32>} : memref<8x128xi32, #tpu.memory_space<vmem>>, vector<16xi32>,
    %swap3A_370 = arith.constant 0 : i32
    %swap3A_371 = arith.index_cast %swap3A_370 : i32 to index
    %swap3A_372 = arith.constant 736 : index
    %swap3A_373 = tpu.vector_load %arg6[%swap3A_371, %swap3A_372] {strides = array<i32>} : memref<1x1024xi32, #tpu.memory_space<vmem>>, vector<16xi32>,
    tpu.vector_store %arg6[%swap3A_371, %swap3A_372], %get3A_369 {strides = array<i32>} : memref<1x1024xi32, #tpu.memory_space<vmem>>, vector<16xi32>,
    %get3A_374 = arith.constant 5 : i32
    %get3A_375 = arith.index_cast %get3A_374 : i32 to index
    %get3A_376 = arith.constant 112 : index
    %get3A_377 = tpu.vector_load %arg5[%get3A_375, %get3A_376] {strides = array<i32>} : memref<8x128xi32, #tpu.memory_space<vmem>>, vector<16xi32>,
    %swap3A_378 = arith.constant 0 : i32
    %swap3A_379 = arith.index_cast %swap3A_378 : i32 to index
    %swap3A_380 = arith.constant 752 : index
    %swap3A_381 = tpu.vector_load %arg6[%swap3A_379, %swap3A_380] {strides = array<i32>} : memref<1x1024xi32, #tpu.memory_space<vmem>>, vector<16xi32>,
    tpu.vector_store %arg6[%swap3A_379, %swap3A_380], %get3A_377 {strides = array<i32>} : memref<1x1024xi32, #tpu.memory_space<vmem>>, vector<16xi32>,
    %get3A_382 = arith.constant 6 : i32
    %get3A_383 = arith.index_cast %get3A_382 : i32 to index
    %get3A_384 = arith.constant 0 : index
    %get3A_385 = tpu.vector_load %arg5[%get3A_383, %get3A_384] {strides = array<i32>} : memref<8x128xi32, #tpu.memory_space<vmem>>, vector<16xi32>,
    %swap3A_386 = arith.constant 0 : i32
    %swap3A_387 = arith.index_cast %swap3A_386 : i32 to index
    %swap3A_388 = arith.constant 768 : index
    %swap3A_389 = tpu.vector_load %arg6[%swap3A_387, %swap3A_388] {strides = array<i32>} : memref<1x1024xi32, #tpu.memory_space<vmem>>, vector<16xi32>,
    tpu.vector_store %arg6[%swap3A_387, %swap3A_388], %get3A_385 {strides = array<i32>} : memref<1x1024xi32, #tpu.memory_space<vmem>>, vector<16xi32>,
    %get3A_390 = arith.constant 6 : i32
    %get3A_391 = arith.index_cast %get3A_390 : i32 to index
    %get3A_392 = arith.constant 16 : index
    %get3A_393 = tpu.vector_load %arg5[%get3A_391, %get3A_392] {strides = array<i32>} : memref<8x128xi32, #tpu.memory_space<vmem>>, vector<16xi32>,
    %swap3A_394 = arith.constant 0 : i32
    %swap3A_395 = arith.index_cast %swap3A_394 : i32 to index
    %swap3A_396 = arith.constant 784 : index
    %swap3A_397 = tpu.vector_load %arg6[%swap3A_395, %swap3A_396] {strides = array<i32>} : memref<1x1024xi32, #tpu.memory_space<vmem>>, vector<16xi32>,
    tpu.vector_store %arg6[%swap3A_395, %swap3A_396], %get3A_393 {strides = array<i32>} : memref<1x1024xi32, #tpu.memory_space<vmem>>, vector<16xi32>,
    %get3A_398 = arith.constant 6 : i32
    %get3A_399 = arith.index_cast %get3A_398 : i32 to index
    %get3A_400 = arith.constant 32 : index
    %get3A_401 = tpu.vector_load %arg5[%get3A_399, %get3A_400] {strides = array<i32>} : memref<8x128xi32, #tpu.memory_space<vmem>>, vector<16xi32>,
    %swap3A_402 = arith.constant 0 : i32
    %swap3A_403 = arith.index_cast %swap3A_402 : i32 to index
    %swap3A_404 = arith.constant 800 : index
    %swap3A_405 = tpu.vector_load %arg6[%swap3A_403, %swap3A_404] {strides = array<i32>} : memref<1x1024xi32, #tpu.memory_space<vmem>>, vector<16xi32>,
    tpu.vector_store %arg6[%swap3A_403, %swap3A_404], %get3A_401 {strides = array<i32>} : memref<1x1024xi32, #tpu.memory_space<vmem>>, vector<16xi32>,
    %get3A_406 = arith.constant 6 : i32
    %get3A_407 = arith.index_cast %get3A_406 : i32 to index
    %get3A_408 = arith.constant 48 : index
    %get3A_409 = tpu.vector_load %arg5[%get3A_407, %get3A_408] {strides = array<i32>} : memref<8x128xi32, #tpu.memory_space<vmem>>, vector<16xi32>,
    %swap3A_410 = arith.constant 0 : i32
    %swap3A_411 = arith.index_cast %swap3A_410 : i32 to index
    %swap3A_412 = arith.constant 816 : index
    %swap3A_413 = tpu.vector_load %arg6[%swap3A_411, %swap3A_412] {strides = array<i32>} : memref<1x1024xi32, #tpu.memory_space<vmem>>, vector<16xi32>,
    tpu.vector_store %arg6[%swap3A_411, %swap3A_412], %get3A_409 {strides = array<i32>} : memref<1x1024xi32, #tpu.memory_space<vmem>>, vector<16xi32>,
    %get3A_414 = arith.constant 6 : i32
    %get3A_415 = arith.index_cast %get3A_414 : i32 to index
    %get3A_416 = arith.constant 64 : index
    %get3A_417 = tpu.vector_load %arg5[%get3A_415, %get3A_416] {strides = array<i32>} : memref<8x128xi32, #tpu.memory_space<vmem>>, vector<16xi32>,
    %swap3A_418 = arith.constant 0 : i32
    %swap3A_419 = arith.index_cast %swap3A_418 : i32 to index
    %swap3A_420 = arith.constant 832 : index
    %swap3A_421 = tpu.vector_load %arg6[%swap3A_419, %swap3A_420] {strides = array<i32>} : memref<1x1024xi32, #tpu.memory_space<vmem>>, vector<16xi32>,
    tpu.vector_store %arg6[%swap3A_419, %swap3A_420], %get3A_417 {strides = array<i32>} : memref<1x1024xi32, #tpu.memory_space<vmem>>, vector<16xi32>,
    %get3A_422 = arith.constant 6 : i32
    %get3A_423 = arith.index_cast %get3A_422 : i32 to index
    %get3A_424 = arith.constant 80 : index
    %get3A_425 = tpu.vector_load %arg5[%get3A_423, %get3A_424] {strides = array<i32>} : memref<8x128xi32, #tpu.memory_space<vmem>>, vector<16xi32>,
    %swap3A_426 = arith.constant 0 : i32
    %swap3A_427 = arith.index_cast %swap3A_426 : i32 to index
    %swap3A_428 = arith.constant 848 : index
    %swap3A_429 = tpu.vector_load %arg6[%swap3A_427, %swap3A_428] {strides = array<i32>} : memref<1x1024xi32, #tpu.memory_space<vmem>>, vector<16xi32>,
    tpu.vector_store %arg6[%swap3A_427, %swap3A_428], %get3A_425 {strides = array<i32>} : memref<1x1024xi32, #tpu.memory_space<vmem>>, vector<16xi32>,
    %get3A_430 = arith.constant 6 : i32
    %get3A_431 = arith.index_cast %get3A_430 : i32 to index
    %get3A_432 = arith.constant 96 : index
    %get3A_433 = tpu.vector_load %arg5[%get3A_431, %get3A_432] {strides = array<i32>} : memref<8x128xi32, #tpu.memory_space<vmem>>, vector<16xi32>,
    %swap3A_434 = arith.constant 0 : i32
    %swap3A_435 = arith.index_cast %swap3A_434 : i32 to index
    %swap3A_436 = arith.constant 864 : index
    %swap3A_437 = tpu.vector_load %arg6[%swap3A_435, %swap3A_436] {strides = array<i32>} : memref<1x1024xi32, #tpu.memory_space<vmem>>, vector<16xi32>,
    tpu.vector_store %arg6[%swap3A_435, %swap3A_436], %get3A_433 {strides = array<i32>} : memref<1x1024xi32, #tpu.memory_space<vmem>>, vector<16xi32>,
    %get3A_438 = arith.constant 6 : i32
    %get3A_439 = arith.index_cast %get3A_438 : i32 to index
    %get3A_440 = arith.constant 112 : index
    %get3A_441 = tpu.vector_load %arg5[%get3A_439, %get3A_440] {strides = array<i32>} : memref<8x128xi32, #tpu.memory_space<vmem>>, vector<16xi32>,
    %swap3A_442 = arith.constant 0 : i32
    %swap3A_443 = arith.index_cast %swap3A_442 : i32 to index
    %swap3A_444 = arith.constant 880 : index
    %swap3A_445 = tpu.vector_load %arg6[%swap3A_443, %swap3A_444] {strides = array<i32>} : memref<1x1024xi32, #tpu.memory_space<vmem>>, vector<16xi32>,
    tpu.vector_store %arg6[%swap3A_443, %swap3A_444], %get3A_441 {strides = array<i32>} : memref<1x1024xi32, #tpu.memory_space<vmem>>, vector<16xi32>,
    %get3A_446 = arith.constant 7 : i32
    %get3A_447 = arith.index_cast %get3A_446 : i32 to index
    %get3A_448 = arith.constant 0 : index
    %get3A_449 = tpu.vector_load %arg5[%get3A_447, %get3A_448] {strides = array<i32>} : memref<8x128xi32, #tpu.memory_space<vmem>>, vector<16xi32>,
    %swap3A_450 = arith.constant 0 : i32
    %swap3A_451 = arith.index_cast %swap3A_450 : i32 to index
    %swap3A_452 = arith.constant 896 : index
    %swap3A_453 = tpu.vector_load %arg6[%swap3A_451, %swap3A_452] {strides = array<i32>} : memref<1x1024xi32, #tpu.memory_space<vmem>>, vector<16xi32>,
    tpu.vector_store %arg6[%swap3A_451, %swap3A_452], %get3A_449 {strides = array<i32>} : memref<1x1024xi32, #tpu.memory_space<vmem>>, vector<16xi32>,
    %get3A_454 = arith.constant 7 : i32
    %get3A_455 = arith.index_cast %get3A_454 : i32 to index
    %get3A_456 = arith.constant 16 : index
    %get3A_457 = tpu.vector_load %arg5[%get3A_455, %get3A_456] {strides = array<i32>} : memref<8x128xi32, #tpu.memory_space<vmem>>, vector<16xi32>,
    %swap3A_458 = arith.constant 0 : i32
    %swap3A_459 = arith.index_cast %swap3A_458 : i32 to index
    %swap3A_460 = arith.constant 912 : index
    %swap3A_461 = tpu.vector_load %arg6[%swap3A_459, %swap3A_460] {strides = array<i32>} : memref<1x1024xi32, #tpu.memory_space<vmem>>, vector<16xi32>,
    tpu.vector_store %arg6[%swap3A_459, %swap3A_460], %get3A_457 {strides = array<i32>} : memref<1x1024xi32, #tpu.memory_space<vmem>>, vector<16xi32>,
    %get3A_462 = arith.constant 7 : i32
    %get3A_463 = arith.index_cast %get3A_462 : i32 to index
    %get3A_464 = arith.constant 32 : index
    %get3A_465 = tpu.vector_load %arg5[%get3A_463, %get3A_464] {strides = array<i32>} : memref<8x128xi32, #tpu.memory_space<vmem>>, vector<16xi32>,
    %swap3A_466 = arith.constant 0 : i32
    %swap3A_467 = arith.index_cast %swap3A_466 : i32 to index
    %swap3A_468 = arith.constant 928 : index
    %swap3A_469 = tpu.vector_load %arg6[%swap3A_467, %swap3A_468] {strides = array<i32>} : memref<1x1024xi32, #tpu.memory_space<vmem>>, vector<16xi32>,
    tpu.vector_store %arg6[%swap3A_467, %swap3A_468], %get3A_465 {strides = array<i32>} : memref<1x1024xi32, #tpu.memory_space<vmem>>, vector<16xi32>,
    %get3A_470 = arith.constant 7 : i32
    %get3A_471 = arith.index_cast %get3A_470 : i32 to index
    %get3A_472 = arith.constant 48 : index
    %get3A_473 = tpu.vector_load %arg5[%get3A_471, %get3A_472] {strides = array<i32>} : memref<8x128xi32, #tpu.memory_space<vmem>>, vector<16xi32>,
    %swap3A_474 = arith.constant 0 : i32
    %swap3A_475 = arith.index_cast %swap3A_474 : i32 to index
    %swap3A_476 = arith.constant 944 : index
    %swap3A_477 = tpu.vector_load %arg6[%swap3A_475, %swap3A_476] {strides = array<i32>} : memref<1x1024xi32, #tpu.memory_space<vmem>>, vector<16xi32>,
    tpu.vector_store %arg6[%swap3A_475, %swap3A_476], %get3A_473 {strides = array<i32>} : memref<1x1024xi32, #tpu.memory_space<vmem>>, vector<16xi32>,
    %get3A_478 = arith.constant 7 : i32
    %get3A_479 = arith.index_cast %get3A_478 : i32 to index
    %get3A_480 = arith.constant 64 : index
    %get3A_481 = tpu.vector_load %arg5[%get3A_479, %get3A_480] {strides = array<i32>} : memref<8x128xi32, #tpu.memory_space<vmem>>, vector<16xi32>,
    %swap3A_482 = arith.constant 0 : i32
    %swap3A_483 = arith.index_cast %swap3A_482 : i32 to index
    %swap3A_484 = arith.constant 960 : index
    %swap3A_485 = tpu.vector_load %arg6[%swap3A_483, %swap3A_484] {strides = array<i32>} : memref<1x1024xi32, #tpu.memory_space<vmem>>, vector<16xi32>,
    tpu.vector_store %arg6[%swap3A_483, %swap3A_484], %get3A_481 {strides = array<i32>} : memref<1x1024xi32, #tpu.memory_space<vmem>>, vector<16xi32>,
    %get3A_486 = arith.constant 7 : i32
    %get3A_487 = arith.index_cast %get3A_486 : i32 to index
    %get3A_488 = arith.constant 80 : index
    %get3A_489 = tpu.vector_load %arg5[%get3A_487, %get3A_488] {strides = array<i32>} : memref<8x128xi32, #tpu.memory_space<vmem>>, vector<16xi32>,
    %swap3A_490 = arith.constant 0 : i32
    %swap3A_491 = arith.index_cast %swap3A_490 : i32 to index
    %swap3A_492 = arith.constant 976 : index
    %swap3A_493 = tpu.vector_load %arg6[%swap3A_491, %swap3A_492] {strides = array<i32>} : memref<1x1024xi32, #tpu.memory_space<vmem>>, vector<16xi32>,
    tpu.vector_store %arg6[%swap3A_491, %swap3A_492], %get3A_489 {strides = array<i32>} : memref<1x1024xi32, #tpu.memory_space<vmem>>, vector<16xi32>,
    %get3A_494 = arith.constant 7 : i32
    %get3A_495 = arith.index_cast %get3A_494 : i32 to index
    %get3A_496 = arith.constant 96 : index
    %get3A_497 = tpu.vector_load %arg5[%get3A_495, %get3A_496] {strides = array<i32>} : memref<8x128xi32, #tpu.memory_space<vmem>>, vector<16xi32>,
    %swap3A_498 = arith.constant 0 : i32
    %swap3A_499 = arith.index_cast %swap3A_498 : i32 to index
    %swap3A_500 = arith.constant 992 : index
    %swap3A_501 = tpu.vector_load %arg6[%swap3A_499, %swap3A_500] {strides = array<i32>} : memref<1x1024xi32, #tpu.memory_space<vmem>>, vector<16xi32>,
    tpu.vector_store %arg6[%swap3A_499, %swap3A_500], %get3A_497 {strides = array<i32>} : memref<1x1024xi32, #tpu.memory_space<vmem>>, vector<16xi32>,
    %get3A_502 = arith.constant 7 : i32
    %get3A_503 = arith.index_cast %get3A_502 : i32 to index
    %get3A_504 = arith.constant 112 : index
    %get3A_505 = tpu.vector_load %arg5[%get3A_503, %get3A_504] {strides = array<i32>} : memref<8x128xi32, #tpu.memory_space<vmem>>, vector<16xi32>,
    %swap3A_506 = arith.constant 0 : i32
    %swap3A_507 = arith.index_cast %swap3A_506 : i32 to index
    %swap3A_508 = arith.constant 1008 : index
    %swap3A_509 = tpu.vector_load %arg6[%swap3A_507, %swap3A_508] {strides = array<i32>} : memref<1x1024xi32, #tpu.memory_space<vmem>>, vector<16xi32>,
    tpu.vector_store %arg6[%swap3A_507, %swap3A_508], %get3A_505 {strides = array<i32>} : memref<1x1024xi32, #tpu.memory_space<vmem>>, vector<16xi32>,
    %mul3A = arith.constant 2 : i32
    %mul3A_510 = arith.muli %arg1, %mul3A : i32
    %add3A = arith.addi %mul3A_510, %arg0 : i32
    %mul3A_511 = arith.constant 512 : i32
    %mul3A_512 = arith.muli %add3A, %mul3A_511 : i32
    %add3A_513 = arith.constant 0 : i32
    %add3A_514 = arith.addi %mul3A_512, %add3A_513 : i32
    %add3A_515 = arith.constant 0 : i32
    %add3A_516 = arith.addi %add3A_514, %add3A_515 : i32
    %add3A_517 = arith.constant 2 : i32
    %add3A_518 = arith.addi %add3A_514, %add3A_517 : i32
    %add3A_519 = arith.constant 4 : i32
    %add3A_520 = arith.addi %add3A_514, %add3A_519 : i32
    %add3A_521 = arith.constant 6 : i32
    %add3A_522 = arith.addi %add3A_514, %add3A_521 : i32
    %dma_start3A = arith.constant 0 : i32
    %dma_start3A_523 = arith.constant 0 : i32
    %dma_start3A_524 = arith.constant 0 : i32
    %dma_start3A_525 = tpu.memref_slice %arg7[%dma_start3A, %dma_start3A_523, %dma_start3A_524] : memref<2x8x4096xf32, #tpu.memory_space<vmem>> -> memref<1x8x4096xf32, #tpu.memory_space<vmem>>
    %dma_start3A_526 = tpu.memref_squeeze %dma_start3A_525 : memref<1x8x4096xf32, #tpu.memory_space<vmem>> -> memref<8x4096xf32, #tpu.memory_space<vmem>>
    %dma_start3A_527 = arith.constant 0 : i32
    %dma_start3A_528 = arith.constant 0 : i32
    %dma_start3A_529 = tpu.memref_slice %dma_start3A_526[%dma_start3A_527, %dma_start3A_528] : memref<8x4096xf32, #tpu.memory_space<vmem>> -> memref<2x4096xf32, #tpu.memory_space<vmem>>
    %dma_start3A_530 = arith.constant 0 : i32
    %dma_start3A_531 = tpu.memref_slice %arg3[%add3A_516, %dma_start3A_530] : memref<16384x4096xf32, #tpu.memory_space<hbm>> -> memref<2x4096xf32, #tpu.memory_space<hbm>>
    %dma_start3A_532 = arith.constant 0 : i32
    %dma_start3A_533 = arith.constant 0 : i32
    %dma_start3A_534 = tpu.memref_slice %arg7[%dma_start3A, %dma_start3A_532, %dma_start3A_533] : memref<2x8x4096xf32, #tpu.memory_space<vmem>> -> memref<1x8x4096xf32, #tpu.memory_space<vmem>>
    %dma_start3A_535 = tpu.memref_squeeze %dma_start3A_534 : memref<1x8x4096xf32, #tpu.memory_space<vmem>> -> memref<8x4096xf32, #tpu.memory_space<vmem>>
    %dma_start3A_536 = arith.constant 0 : i32
    %dma_start3A_537 = arith.constant 0 : i32
    %dma_start3A_538 = tpu.memref_slice %dma_start3A_535[%dma_start3A_536, %dma_start3A_537] : memref<8x4096xf32, #tpu.memory_space<vmem>> -> memref<2x4096xf32, #tpu.memory_space<vmem>>
    %dma_start3A_539 = arith.constant 0 : i32
    %dma_start3A_540 = tpu.memref_slice %arg3[%add3A_516, %dma_start3A_539] : memref<16384x4096xf32, #tpu.memory_space<hbm>> -> memref<2x4096xf32, #tpu.memory_space<hbm>>
    tpu.enqueue_dma source(%dma_start3A_540 : memref<2x4096xf32, #tpu.memory_space<hbm>>) target(%dma_start3A_538 : memref<2x4096xf32, #tpu.memory_space<vmem>>) target_semaphore(%arg9 : memref<!tpu.dma_semaphore, #tpu.memory_space<semaphore_mem>>)
    %dma_start3A_541 = arith.constant 0 : i32
    %dma_start3A_542 = arith.constant 0 : i32
    %dma_start3A_543 = arith.constant 0 : i32
    %dma_start3A_544 = tpu.memref_slice %arg7[%dma_start3A_541, %dma_start3A_542, %dma_start3A_543] : memref<2x8x4096xf32, #tpu.memory_space<vmem>> -> memref<1x8x4096xf32, #tpu.memory_space<vmem>>
    %dma_start3A_545 = tpu.memref_squeeze %dma_start3A_544 : memref<1x8x4096xf32, #tpu.memory_space<vmem>> -> memref<8x4096xf32, #tpu.memory_space<vmem>>
    %dma_start3A_546 = arith.constant 2 : i32
    %dma_start3A_547 = arith.constant 0 : i32
    %dma_start3A_548 = tpu.memref_slice %dma_start3A_545[%dma_start3A_546, %dma_start3A_547] : memref<8x4096xf32, #tpu.memory_space<vmem>> -> memref<2x4096xf32, #tpu.memory_space<vmem>>
    %dma_start3A_549 = arith.constant 0 : i32
    %dma_start3A_550 = tpu.memref_slice %arg3[%add3A_518, %dma_start3A_549] : memref<16384x4096xf32, #tpu.memory_space<hbm>> -> memref<2x4096xf32, #tpu.memory_space<hbm>>
    %dma_start3A_551 = arith.constant 0 : i32
    %dma_start3A_552 = arith.constant 0 : i32
    %dma_start3A_553 = tpu.memref_slice %arg7[%dma_start3A_541, %dma_start3A_551, %dma_start3A_552] : memref<2x8x4096xf32, #tpu.memory_space<vmem>> -> memref<1x8x4096xf32, #tpu.memory_space<vmem>>
    %dma_start3A_554 = tpu.memref_squeeze %dma_start3A_553 : memref<1x8x4096xf32, #tpu.memory_space<vmem>> -> memref<8x4096xf32, #tpu.memory_space<vmem>>
    %dma_start3A_555 = arith.constant 2 : i32
    %dma_start3A_556 = arith.constant 0 : i32
    %dma_start3A_557 = tpu.memref_slice %dma_start3A_554[%dma_start3A_555, %dma_start3A_556] : memref<8x4096xf32, #tpu.memory_space<vmem>> -> memref<2x4096xf32, #tpu.memory_space<vmem>>
    %dma_start3A_558 = arith.constant 0 : i32
    %dma_start3A_559 = tpu.memref_slice %arg3[%add3A_518, %dma_start3A_558] : memref<16384x4096xf32, #tpu.memory_space<hbm>> -> memref<2x4096xf32, #tpu.memory_space<hbm>>
    tpu.enqueue_dma source(%dma_start3A_559 : memref<2x4096xf32, #tpu.memory_space<hbm>>) target(%dma_start3A_557 : memref<2x4096xf32, #tpu.memory_space<vmem>>) target_semaphore(%arg10 : memref<!tpu.dma_semaphore, #tpu.memory_space<semaphore_mem>>)
    %dma_start3A_560 = arith.constant 0 : i32
    %dma_start3A_561 = arith.constant 0 : i32
    %dma_start3A_562 = arith.constant 0 : i32
    %dma_start3A_563 = tpu.memref_slice %arg7[%dma_start3A_560, %dma_start3A_561, %dma_start3A_562] : memref<2x8x4096xf32, #tpu.memory_space<vmem>> -> memref<1x8x4096xf32, #tpu.memory_space<vmem>>
    %dma_start3A_564 = tpu.memref_squeeze %dma_start3A_563 : memref<1x8x4096xf32, #tpu.memory_space<vmem>> -> memref<8x4096xf32, #tpu.memory_space<vmem>>
    %dma_start3A_565 = arith.constant 4 : i32
    %dma_start3A_566 = arith.constant 0 : i32
    %dma_start3A_567 = tpu.memref_slice %dma_start3A_564[%dma_start3A_565, %dma_start3A_566] : memref<8x4096xf32, #tpu.memory_space<vmem>> -> memref<2x4096xf32, #tpu.memory_space<vmem>>
    %dma_start3A_568 = arith.constant 0 : i32
    %dma_start3A_569 = tpu.memref_slice %arg3[%add3A_520, %dma_start3A_568] : memref<16384x4096xf32, #tpu.memory_space<hbm>> -> memref<2x4096xf32, #tpu.memory_space<hbm>>
    %dma_start3A_570 = arith.constant 0 : i32
    %dma_start3A_571 = arith.constant 0 : i32
    %dma_start3A_572 = tpu.memref_slice %arg7[%dma_start3A_560, %dma_start3A_570, %dma_start3A_571] : memref<2x8x4096xf32, #tpu.memory_space<vmem>> -> memref<1x8x4096xf32, #tpu.memory_space<vmem>>
    %dma_start3A_573 = tpu.memref_squeeze %dma_start3A_572 : memref<1x8x4096xf32, #tpu.memory_space<vmem>> -> memref<8x4096xf32, #tpu.memory_space<vmem>>
    %dma_start3A_574 = arith.constant 4 : i32
    %dma_start3A_575 = arith.constant 0 : i32
    %dma_start3A_576 = tpu.memref_slice %dma_start3A_573[%dma_start3A_574, %dma_start3A_575] : memref<8x4096xf32, #tpu.memory_space<vmem>> -> memref<2x4096xf32, #tpu.memory_space<vmem>>
    %dma_start3A_577 = arith.constant 0 : i32
    %dma_start3A_578 = tpu.memref_slice %arg3[%add3A_520, %dma_start3A_577] : memref<16384x4096xf32, #tpu.memory_space<hbm>> -> memref<2x4096xf32, #tpu.memory_space<hbm>>
    tpu.enqueue_dma source(%dma_start3A_578 : memref<2x4096xf32, #tpu.memory_space<hbm>>) target(%dma_start3A_576 : memref<2x4096xf32, #tpu.memory_space<vmem>>) target_semaphore(%arg11 : memref<!tpu.dma_semaphore, #tpu.memory_space<semaphore_mem>>)
    %dma_start3A_579 = arith.constant 0 : i32
    %dma_start3A_580 = arith.constant 0 : i32
    %dma_start3A_581 = arith.constant 0 : i32
    %dma_start3A_582 = tpu.memref_slice %arg7[%dma_start3A_579, %dma_start3A_580, %dma_start3A_581] : memref<2x8x4096xf32, #tpu.memory_space<vmem>> -> memref<1x8x4096xf32, #tpu.memory_space<vmem>>
    %dma_start3A_583 = tpu.memref_squeeze %dma_start3A_582 : memref<1x8x4096xf32, #tpu.memory_space<vmem>> -> memref<8x4096xf32, #tpu.memory_space<vmem>>
    %dma_start3A_584 = arith.constant 6 : i32
    %dma_start3A_585 = arith.constant 0 : i32
    %dma_start3A_586 = tpu.memref_slice %dma_start3A_583[%dma_start3A_584, %dma_start3A_585] : memref<8x4096xf32, #tpu.memory_space<vmem>> -> memref<2x4096xf32, #tpu.memory_space<vmem>>
    %dma_start3A_587 = arith.constant 0 : i32
    %dma_start3A_588 = tpu.memref_slice %arg3[%add3A_522, %dma_start3A_587] : memref<16384x4096xf32, #tpu.memory_space<hbm>> -> memref<2x4096xf32, #tpu.memory_space<hbm>>
    %dma_start3A_589 = arith.constant 0 : i32
    %dma_start3A_590 = arith.constant 0 : i32
    %dma_start3A_591 = tpu.memref_slice %arg7[%dma_start3A_579, %dma_start3A_589, %dma_start3A_590] : memref<2x8x4096xf32, #tpu.memory_space<vmem>> -> memref<1x8x4096xf32, #tpu.memory_space<vmem>>
    %dma_start3A_592 = tpu.memref_squeeze %dma_start3A_591 : memref<1x8x4096xf32, #tpu.memory_space<vmem>> -> memref<8x4096xf32, #tpu.memory_space<vmem>>
    %dma_start3A_593 = arith.constant 6 : i32
    %dma_start3A_594 = arith.constant 0 : i32
    %dma_start3A_595 = tpu.memref_slice %dma_start3A_592[%dma_start3A_593, %dma_start3A_594] : memref<8x4096xf32, #tpu.memory_space<vmem>> -> memref<2x4096xf32, #tpu.memory_space<vmem>>
    %dma_start3A_596 = arith.constant 0 : i32
    %dma_start3A_597 = tpu.memref_slice %arg3[%add3A_522, %dma_start3A_596] : memref<16384x4096xf32, #tpu.memory_space<hbm>> -> memref<2x4096xf32, #tpu.memory_space<hbm>>
    tpu.enqueue_dma source(%dma_start3A_597 : memref<2x4096xf32, #tpu.memory_space<hbm>>) target(%dma_start3A_595 : memref<2x4096xf32, #tpu.memory_space<vmem>>) target_semaphore(%arg12 : memref<!tpu.dma_semaphore, #tpu.memory_space<semaphore_mem>>)
    %scan3A = arith.constant 0 : i32
    %scan3A_598 = arith.constant 0 : i32
    %scan3A_599 = arith.constant 32 : i32
    %scan3A_600 = arith.addi %scan3A_598, %scan3A_599 : i32
    %scan3A_601 = arith.constant 1 : i32
    scf.for %scan3A_734 = %scan3A_598 to %scan3A_600 step %scan3A_601  : i32 {
      %mul3A_735 = arith.constant 2 : i32
      %mul3A_736 = arith.muli %scan3A_734, %mul3A_735 : i32
      %add3A_737 = arith.constant 0 : i32
      %add3A_738 = arith.addi %add3A_737, %mul3A_736 : i32
      %add3A_739 = arith.constant 0 : i32
      %add3A_740 = arith.addi %add3A_738, %add3A_739 : i32
      %add3A_741 = arith.constant 1 : i32
      %add3A_742 = arith.addi %add3A_740, %add3A_741 : i32
      %lt3A = arith.constant 64 : i32
      %lt3A_743 = arith.cmpi slt, %add3A_742, %lt3A : i32
      %convert_element_type3A = arith.extui %lt3A_743 : i1 to i32
      %cond3A = arith.constant 0 : i32
      %cond3A_744 = arith.cmpi ne, %convert_element_type3A, %cond3A : i32
      scf.if %cond3A_744 {
        %add3A_957 = arith.constant 1 : i32
        %add3A_958 = arith.addi %add3A_740, %add3A_957 : i32
        %mul3A_959 = arith.constant 8 : i32
        %mul3A_960 = arith.muli %add3A_958, %mul3A_959 : i32
        %add3A_961 = arith.addi %mul3A_512, %mul3A_960 : i32
        %add3A_962 = arith.constant 0 : i32
        %add3A_963 = arith.addi %add3A_961, %add3A_962 : i32
        %add3A_964 = arith.constant 2 : i32
        %add3A_965 = arith.addi %add3A_961, %add3A_964 : i32
        %add3A_966 = arith.constant 4 : i32
        %add3A_967 = arith.addi %add3A_961, %add3A_966 : i32
        %add3A_968 = arith.constant 6 : i32
        %add3A_969 = arith.addi %add3A_961, %add3A_968 : i32
        %dma_start3A_970 = arith.constant 1 : i32
        %dma_start3A_971 = arith.constant 0 : i32
        %dma_start3A_972 = arith.constant 0 : i32
        %dma_start3A_973 = tpu.memref_slice %arg7[%dma_start3A_970, %dma_start3A_971, %dma_start3A_972] : memref<2x8x4096xf32, #tpu.memory_space<vmem>> -> memref<1x8x4096xf32, #tpu.memory_space<vmem>>
        %dma_start3A_974 = tpu.memref_squeeze %dma_start3A_973 : memref<1x8x4096xf32, #tpu.memory_space<vmem>> -> memref<8x4096xf32, #tpu.memory_space<vmem>>
        %dma_start3A_975 = arith.constant 0 : i32
        %dma_start3A_976 = arith.constant 0 : i32
        %dma_start3A_977 = tpu.memref_slice %dma_start3A_974[%dma_start3A_975, %dma_start3A_976] : memref<8x4096xf32, #tpu.memory_space<vmem>> -> memref<2x4096xf32, #tpu.memory_space<vmem>>
        %dma_start3A_978 = arith.constant 0 : i32
        %dma_start3A_979 = tpu.memref_slice %arg3[%add3A_963, %dma_start3A_978] : memref<16384x4096xf32, #tpu.memory_space<hbm>> -> memref<2x4096xf32, #tpu.memory_space<hbm>>
        %dma_start3A_980 = arith.constant 0 : i32
        %dma_start3A_981 = arith.constant 0 : i32
        %dma_start3A_982 = tpu.memref_slice %arg7[%dma_start3A_970, %dma_start3A_980, %dma_start3A_981] : memref<2x8x4096xf32, #tpu.memory_space<vmem>> -> memref<1x8x4096xf32, #tpu.memory_space<vmem>>
        %dma_start3A_983 = tpu.memref_squeeze %dma_start3A_982 : memref<1x8x4096xf32, #tpu.memory_space<vmem>> -> memref<8x4096xf32, #tpu.memory_space<vmem>>
        %dma_start3A_984 = arith.constant 0 : i32
        %dma_start3A_985 = arith.constant 0 : i32
        %dma_start3A_986 = tpu.memref_slice %dma_start3A_983[%dma_start3A_984, %dma_start3A_985] : memref<8x4096xf32, #tpu.memory_space<vmem>> -> memref<2x4096xf32, #tpu.memory_space<vmem>>
        %dma_start3A_987 = arith.constant 0 : i32
        %dma_start3A_988 = tpu.memref_slice %arg3[%add3A_963, %dma_start3A_987] : memref<16384x4096xf32, #tpu.memory_space<hbm>> -> memref<2x4096xf32, #tpu.memory_space<hbm>>
        tpu.enqueue_dma source(%dma_start3A_988 : memref<2x4096xf32, #tpu.memory_space<hbm>>) target(%dma_start3A_986 : memref<2x4096xf32, #tpu.memory_space<vmem>>) target_semaphore(%arg13 : memref<!tpu.dma_semaphore, #tpu.memory_space<semaphore_mem>>)
        %dma_start3A_989 = arith.constant 1 : i32
        %dma_start3A_990 = arith.constant 0 : i32
        %dma_start3A_991 = arith.constant 0 : i32
        %dma_start3A_992 = tpu.memref_slice %arg7[%dma_start3A_989, %dma_start3A_990, %dma_start3A_991] : memref<2x8x4096xf32, #tpu.memory_space<vmem>> -> memref<1x8x4096xf32, #tpu.memory_space<vmem>>
        %dma_start3A_993 = tpu.memref_squeeze %dma_start3A_992 : memref<1x8x4096xf32, #tpu.memory_space<vmem>> -> memref<8x4096xf32, #tpu.memory_space<vmem>>
        %dma_start3A_994 = arith.constant 2 : i32
        %dma_start3A_995 = arith.constant 0 : i32
        %dma_start3A_996 = tpu.memref_slice %dma_start3A_993[%dma_start3A_994, %dma_start3A_995] : memref<8x4096xf32, #tpu.memory_space<vmem>> -> memref<2x4096xf32, #tpu.memory_space<vmem>>
        %dma_start3A_997 = arith.constant 0 : i32
        %dma_start3A_998 = tpu.memref_slice %arg3[%add3A_965, %dma_start3A_997] : memref<16384x4096xf32, #tpu.memory_space<hbm>> -> memref<2x4096xf32, #tpu.memory_space<hbm>>
        %dma_start3A_999 = arith.constant 0 : i32
        %dma_start3A_1000 = arith.constant 0 : i32
        %dma_start3A_1001 = tpu.memref_slice %arg7[%dma_start3A_989, %dma_start3A_999, %dma_start3A_1000] : memref<2x8x4096xf32, #tpu.memory_space<vmem>> -> memref<1x8x4096xf32, #tpu.memory_space<vmem>>
        %dma_start3A_1002 = tpu.memref_squeeze %dma_start3A_1001 : memref<1x8x4096xf32, #tpu.memory_space<vmem>> -> memref<8x4096xf32, #tpu.memory_space<vmem>>
        %dma_start3A_1003 = arith.constant 2 : i32
        %dma_start3A_1004 = arith.constant 0 : i32
        %dma_start3A_1005 = tpu.memref_slice %dma_start3A_1002[%dma_start3A_1003, %dma_start3A_1004] : memref<8x4096xf32, #tpu.memory_space<vmem>> -> memref<2x4096xf32, #tpu.memory_space<vmem>>
        %dma_start3A_1006 = arith.constant 0 : i32
        %dma_start3A_1007 = tpu.memref_slice %arg3[%add3A_965, %dma_start3A_1006] : memref<16384x4096xf32, #tpu.memory_space<hbm>> -> memref<2x4096xf32, #tpu.memory_space<hbm>>
        tpu.enqueue_dma source(%dma_start3A_1007 : memref<2x4096xf32, #tpu.memory_space<hbm>>) target(%dma_start3A_1005 : memref<2x4096xf32, #tpu.memory_space<vmem>>) target_semaphore(%arg14 : memref<!tpu.dma_semaphore, #tpu.memory_space<semaphore_mem>>)
        %dma_start3A_1008 = arith.constant 1 : i32
        %dma_start3A_1009 = arith.constant 0 : i32
        %dma_start3A_1010 = arith.constant 0 : i32
        %dma_start3A_1011 = tpu.memref_slice %arg7[%dma_start3A_1008, %dma_start3A_1009, %dma_start3A_1010] : memref<2x8x4096xf32, #tpu.memory_space<vmem>> -> memref<1x8x4096xf32, #tpu.memory_space<vmem>>
        %dma_start3A_1012 = tpu.memref_squeeze %dma_start3A_1011 : memref<1x8x4096xf32, #tpu.memory_space<vmem>> -> memref<8x4096xf32, #tpu.memory_space<vmem>>
        %dma_start3A_1013 = arith.constant 4 : i32
        %dma_start3A_1014 = arith.constant 0 : i32
        %dma_start3A_1015 = tpu.memref_slice %dma_start3A_1012[%dma_start3A_1013, %dma_start3A_1014] : memref<8x4096xf32, #tpu.memory_space<vmem>> -> memref<2x4096xf32, #tpu.memory_space<vmem>>
        %dma_start3A_1016 = arith.constant 0 : i32
        %dma_start3A_1017 = tpu.memref_slice %arg3[%add3A_967, %dma_start3A_1016] : memref<16384x4096xf32, #tpu.memory_space<hbm>> -> memref<2x4096xf32, #tpu.memory_space<hbm>>
        %dma_start3A_1018 = arith.constant 0 : i32
        %dma_start3A_1019 = arith.constant 0 : i32
        %dma_start3A_1020 = tpu.memref_slice %arg7[%dma_start3A_1008, %dma_start3A_1018, %dma_start3A_1019] : memref<2x8x4096xf32, #tpu.memory_space<vmem>> -> memref<1x8x4096xf32, #tpu.memory_space<vmem>>
        %dma_start3A_1021 = tpu.memref_squeeze %dma_start3A_1020 : memref<1x8x4096xf32, #tpu.memory_space<vmem>> -> memref<8x4096xf32, #tpu.memory_space<vmem>>
        %dma_start3A_1022 = arith.constant 4 : i32
        %dma_start3A_1023 = arith.constant 0 : i32
        %dma_start3A_1024 = tpu.memref_slice %dma_start3A_1021[%dma_start3A_1022, %dma_start3A_1023] : memref<8x4096xf32, #tpu.memory_space<vmem>> -> memref<2x4096xf32, #tpu.memory_space<vmem>>
        %dma_start3A_1025 = arith.constant 0 : i32
        %dma_start3A_1026 = tpu.memref_slice %arg3[%add3A_967, %dma_start3A_1025] : memref<16384x4096xf32, #tpu.memory_space<hbm>> -> memref<2x4096xf32, #tpu.memory_space<hbm>>
        tpu.enqueue_dma source(%dma_start3A_1026 : memref<2x4096xf32, #tpu.memory_space<hbm>>) target(%dma_start3A_1024 : memref<2x4096xf32, #tpu.memory_space<vmem>>) target_semaphore(%arg15 : memref<!tpu.dma_semaphore, #tpu.memory_space<semaphore_mem>>)
        %dma_start3A_1027 = arith.constant 1 : i32
        %dma_start3A_1028 = arith.constant 0 : i32
        %dma_start3A_1029 = arith.constant 0 : i32
        %dma_start3A_1030 = tpu.memref_slice %arg7[%dma_start3A_1027, %dma_start3A_1028, %dma_start3A_1029] : memref<2x8x4096xf32, #tpu.memory_space<vmem>> -> memref<1x8x4096xf32, #tpu.memory_space<vmem>>
        %dma_start3A_1031 = tpu.memref_squeeze %dma_start3A_1030 : memref<1x8x4096xf32, #tpu.memory_space<vmem>> -> memref<8x4096xf32, #tpu.memory_space<vmem>>
        %dma_start3A_1032 = arith.constant 6 : i32
        %dma_start3A_1033 = arith.constant 0 : i32
        %dma_start3A_1034 = tpu.memref_slice %dma_start3A_1031[%dma_start3A_1032, %dma_start3A_1033] : memref<8x4096xf32, #tpu.memory_space<vmem>> -> memref<2x4096xf32, #tpu.memory_space<vmem>>
        %dma_start3A_1035 = arith.constant 0 : i32
        %dma_start3A_1036 = tpu.memref_slice %arg3[%add3A_969, %dma_start3A_1035] : memref<16384x4096xf32, #tpu.memory_space<hbm>> -> memref<2x4096xf32, #tpu.memory_space<hbm>>
        %dma_start3A_1037 = arith.constant 0 : i32
        %dma_start3A_1038 = arith.constant 0 : i32
        %dma_start3A_1039 = tpu.memref_slice %arg7[%dma_start3A_1027, %dma_start3A_1037, %dma_start3A_1038] : memref<2x8x4096xf32, #tpu.memory_space<vmem>> -> memref<1x8x4096xf32, #tpu.memory_space<vmem>>
        %dma_start3A_1040 = tpu.memref_squeeze %dma_start3A_1039 : memref<1x8x4096xf32, #tpu.memory_space<vmem>> -> memref<8x4096xf32, #tpu.memory_space<vmem>>
        %dma_start3A_1041 = arith.constant 6 : i32
        %dma_start3A_1042 = arith.constant 0 : i32
        %dma_start3A_1043 = tpu.memref_slice %dma_start3A_1040[%dma_start3A_1041, %dma_start3A_1042] : memref<8x4096xf32, #tpu.memory_space<vmem>> -> memref<2x4096xf32, #tpu.memory_space<vmem>>
        %dma_start3A_1044 = arith.constant 0 : i32
        %dma_start3A_1045 = tpu.memref_slice %arg3[%add3A_969, %dma_start3A_1044] : memref<16384x4096xf32, #tpu.memory_space<hbm>> -> memref<2x4096xf32, #tpu.memory_space<hbm>>
        tpu.enqueue_dma source(%dma_start3A_1045 : memref<2x4096xf32, #tpu.memory_space<hbm>>) target(%dma_start3A_1043 : memref<2x4096xf32, #tpu.memory_space<vmem>>) target_semaphore(%arg16 : memref<!tpu.dma_semaphore, #tpu.memory_space<semaphore_mem>>)
      } else {
      }
      %mul3A_745 = arith.constant 8 : i32
      %mul3A_746 = arith.muli %add3A_740, %mul3A_745 : i32
      %add3A_747 = arith.addi %mul3A_512, %mul3A_746 : i32
      %add3A_748 = arith.constant 0 : i32
      %add3A_749 = arith.addi %add3A_747, %add3A_748 : i32
      %add3A_750 = arith.constant 2 : i32
      %add3A_751 = arith.addi %add3A_747, %add3A_750 : i32
      %add3A_752 = arith.constant 4 : i32
      %add3A_753 = arith.addi %add3A_747, %add3A_752 : i32
      %add3A_754 = arith.constant 6 : i32
      %add3A_755 = arith.addi %add3A_747, %add3A_754 : i32
      %dma_wait3A_756 = arith.constant 0 : i32
      %dma_wait3A_757 = arith.constant 0 : i32
      %dma_wait3A_758 = arith.constant 0 : i32
      %dma_wait3A_759 = tpu.memref_slice %arg7[%dma_wait3A_756, %dma_wait3A_757, %dma_wait3A_758] : memref<2x8x4096xf32, #tpu.memory_space<vmem>> -> memref<1x8x4096xf32, #tpu.memory_space<vmem>>
      %dma_wait3A_760 = tpu.memref_squeeze %dma_wait3A_759 : memref<1x8x4096xf32, #tpu.memory_space<vmem>> -> memref<8x4096xf32, #tpu.memory_space<vmem>>
      %dma_wait3A_761 = arith.constant 0 : i32
      %dma_wait3A_762 = arith.constant 0 : i32
      %dma_wait3A_763 = tpu.memref_slice %dma_wait3A_760[%dma_wait3A_761, %dma_wait3A_762] : memref<8x4096xf32, #tpu.memory_space<vmem>> -> memref<2x4096xf32, #tpu.memory_space<vmem>>
      %dma_wait3A_764 = arith.constant 0 : i32
      %dma_wait3A_765 = tpu.memref_slice %arg3[%add3A_749, %dma_wait3A_764] : memref<16384x4096xf32, #tpu.memory_space<hbm>> -> memref<2x4096xf32, #tpu.memory_space<hbm>>
      %dma_wait3A_766 = arith.constant 0 : i32
      %dma_wait3A_767 = arith.constant 0 : i32
      %dma_wait3A_768 = tpu.memref_slice %arg7[%dma_wait3A_756, %dma_wait3A_766, %dma_wait3A_767] : memref<2x8x4096xf32, #tpu.memory_space<vmem>> -> memref<1x8x4096xf32, #tpu.memory_space<vmem>>
      %dma_wait3A_769 = tpu.memref_squeeze %dma_wait3A_768 : memref<1x8x4096xf32, #tpu.memory_space<vmem>> -> memref<8x4096xf32, #tpu.memory_space<vmem>>
      %dma_wait3A_770 = arith.constant 0 : i32
      %dma_wait3A_771 = arith.constant 0 : i32
      %dma_wait3A_772 = tpu.memref_slice %dma_wait3A_769[%dma_wait3A_770, %dma_wait3A_771] : memref<8x4096xf32, #tpu.memory_space<vmem>> -> memref<2x4096xf32, #tpu.memory_space<vmem>>
      %dma_wait3A_773 = arith.constant 0 : i32
      %dma_wait3A_774 = tpu.memref_slice %arg3[%add3A_749, %dma_wait3A_773] : memref<16384x4096xf32, #tpu.memory_space<hbm>> -> memref<2x4096xf32, #tpu.memory_space<hbm>>
      tpu.wait_dma2 semaphore(%arg9 : memref<!tpu.dma_semaphore, #tpu.memory_space<semaphore_mem>>) src(%dma_wait3A_774 : memref<2x4096xf32, #tpu.memory_space<hbm>>) dst(%dma_wait3A_772 : memref<2x4096xf32, #tpu.memory_space<vmem>>)
      %dma_wait3A_775 = arith.constant 0 : i32
      %dma_wait3A_776 = arith.constant 0 : i32
      %dma_wait3A_777 = arith.constant 0 : i32
      %dma_wait3A_778 = tpu.memref_slice %arg7[%dma_wait3A_775, %dma_wait3A_776, %dma_wait3A_777] : memref<2x8x4096xf32, #tpu.memory_space<vmem>> -> memref<1x8x4096xf32, #tpu.memory_space<vmem>>
      %dma_wait3A_779 = tpu.memref_squeeze %dma_wait3A_778 : memref<1x8x4096xf32, #tpu.memory_space<vmem>> -> memref<8x4096xf32, #tpu.memory_space<vmem>>
      %dma_wait3A_780 = arith.constant 2 : i32
      %dma_wait3A_781 = arith.constant 0 : i32
      %dma_wait3A_782 = tpu.memref_slice %dma_wait3A_779[%dma_wait3A_780, %dma_wait3A_781] : memref<8x4096xf32, #tpu.memory_space<vmem>> -> memref<2x4096xf32, #tpu.memory_space<vmem>>
      %dma_wait3A_783 = arith.constant 0 : i32
      %dma_wait3A_784 = tpu.memref_slice %arg3[%add3A_751, %dma_wait3A_783] : memref<16384x4096xf32, #tpu.memory_space<hbm>> -> memref<2x4096xf32, #tpu.memory_space<hbm>>
      %dma_wait3A_785 = arith.constant 0 : i32
      %dma_wait3A_786 = arith.constant 0 : i32
      %dma_wait3A_787 = tpu.memref_slice %arg7[%dma_wait3A_775, %dma_wait3A_785, %dma_wait3A_786] : memref<2x8x4096xf32, #tpu.memory_space<vmem>> -> memref<1x8x4096xf32, #tpu.memory_space<vmem>>
      %dma_wait3A_788 = tpu.memref_squeeze %dma_wait3A_787 : memref<1x8x4096xf32, #tpu.memory_space<vmem>> -> memref<8x4096xf32, #tpu.memory_space<vmem>>
      %dma_wait3A_789 = arith.constant 2 : i32
      %dma_wait3A_790 = arith.constant 0 : i32
      %dma_wait3A_791 = tpu.memref_slice %dma_wait3A_788[%dma_wait3A_789, %dma_wait3A_790] : memref<8x4096xf32, #tpu.memory_space<vmem>> -> memref<2x4096xf32, #tpu.memory_space<vmem>>
      %dma_wait3A_792 = arith.constant 0 : i32
      %dma_wait3A_793 = tpu.memref_slice %arg3[%add3A_751, %dma_wait3A_792] : memref<16384x4096xf32, #tpu.memory_space<hbm>> -> memref<2x4096xf32, #tpu.memory_space<hbm>>
      tpu.wait_dma2 semaphore(%arg10 : memref<!tpu.dma_semaphore, #tpu.memory_space<semaphore_mem>>) src(%dma_wait3A_793 : memref<2x4096xf32, #tpu.memory_space<hbm>>) dst(%dma_wait3A_791 : memref<2x4096xf32, #tpu.memory_space<vmem>>)
      %dma_wait3A_794 = arith.constant 0 : i32
      %dma_wait3A_795 = arith.constant 0 : i32
      %dma_wait3A_796 = arith.constant 0 : i32
      %dma_wait3A_797 = tpu.memref_slice %arg7[%dma_wait3A_794, %dma_wait3A_795, %dma_wait3A_796] : memref<2x8x4096xf32, #tpu.memory_space<vmem>> -> memref<1x8x4096xf32, #tpu.memory_space<vmem>>
      %dma_wait3A_798 = tpu.memref_squeeze %dma_wait3A_797 : memref<1x8x4096xf32, #tpu.memory_space<vmem>> -> memref<8x4096xf32, #tpu.memory_space<vmem>>
      %dma_wait3A_799 = arith.constant 4 : i32
      %dma_wait3A_800 = arith.constant 0 : i32
      %dma_wait3A_801 = tpu.memref_slice %dma_wait3A_798[%dma_wait3A_799, %dma_wait3A_800] : memref<8x4096xf32, #tpu.memory_space<vmem>> -> memref<2x4096xf32, #tpu.memory_space<vmem>>
      %dma_wait3A_802 = arith.constant 0 : i32
      %dma_wait3A_803 = tpu.memref_slice %arg3[%add3A_753, %dma_wait3A_802] : memref<16384x4096xf32, #tpu.memory_space<hbm>> -> memref<2x4096xf32, #tpu.memory_space<hbm>>
      %dma_wait3A_804 = arith.constant 0 : i32
      %dma_wait3A_805 = arith.constant 0 : i32
      %dma_wait3A_806 = tpu.memref_slice %arg7[%dma_wait3A_794, %dma_wait3A_804, %dma_wait3A_805] : memref<2x8x4096xf32, #tpu.memory_space<vmem>> -> memref<1x8x4096xf32, #tpu.memory_space<vmem>>
      %dma_wait3A_807 = tpu.memref_squeeze %dma_wait3A_806 : memref<1x8x4096xf32, #tpu.memory_space<vmem>> -> memref<8x4096xf32, #tpu.memory_space<vmem>>
      %dma_wait3A_808 = arith.constant 4 : i32
      %dma_wait3A_809 = arith.constant 0 : i32
      %dma_wait3A_810 = tpu.memref_slice %dma_wait3A_807[%dma_wait3A_808, %dma_wait3A_809] : memref<8x4096xf32, #tpu.memory_space<vmem>> -> memref<2x4096xf32, #tpu.memory_space<vmem>>
      %dma_wait3A_811 = arith.constant 0 : i32
      %dma_wait3A_812 = tpu.memref_slice %arg3[%add3A_753, %dma_wait3A_811] : memref<16384x4096xf32, #tpu.memory_space<hbm>> -> memref<2x4096xf32, #tpu.memory_space<hbm>>
      tpu.wait_dma2 semaphore(%arg11 : memref<!tpu.dma_semaphore, #tpu.memory_space<semaphore_mem>>) src(%dma_wait3A_812 : memref<2x4096xf32, #tpu.memory_space<hbm>>) dst(%dma_wait3A_810 : memref<2x4096xf32, #tpu.memory_space<vmem>>)
      %dma_wait3A_813 = arith.constant 0 : i32
      %dma_wait3A_814 = arith.constant 0 : i32
      %dma_wait3A_815 = arith.constant 0 : i32
      %dma_wait3A_816 = tpu.memref_slice %arg7[%dma_wait3A_813, %dma_wait3A_814, %dma_wait3A_815] : memref<2x8x4096xf32, #tpu.memory_space<vmem>> -> memref<1x8x4096xf32, #tpu.memory_space<vmem>>
      %dma_wait3A_817 = tpu.memref_squeeze %dma_wait3A_816 : memref<1x8x4096xf32, #tpu.memory_space<vmem>> -> memref<8x4096xf32, #tpu.memory_space<vmem>>
      %dma_wait3A_818 = arith.constant 6 : i32
      %dma_wait3A_819 = arith.constant 0 : i32
      %dma_wait3A_820 = tpu.memref_slice %dma_wait3A_817[%dma_wait3A_818, %dma_wait3A_819] : memref<8x4096xf32, #tpu.memory_space<vmem>> -> memref<2x4096xf32, #tpu.memory_space<vmem>>
      %dma_wait3A_821 = arith.constant 0 : i32
      %dma_wait3A_822 = tpu.memref_slice %arg3[%add3A_755, %dma_wait3A_821] : memref<16384x4096xf32, #tpu.memory_space<hbm>> -> memref<2x4096xf32, #tpu.memory_space<hbm>>
      %dma_wait3A_823 = arith.constant 0 : i32
      %dma_wait3A_824 = arith.constant 0 : i32
      %dma_wait3A_825 = tpu.memref_slice %arg7[%dma_wait3A_813, %dma_wait3A_823, %dma_wait3A_824] : memref<2x8x4096xf32, #tpu.memory_space<vmem>> -> memref<1x8x4096xf32, #tpu.memory_space<vmem>>
      %dma_wait3A_826 = tpu.memref_squeeze %dma_wait3A_825 : memref<1x8x4096xf32, #tpu.memory_space<vmem>> -> memref<8x4096xf32, #tpu.memory_space<vmem>>
      %dma_wait3A_827 = arith.constant 6 : i32
      %dma_wait3A_828 = arith.constant 0 : i32
      %dma_wait3A_829 = tpu.memref_slice %dma_wait3A_826[%dma_wait3A_827, %dma_wait3A_828] : memref<8x4096xf32, #tpu.memory_space<vmem>> -> memref<2x4096xf32, #tpu.memory_space<vmem>>
      %dma_wait3A_830 = arith.constant 0 : i32
      %dma_wait3A_831 = tpu.memref_slice %arg3[%add3A_755, %dma_wait3A_830] : memref<16384x4096xf32, #tpu.memory_space<hbm>> -> memref<2x4096xf32, #tpu.memory_space<hbm>>
      tpu.wait_dma2 semaphore(%arg12 : memref<!tpu.dma_semaphore, #tpu.memory_space<semaphore_mem>>) src(%dma_wait3A_831 : memref<2x4096xf32, #tpu.memory_space<hbm>>) dst(%dma_wait3A_829 : memref<2x4096xf32, #tpu.memory_space<vmem>>)
      %ge3A = arith.constant 1 : i32
      %ge3A_832 = arith.cmpi sge, %add3A_740, %ge3A : i32
      %convert_element_type3A_833 = arith.extui %ge3A_832 : i1 to i32
      %cond3A_834 = arith.constant 0 : i32
      %cond3A_835 = arith.cmpi ne, %convert_element_type3A_833, %cond3A_834 : i32
      scf.if %cond3A_835 {
        %sub3A = arith.constant 1 : i32
        %sub3A_957 = arith.subi %add3A_740, %sub3A : i32
        %mul3A_958 = arith.constant 8 : i32
        %mul3A_959 = arith.muli %sub3A_957, %mul3A_958 : i32
        %add3A_960 = arith.addi %mul3A_512, %mul3A_959 : i32
        %add3A_961 = arith.constant 0 : i32
        %add3A_962 = arith.addi %add3A_960, %add3A_961 : i32
        %add3A_963 = arith.constant 4 : i32
        %add3A_964 = arith.addi %add3A_960, %add3A_963 : i32
        %dma_start3A_965 = arith.constant 1 : i32
        %dma_start3A_966 = arith.constant 0 : i32
        %dma_start3A_967 = arith.constant 0 : i32
        %dma_start3A_968 = tpu.memref_slice %arg8[%dma_start3A_965, %dma_start3A_966, %dma_start3A_967] : memref<2x8x1024xf32, #tpu.memory_space<vmem>> -> memref<1x8x1024xf32, #tpu.memory_space<vmem>>
        %dma_start3A_969 = tpu.memref_squeeze %dma_start3A_968 : memref<1x8x1024xf32, #tpu.memory_space<vmem>> -> memref<8x1024xf32, #tpu.memory_space<vmem>>
        %dma_start3A_970 = arith.constant 0 : i32
        %dma_start3A_971 = arith.constant 0 : i32
        %dma_start3A_972 = tpu.memref_slice %dma_start3A_969[%dma_start3A_970, %dma_start3A_971] : memref<8x1024xf32, #tpu.memory_space<vmem>> -> memref<4x1024xf32, #tpu.memory_space<vmem>>
        %dma_start3A_973 = arith.constant 0 : i32
        %dma_start3A_974 = tpu.memref_slice %arg4[%add3A_962, %dma_start3A_973] : memref<16384x1024xf32, #tpu.memory_space<hbm>> -> memref<4x1024xf32, #tpu.memory_space<hbm>>
        %dma_start3A_975 = arith.constant 0 : i32
        %dma_start3A_976 = tpu.memref_slice %arg4[%add3A_962, %dma_start3A_975] : memref<16384x1024xf32, #tpu.memory_space<hbm>> -> memref<4x1024xf32, #tpu.memory_space<hbm>>
        %dma_start3A_977 = arith.constant 0 : i32
        %dma_start3A_978 = arith.constant 0 : i32
        %dma_start3A_979 = tpu.memref_slice %arg8[%dma_start3A_965, %dma_start3A_977, %dma_start3A_978] : memref<2x8x1024xf32, #tpu.memory_space<vmem>> -> memref<1x8x1024xf32, #tpu.memory_space<vmem>>
        %dma_start3A_980 = tpu.memref_squeeze %dma_start3A_979 : memref<1x8x1024xf32, #tpu.memory_space<vmem>> -> memref<8x1024xf32, #tpu.memory_space<vmem>>
        %dma_start3A_981 = arith.constant 0 : i32
        %dma_start3A_982 = arith.constant 0 : i32
        %dma_start3A_983 = tpu.memref_slice %dma_start3A_980[%dma_start3A_981, %dma_start3A_982] : memref<8x1024xf32, #tpu.memory_space<vmem>> -> memref<4x1024xf32, #tpu.memory_space<vmem>>
        tpu.enqueue_dma source(%dma_start3A_983 : memref<4x1024xf32, #tpu.memory_space<vmem>>) target(%dma_start3A_976 : memref<4x1024xf32, #tpu.memory_space<hbm>>) target_semaphore(%arg19 : memref<!tpu.dma_semaphore, #tpu.memory_space<semaphore_mem>>)
        %dma_start3A_984 = arith.constant 1 : i32
        %dma_start3A_985 = arith.constant 0 : i32
        %dma_start3A_986 = arith.constant 0 : i32
        %dma_start3A_987 = tpu.memref_slice %arg8[%dma_start3A_984, %dma_start3A_985, %dma_start3A_986] : memref<2x8x1024xf32, #tpu.memory_space<vmem>> -> memref<1x8x1024xf32, #tpu.memory_space<vmem>>
        %dma_start3A_988 = tpu.memref_squeeze %dma_start3A_987 : memref<1x8x1024xf32, #tpu.memory_space<vmem>> -> memref<8x1024xf32, #tpu.memory_space<vmem>>
        %dma_start3A_989 = arith.constant 4 : i32
        %dma_start3A_990 = arith.constant 0 : i32
        %dma_start3A_991 = tpu.memref_slice %dma_start3A_988[%dma_start3A_989, %dma_start3A_990] : memref<8x1024xf32, #tpu.memory_space<vmem>> -> memref<4x1024xf32, #tpu.memory_space<vmem>>
        %dma_start3A_992 = arith.constant 0 : i32
        %dma_start3A_993 = tpu.memref_slice %arg4[%add3A_964, %dma_start3A_992] : memref<16384x1024xf32, #tpu.memory_space<hbm>> -> memref<4x1024xf32, #tpu.memory_space<hbm>>
        %dma_start3A_994 = arith.constant 0 : i32
        %dma_start3A_995 = tpu.memref_slice %arg4[%add3A_964, %dma_start3A_994] : memref<16384x1024xf32, #tpu.memory_space<hbm>> -> memref<4x1024xf32, #tpu.memory_space<hbm>>
        %dma_start3A_996 = arith.constant 0 : i32
        %dma_start3A_997 = arith.constant 0 : i32
        %dma_start3A_998 = tpu.memref_slice %arg8[%dma_start3A_984, %dma_start3A_996, %dma_start3A_997] : memref<2x8x1024xf32, #tpu.memory_space<vmem>> -> memref<1x8x1024xf32, #tpu.memory_space<vmem>>
        %dma_start3A_999 = tpu.memref_squeeze %dma_start3A_998 : memref<1x8x1024xf32, #tpu.memory_space<vmem>> -> memref<8x1024xf32, #tpu.memory_space<vmem>>
        %dma_start3A_1000 = arith.constant 4 : i32
        %dma_start3A_1001 = arith.constant 0 : i32
        %dma_start3A_1002 = tpu.memref_slice %dma_start3A_999[%dma_start3A_1000, %dma_start3A_1001] : memref<8x1024xf32, #tpu.memory_space<vmem>> -> memref<4x1024xf32, #tpu.memory_space<vmem>>
        tpu.enqueue_dma source(%dma_start3A_1002 : memref<4x1024xf32, #tpu.memory_space<vmem>>) target(%dma_start3A_995 : memref<4x1024xf32, #tpu.memory_space<hbm>>) target_semaphore(%arg20 : memref<!tpu.dma_semaphore, #tpu.memory_space<semaphore_mem>>)
      } else {
      }
      %ge3A_836 = arith.constant 2 : i32
      %ge3A_837 = arith.cmpi sge, %add3A_740, %ge3A_836 : i32
      %convert_element_type3A_838 = arith.extui %ge3A_837 : i1 to i32
      %cond3A_839 = arith.constant 0 : i32
      %cond3A_840 = arith.cmpi ne, %convert_element_type3A_838, %cond3A_839 : i32
      scf.if %cond3A_840 {
        %sub3A = arith.constant 2 : i32
        %sub3A_957 = arith.subi %add3A_740, %sub3A : i32
        %mul3A_958 = arith.constant 8 : i32
        %mul3A_959 = arith.muli %sub3A_957, %mul3A_958 : i32
        %add3A_960 = arith.addi %mul3A_512, %mul3A_959 : i32
        %add3A_961 = arith.constant 0 : i32
        %add3A_962 = arith.addi %add3A_960, %add3A_961 : i32
        %add3A_963 = arith.constant 4 : i32
        %add3A_964 = arith.addi %add3A_960, %add3A_963 : i32
        %dma_wait3A_965 = arith.constant 0 : i32
        %dma_wait3A_966 = arith.constant 0 : i32
        %dma_wait3A_967 = arith.constant 0 : i32
        %dma_wait3A_968 = tpu.memref_slice %arg8[%dma_wait3A_965, %dma_wait3A_966, %dma_wait3A_967] : memref<2x8x1024xf32, #tpu.memory_space<vmem>> -> memref<1x8x1024xf32, #tpu.memory_space<vmem>>
        %dma_wait3A_969 = tpu.memref_squeeze %dma_wait3A_968 : memref<1x8x1024xf32, #tpu.memory_space<vmem>> -> memref<8x1024xf32, #tpu.memory_space<vmem>>
        %dma_wait3A_970 = arith.constant 0 : i32
        %dma_wait3A_971 = arith.constant 0 : i32
        %dma_wait3A_972 = tpu.memref_slice %dma_wait3A_969[%dma_wait3A_970, %dma_wait3A_971] : memref<8x1024xf32, #tpu.memory_space<vmem>> -> memref<4x1024xf32, #tpu.memory_space<vmem>>
        %dma_wait3A_973 = arith.constant 0 : i32
        %dma_wait3A_974 = tpu.memref_slice %arg4[%add3A_962, %dma_wait3A_973] : memref<16384x1024xf32, #tpu.memory_space<hbm>> -> memref<4x1024xf32, #tpu.memory_space<hbm>>
        %dma_wait3A_975 = arith.constant 0 : i32
        %dma_wait3A_976 = tpu.memref_slice %arg4[%add3A_962, %dma_wait3A_975] : memref<16384x1024xf32, #tpu.memory_space<hbm>> -> memref<4x1024xf32, #tpu.memory_space<hbm>>
        %dma_wait3A_977 = arith.constant 0 : i32
        %dma_wait3A_978 = arith.constant 0 : i32
        %dma_wait3A_979 = tpu.memref_slice %arg8[%dma_wait3A_965, %dma_wait3A_977, %dma_wait3A_978] : memref<2x8x1024xf32, #tpu.memory_space<vmem>> -> memref<1x8x1024xf32, #tpu.memory_space<vmem>>
        %dma_wait3A_980 = tpu.memref_squeeze %dma_wait3A_979 : memref<1x8x1024xf32, #tpu.memory_space<vmem>> -> memref<8x1024xf32, #tpu.memory_space<vmem>>
        %dma_wait3A_981 = arith.constant 0 : i32
        %dma_wait3A_982 = arith.constant 0 : i32
        %dma_wait3A_983 = tpu.memref_slice %dma_wait3A_980[%dma_wait3A_981, %dma_wait3A_982] : memref<8x1024xf32, #tpu.memory_space<vmem>> -> memref<4x1024xf32, #tpu.memory_space<vmem>>
        tpu.wait_dma2 semaphore(%arg17 : memref<!tpu.dma_semaphore, #tpu.memory_space<semaphore_mem>>) src(%dma_wait3A_983 : memref<4x1024xf32, #tpu.memory_space<vmem>>) dst(%dma_wait3A_976 : memref<4x1024xf32, #tpu.memory_space<hbm>>)
        %dma_wait3A_984 = arith.constant 0 : i32
        %dma_wait3A_985 = arith.constant 0 : i32
        %dma_wait3A_986 = arith.constant 0 : i32
        %dma_wait3A_987 = tpu.memref_slice %arg8[%dma_wait3A_984, %dma_wait3A_985, %dma_wait3A_986] : memref<2x8x1024xf32, #tpu.memory_space<vmem>> -> memref<1x8x1024xf32, #tpu.memory_space<vmem>>
        %dma_wait3A_988 = tpu.memref_squeeze %dma_wait3A_987 : memref<1x8x1024xf32, #tpu.memory_space<vmem>> -> memref<8x1024xf32, #tpu.memory_space<vmem>>
        %dma_wait3A_989 = arith.constant 4 : i32
        %dma_wait3A_990 = arith.constant 0 : i32
        %dma_wait3A_991 = tpu.memref_slice %dma_wait3A_988[%dma_wait3A_989, %dma_wait3A_990] : memref<8x1024xf32, #tpu.memory_space<vmem>> -> memref<4x1024xf32, #tpu.memory_space<vmem>>
        %dma_wait3A_992 = arith.constant 0 : i32
        %dma_wait3A_993 = tpu.memref_slice %arg4[%add3A_964, %dma_wait3A_992] : memref<16384x1024xf32, #tpu.memory_space<hbm>> -> memref<4x1024xf32, #tpu.memory_space<hbm>>
        %dma_wait3A_994 = arith.constant 0 : i32
        %dma_wait3A_995 = tpu.memref_slice %arg4[%add3A_964, %dma_wait3A_994] : memref<16384x1024xf32, #tpu.memory_space<hbm>> -> memref<4x1024xf32, #tpu.memory_space<hbm>>
        %dma_wait3A_996 = arith.constant 0 : i32
        %dma_wait3A_997 = arith.constant 0 : i32
        %dma_wait3A_998 = tpu.memref_slice %arg8[%dma_wait3A_984, %dma_wait3A_996, %dma_wait3A_997] : memref<2x8x1024xf32, #tpu.memory_space<vmem>> -> memref<1x8x1024xf32, #tpu.memory_space<vmem>>
        %dma_wait3A_999 = tpu.memref_squeeze %dma_wait3A_998 : memref<1x8x1024xf32, #tpu.memory_space<vmem>> -> memref<8x1024xf32, #tpu.memory_space<vmem>>
        %dma_wait3A_1000 = arith.constant 4 : i32
        %dma_wait3A_1001 = arith.constant 0 : i32
        %dma_wait3A_1002 = tpu.memref_slice %dma_wait3A_999[%dma_wait3A_1000, %dma_wait3A_1001] : memref<8x1024xf32, #tpu.memory_space<vmem>> -> memref<4x1024xf32, #tpu.memory_space<vmem>>
        tpu.wait_dma2 semaphore(%arg18 : memref<!tpu.dma_semaphore, #tpu.memory_space<semaphore_mem>>) src(%dma_wait3A_1002 : memref<4x1024xf32, #tpu.memory_space<vmem>>) dst(%dma_wait3A_995 : memref<4x1024xf32, #tpu.memory_space<hbm>>)
      } else {
      }
      %parallel_loop3A = arith.constant 0 : i32
      %parallel_loop3A_841 = arith.constant 64 : i32
      %parallel_loop3A_842 = arith.constant 1 : i32
      %parallel_loop3A_843 = arith.constant 0 : i32
      %parallel_loop3A_844 = arith.constant 0 : i32
      scf.for %parallel_loop3A_957 = %parallel_loop3A to %parallel_loop3A_841 step %parallel_loop3A_842  : i32 {
        %parallel_loop3A_958 = arith.constant 16 : i32
        %parallel_loop3A_959 = arith.muli %parallel_loop3A_957, %parallel_loop3A_958 : i32
        %parallel_loop3A_960 = arith.constant 0 : i32
        %parallel_loop3A_961 = tpu.memref_slice %arg6[%scan3A, %parallel_loop3A_960] : memref<1x1024xi32, #tpu.memory_space<vmem>> -> memref<1x1024xi32, #tpu.memory_space<vmem>>
        %parallel_loop3A_962 = tpu.memref_squeeze %parallel_loop3A_961 : memref<1x1024xi32, #tpu.memory_space<vmem>> -> memref<1024xi32, #tpu.memory_space<vmem>>
        %parallel_loop3A_963 = arith.index_cast %parallel_loop3A_959 : i32 to index
        %parallel_loop3A_964 = tpu.vector_load %parallel_loop3A_962[%parallel_loop3A_963] {strides = array<i32>} : memref<1024xi32, #tpu.memory_space<vmem>>, vector<16xi32>,
        %parallel_loop3A_965 = arith.constant 0 : i32
        %parallel_loop3A_966 = vector.broadcast %parallel_loop3A_965 : i32 to vector<16xi32>
        %parallel_loop3A_967 = arith.constant 0 : i32
        %parallel_loop3A_968 = arith.constant 0 : i32
        %parallel_loop3A_969 = tpu.memref_slice %arg7[%parallel_loop3A_843, %parallel_loop3A_967, %parallel_loop3A_968] : memref<2x8x4096xf32, #tpu.memory_space<vmem>> -> memref<1x8x4096xf32, #tpu.memory_space<vmem>>
        %parallel_loop3A_970 = tpu.memref_squeeze %parallel_loop3A_969 : memref<1x8x4096xf32, #tpu.memory_space<vmem>> -> memref<8x4096xf32, #tpu.memory_space<vmem>>
        %parallel_loop3A_971 = tpu.vector_load_idx %parallel_loop3A_970[%parallel_loop3A_966, %parallel_loop3A_964] : memref<8x4096xf32, #tpu.memory_space<vmem>>[vector<16xi32>, vector<16xi32>], vector<16xf32>,
        %parallel_loop3A_972 = arith.constant 16 : i32
        %parallel_loop3A_973 = arith.muli %parallel_loop3A_957, %parallel_loop3A_972 : i32
        %parallel_loop3A_974 = arith.constant 0 : i32
        %parallel_loop3A_975 = arith.constant 0 : i32
        %parallel_loop3A_976 = arith.constant 0 : i32
        %parallel_loop3A_977 = tpu.memref_slice %arg8[%parallel_loop3A_844, %parallel_loop3A_975, %parallel_loop3A_976] : memref<2x8x1024xf32, #tpu.memory_space<vmem>> -> memref<1x8x1024xf32, #tpu.memory_space<vmem>>
        %parallel_loop3A_978 = tpu.memref_squeeze %parallel_loop3A_977 : memref<1x8x1024xf32, #tpu.memory_space<vmem>> -> memref<8x1024xf32, #tpu.memory_space<vmem>>
        %parallel_loop3A_979 = arith.index_cast %parallel_loop3A_974 : i32 to index
        %parallel_loop3A_980 = arith.index_cast %parallel_loop3A_973 : i32 to index
        %parallel_loop3A_981 = tpu.vector_load %parallel_loop3A_978[%parallel_loop3A_979, %parallel_loop3A_980] {strides = array<i32>} : memref<8x1024xf32, #tpu.memory_space<vmem>>, vector<16xf32>,
        tpu.vector_store %parallel_loop3A_978[%parallel_loop3A_979, %parallel_loop3A_980], %parallel_loop3A_971 {strides = array<i32>} : memref<8x1024xf32, #tpu.memory_space<vmem>>, vector<16xf32>,
        %parallel_loop3A_982 = arith.constant 1 : i32
        %parallel_loop3A_983 = vector.broadcast %parallel_loop3A_982 : i32 to vector<16xi32>
        %parallel_loop3A_984 = arith.constant 0 : i32
        %parallel_loop3A_985 = arith.constant 0 : i32
        %parallel_loop3A_986 = tpu.memref_slice %arg7[%parallel_loop3A_843, %parallel_loop3A_984, %parallel_loop3A_985] : memref<2x8x4096xf32, #tpu.memory_space<vmem>> -> memref<1x8x4096xf32, #tpu.memory_space<vmem>>
        %parallel_loop3A_987 = tpu.memref_squeeze %parallel_loop3A_986 : memref<1x8x4096xf32, #tpu.memory_space<vmem>> -> memref<8x4096xf32, #tpu.memory_space<vmem>>
        %parallel_loop3A_988 = tpu.vector_load_idx %parallel_loop3A_987[%parallel_loop3A_983, %parallel_loop3A_964] : memref<8x4096xf32, #tpu.memory_space<vmem>>[vector<16xi32>, vector<16xi32>], vector<16xf32>,
        %parallel_loop3A_989 = arith.constant 16 : i32
        %parallel_loop3A_990 = arith.muli %parallel_loop3A_957, %parallel_loop3A_989 : i32
        %parallel_loop3A_991 = arith.constant 1 : i32
        %parallel_loop3A_992 = arith.constant 0 : i32
        %parallel_loop3A_993 = arith.constant 0 : i32
        %parallel_loop3A_994 = tpu.memref_slice %arg8[%parallel_loop3A_844, %parallel_loop3A_992, %parallel_loop3A_993] : memref<2x8x1024xf32, #tpu.memory_space<vmem>> -> memref<1x8x1024xf32, #tpu.memory_space<vmem>>
        %parallel_loop3A_995 = tpu.memref_squeeze %parallel_loop3A_994 : memref<1x8x1024xf32, #tpu.memory_space<vmem>> -> memref<8x1024xf32, #tpu.memory_space<vmem>>
        %parallel_loop3A_996 = arith.index_cast %parallel_loop3A_991 : i32 to index
        %parallel_loop3A_997 = arith.index_cast %parallel_loop3A_990 : i32 to index
        %parallel_loop3A_998 = tpu.vector_load %parallel_loop3A_995[%parallel_loop3A_996, %parallel_loop3A_997] {strides = array<i32>} : memref<8x1024xf32, #tpu.memory_space<vmem>>, vector<16xf32>,
        tpu.vector_store %parallel_loop3A_995[%parallel_loop3A_996, %parallel_loop3A_997], %parallel_loop3A_988 {strides = array<i32>} : memref<8x1024xf32, #tpu.memory_space<vmem>>, vector<16xf32>,
        %parallel_loop3A_999 = arith.constant 2 : i32
        %parallel_loop3A_1000 = vector.broadcast %parallel_loop3A_999 : i32 to vector<16xi32>
        %parallel_loop3A_1001 = arith.constant 0 : i32
        %parallel_loop3A_1002 = arith.constant 0 : i32
        %parallel_loop3A_1003 = tpu.memref_slice %arg7[%parallel_loop3A_843, %parallel_loop3A_1001, %parallel_loop3A_1002] : memref<2x8x4096xf32, #tpu.memory_space<vmem>> -> memref<1x8x4096xf32, #tpu.memory_space<vmem>>
        %parallel_loop3A_1004 = tpu.memref_squeeze %parallel_loop3A_1003 : memref<1x8x4096xf32, #tpu.memory_space<vmem>> -> memref<8x4096xf32, #tpu.memory_space<vmem>>
        %parallel_loop3A_1005 = tpu.vector_load_idx %parallel_loop3A_1004[%parallel_loop3A_1000, %parallel_loop3A_964] : memref<8x4096xf32, #tpu.memory_space<vmem>>[vector<16xi32>, vector<16xi32>], vector<16xf32>,
        %parallel_loop3A_1006 = arith.constant 16 : i32
        %parallel_loop3A_1007 = arith.muli %parallel_loop3A_957, %parallel_loop3A_1006 : i32
        %parallel_loop3A_1008 = arith.constant 2 : i32
        %parallel_loop3A_1009 = arith.constant 0 : i32
        %parallel_loop3A_1010 = arith.constant 0 : i32
        %parallel_loop3A_1011 = tpu.memref_slice %arg8[%parallel_loop3A_844, %parallel_loop3A_1009, %parallel_loop3A_1010] : memref<2x8x1024xf32, #tpu.memory_space<vmem>> -> memref<1x8x1024xf32, #tpu.memory_space<vmem>>
        %parallel_loop3A_1012 = tpu.memref_squeeze %parallel_loop3A_1011 : memref<1x8x1024xf32, #tpu.memory_space<vmem>> -> memref<8x1024xf32, #tpu.memory_space<vmem>>
        %parallel_loop3A_1013 = arith.index_cast %parallel_loop3A_1008 : i32 to index
        %parallel_loop3A_1014 = arith.index_cast %parallel_loop3A_1007 : i32 to index
        %parallel_loop3A_1015 = tpu.vector_load %parallel_loop3A_1012[%parallel_loop3A_1013, %parallel_loop3A_1014] {strides = array<i32>} : memref<8x1024xf32, #tpu.memory_space<vmem>>, vector<16xf32>,
        tpu.vector_store %parallel_loop3A_1012[%parallel_loop3A_1013, %parallel_loop3A_1014], %parallel_loop3A_1005 {strides = array<i32>} : memref<8x1024xf32, #tpu.memory_space<vmem>>, vector<16xf32>,
        %parallel_loop3A_1016 = arith.constant 3 : i32
        %parallel_loop3A_1017 = vector.broadcast %parallel_loop3A_1016 : i32 to vector<16xi32>
        %parallel_loop3A_1018 = arith.constant 0 : i32
        %parallel_loop3A_1019 = arith.constant 0 : i32
        %parallel_loop3A_1020 = tpu.memref_slice %arg7[%parallel_loop3A_843, %parallel_loop3A_1018, %parallel_loop3A_1019] : memref<2x8x4096xf32, #tpu.memory_space<vmem>> -> memref<1x8x4096xf32, #tpu.memory_space<vmem>>
        %parallel_loop3A_1021 = tpu.memref_squeeze %parallel_loop3A_1020 : memref<1x8x4096xf32, #tpu.memory_space<vmem>> -> memref<8x4096xf32, #tpu.memory_space<vmem>>
        %parallel_loop3A_1022 = tpu.vector_load_idx %parallel_loop3A_1021[%parallel_loop3A_1017, %parallel_loop3A_964] : memref<8x4096xf32, #tpu.memory_space<vmem>>[vector<16xi32>, vector<16xi32>], vector<16xf32>,
        %parallel_loop3A_1023 = arith.constant 16 : i32
        %parallel_loop3A_1024 = arith.muli %parallel_loop3A_957, %parallel_loop3A_1023 : i32
        %parallel_loop3A_1025 = arith.constant 3 : i32
        %parallel_loop3A_1026 = arith.constant 0 : i32
        %parallel_loop3A_1027 = arith.constant 0 : i32
        %parallel_loop3A_1028 = tpu.memref_slice %arg8[%parallel_loop3A_844, %parallel_loop3A_1026, %parallel_loop3A_1027] : memref<2x8x1024xf32, #tpu.memory_space<vmem>> -> memref<1x8x1024xf32, #tpu.memory_space<vmem>>
        %parallel_loop3A_1029 = tpu.memref_squeeze %parallel_loop3A_1028 : memref<1x8x1024xf32, #tpu.memory_space<vmem>> -> memref<8x1024xf32, #tpu.memory_space<vmem>>
        %parallel_loop3A_1030 = arith.index_cast %parallel_loop3A_1025 : i32 to index
        %parallel_loop3A_1031 = arith.index_cast %parallel_loop3A_1024 : i32 to index
        %parallel_loop3A_1032 = tpu.vector_load %parallel_loop3A_1029[%parallel_loop3A_1030, %parallel_loop3A_1031] {strides = array<i32>} : memref<8x1024xf32, #tpu.memory_space<vmem>>, vector<16xf32>,
        tpu.vector_store %parallel_loop3A_1029[%parallel_loop3A_1030, %parallel_loop3A_1031], %parallel_loop3A_1022 {strides = array<i32>} : memref<8x1024xf32, #tpu.memory_space<vmem>>, vector<16xf32>,
        %parallel_loop3A_1033 = arith.constant 4 : i32
        %parallel_loop3A_1034 = vector.broadcast %parallel_loop3A_1033 : i32 to vector<16xi32>
        %parallel_loop3A_1035 = arith.constant 0 : i32
        %parallel_loop3A_1036 = arith.constant 0 : i32
        %parallel_loop3A_1037 = tpu.memref_slice %arg7[%parallel_loop3A_843, %parallel_loop3A_1035, %parallel_loop3A_1036] : memref<2x8x4096xf32, #tpu.memory_space<vmem>> -> memref<1x8x4096xf32, #tpu.memory_space<vmem>>
        %parallel_loop3A_1038 = tpu.memref_squeeze %parallel_loop3A_1037 : memref<1x8x4096xf32, #tpu.memory_space<vmem>> -> memref<8x4096xf32, #tpu.memory_space<vmem>>
        %parallel_loop3A_1039 = tpu.vector_load_idx %parallel_loop3A_1038[%parallel_loop3A_1034, %parallel_loop3A_964] : memref<8x4096xf32, #tpu.memory_space<vmem>>[vector<16xi32>, vector<16xi32>], vector<16xf32>,
        %parallel_loop3A_1040 = arith.constant 16 : i32
        %parallel_loop3A_1041 = arith.muli %parallel_loop3A_957, %parallel_loop3A_1040 : i32
        %parallel_loop3A_1042 = arith.constant 4 : i32
        %parallel_loop3A_1043 = arith.constant 0 : i32
        %parallel_loop3A_1044 = arith.constant 0 : i32
        %parallel_loop3A_1045 = tpu.memref_slice %arg8[%parallel_loop3A_844, %parallel_loop3A_1043, %parallel_loop3A_1044] : memref<2x8x1024xf32, #tpu.memory_space<vmem>> -> memref<1x8x1024xf32, #tpu.memory_space<vmem>>
        %parallel_loop3A_1046 = tpu.memref_squeeze %parallel_loop3A_1045 : memref<1x8x1024xf32, #tpu.memory_space<vmem>> -> memref<8x1024xf32, #tpu.memory_space<vmem>>
        %parallel_loop3A_1047 = arith.index_cast %parallel_loop3A_1042 : i32 to index
        %parallel_loop3A_1048 = arith.index_cast %parallel_loop3A_1041 : i32 to index
        %parallel_loop3A_1049 = tpu.vector_load %parallel_loop3A_1046[%parallel_loop3A_1047, %parallel_loop3A_1048] {strides = array<i32>} : memref<8x1024xf32, #tpu.memory_space<vmem>>, vector<16xf32>,
        tpu.vector_store %parallel_loop3A_1046[%parallel_loop3A_1047, %parallel_loop3A_1048], %parallel_loop3A_1039 {strides = array<i32>} : memref<8x1024xf32, #tpu.memory_space<vmem>>, vector<16xf32>,
        %parallel_loop3A_1050 = arith.constant 5 : i32
        %parallel_loop3A_1051 = vector.broadcast %parallel_loop3A_1050 : i32 to vector<16xi32>
        %parallel_loop3A_1052 = arith.constant 0 : i32
        %parallel_loop3A_1053 = arith.constant 0 : i32
        %parallel_loop3A_1054 = tpu.memref_slice %arg7[%parallel_loop3A_843, %parallel_loop3A_1052, %parallel_loop3A_1053] : memref<2x8x4096xf32, #tpu.memory_space<vmem>> -> memref<1x8x4096xf32, #tpu.memory_space<vmem>>
        %parallel_loop3A_1055 = tpu.memref_squeeze %parallel_loop3A_1054 : memref<1x8x4096xf32, #tpu.memory_space<vmem>> -> memref<8x4096xf32, #tpu.memory_space<vmem>>
        %parallel_loop3A_1056 = tpu.vector_load_idx %parallel_loop3A_1055[%parallel_loop3A_1051, %parallel_loop3A_964] : memref<8x4096xf32, #tpu.memory_space<vmem>>[vector<16xi32>, vector<16xi32>], vector<16xf32>,
        %parallel_loop3A_1057 = arith.constant 16 : i32
        %parallel_loop3A_1058 = arith.muli %parallel_loop3A_957, %parallel_loop3A_1057 : i32
        %parallel_loop3A_1059 = arith.constant 5 : i32
        %parallel_loop3A_1060 = arith.constant 0 : i32
        %parallel_loop3A_1061 = arith.constant 0 : i32
        %parallel_loop3A_1062 = tpu.memref_slice %arg8[%parallel_loop3A_844, %parallel_loop3A_1060, %parallel_loop3A_1061] : memref<2x8x1024xf32, #tpu.memory_space<vmem>> -> memref<1x8x1024xf32, #tpu.memory_space<vmem>>
        %parallel_loop3A_1063 = tpu.memref_squeeze %parallel_loop3A_1062 : memref<1x8x1024xf32, #tpu.memory_space<vmem>> -> memref<8x1024xf32, #tpu.memory_space<vmem>>
        %parallel_loop3A_1064 = arith.index_cast %parallel_loop3A_1059 : i32 to index
        %parallel_loop3A_1065 = arith.index_cast %parallel_loop3A_1058 : i32 to index
        %parallel_loop3A_1066 = tpu.vector_load %parallel_loop3A_1063[%parallel_loop3A_1064, %parallel_loop3A_1065] {strides = array<i32>} : memref<8x1024xf32, #tpu.memory_space<vmem>>, vector<16xf32>,
        tpu.vector_store %parallel_loop3A_1063[%parallel_loop3A_1064, %parallel_loop3A_1065], %parallel_loop3A_1056 {strides = array<i32>} : memref<8x1024xf32, #tpu.memory_space<vmem>>, vector<16xf32>,
        %parallel_loop3A_1067 = arith.constant 6 : i32
        %parallel_loop3A_1068 = vector.broadcast %parallel_loop3A_1067 : i32 to vector<16xi32>
        %parallel_loop3A_1069 = arith.constant 0 : i32
        %parallel_loop3A_1070 = arith.constant 0 : i32
        %parallel_loop3A_1071 = tpu.memref_slice %arg7[%parallel_loop3A_843, %parallel_loop3A_1069, %parallel_loop3A_1070] : memref<2x8x4096xf32, #tpu.memory_space<vmem>> -> memref<1x8x4096xf32, #tpu.memory_space<vmem>>
        %parallel_loop3A_1072 = tpu.memref_squeeze %parallel_loop3A_1071 : memref<1x8x4096xf32, #tpu.memory_space<vmem>> -> memref<8x4096xf32, #tpu.memory_space<vmem>>
        %parallel_loop3A_1073 = tpu.vector_load_idx %parallel_loop3A_1072[%parallel_loop3A_1068, %parallel_loop3A_964] : memref<8x4096xf32, #tpu.memory_space<vmem>>[vector<16xi32>, vector<16xi32>], vector<16xf32>,
        %parallel_loop3A_1074 = arith.constant 16 : i32
        %parallel_loop3A_1075 = arith.muli %parallel_loop3A_957, %parallel_loop3A_1074 : i32
        %parallel_loop3A_1076 = arith.constant 6 : i32
        %parallel_loop3A_1077 = arith.constant 0 : i32
        %parallel_loop3A_1078 = arith.constant 0 : i32
        %parallel_loop3A_1079 = tpu.memref_slice %arg8[%parallel_loop3A_844, %parallel_loop3A_1077, %parallel_loop3A_1078] : memref<2x8x1024xf32, #tpu.memory_space<vmem>> -> memref<1x8x1024xf32, #tpu.memory_space<vmem>>
        %parallel_loop3A_1080 = tpu.memref_squeeze %parallel_loop3A_1079 : memref<1x8x1024xf32, #tpu.memory_space<vmem>> -> memref<8x1024xf32, #tpu.memory_space<vmem>>
        %parallel_loop3A_1081 = arith.index_cast %parallel_loop3A_1076 : i32 to index
        %parallel_loop3A_1082 = arith.index_cast %parallel_loop3A_1075 : i32 to index
        %parallel_loop3A_1083 = tpu.vector_load %parallel_loop3A_1080[%parallel_loop3A_1081, %parallel_loop3A_1082] {strides = array<i32>} : memref<8x1024xf32, #tpu.memory_space<vmem>>, vector<16xf32>,
        tpu.vector_store %parallel_loop3A_1080[%parallel_loop3A_1081, %parallel_loop3A_1082], %parallel_loop3A_1073 {strides = array<i32>} : memref<8x1024xf32, #tpu.memory_space<vmem>>, vector<16xf32>,
        %parallel_loop3A_1084 = arith.constant 7 : i32
        %parallel_loop3A_1085 = vector.broadcast %parallel_loop3A_1084 : i32 to vector<16xi32>
        %parallel_loop3A_1086 = arith.constant 0 : i32
        %parallel_loop3A_1087 = arith.constant 0 : i32
        %parallel_loop3A_1088 = tpu.memref_slice %arg7[%parallel_loop3A_843, %parallel_loop3A_1086, %parallel_loop3A_1087] : memref<2x8x4096xf32, #tpu.memory_space<vmem>> -> memref<1x8x4096xf32, #tpu.memory_space<vmem>>
        %parallel_loop3A_1089 = tpu.memref_squeeze %parallel_loop3A_1088 : memref<1x8x4096xf32, #tpu.memory_space<vmem>> -> memref<8x4096xf32, #tpu.memory_space<vmem>>
        %parallel_loop3A_1090 = tpu.vector_load_idx %parallel_loop3A_1089[%parallel_loop3A_1085, %parallel_loop3A_964] : memref<8x4096xf32, #tpu.memory_space<vmem>>[vector<16xi32>, vector<16xi32>], vector<16xf32>,
        %parallel_loop3A_1091 = arith.constant 16 : i32
        %parallel_loop3A_1092 = arith.muli %parallel_loop3A_957, %parallel_loop3A_1091 : i32
        %parallel_loop3A_1093 = arith.constant 7 : i32
        %parallel_loop3A_1094 = arith.constant 0 : i32
        %parallel_loop3A_1095 = arith.constant 0 : i32
        %parallel_loop3A_1096 = tpu.memref_slice %arg8[%parallel_loop3A_844, %parallel_loop3A_1094, %parallel_loop3A_1095] : memref<2x8x1024xf32, #tpu.memory_space<vmem>> -> memref<1x8x1024xf32, #tpu.memory_space<vmem>>
        %parallel_loop3A_1097 = tpu.memref_squeeze %parallel_loop3A_1096 : memref<1x8x1024xf32, #tpu.memory_space<vmem>> -> memref<8x1024xf32, #tpu.memory_space<vmem>>
        %parallel_loop3A_1098 = arith.index_cast %parallel_loop3A_1093 : i32 to index
        %parallel_loop3A_1099 = arith.index_cast %parallel_loop3A_1092 : i32 to index
        %parallel_loop3A_1100 = tpu.vector_load %parallel_loop3A_1097[%parallel_loop3A_1098, %parallel_loop3A_1099] {strides = array<i32>} : memref<8x1024xf32, #tpu.memory_space<vmem>>, vector<16xf32>,
        tpu.vector_store %parallel_loop3A_1097[%parallel_loop3A_1098, %parallel_loop3A_1099], %parallel_loop3A_1090 {strides = array<i32>} : memref<8x1024xf32, #tpu.memory_space<vmem>>, vector<16xf32>,
      } {sc.loop_unroll_factor = 8 : i64, sc.parallel_access}
      %barrier3A = arith.constant 0 : index
      tpu.barrier barrier_id(%barrier3A)
      %add3A_845 = arith.constant 1 : i32
      %add3A_846 = arith.addi %add3A_738, %add3A_845 : i32
      %add3A_847 = arith.constant 1 : i32
      %add3A_848 = arith.addi %add3A_846, %add3A_847 : i32
      %lt3A_849 = arith.constant 64 : i32
      %lt3A_850 = arith.cmpi slt, %add3A_848, %lt3A_849 : i32
      %convert_element_type3A_851 = arith.extui %lt3A_850 : i1 to i32
      %cond3A_852 = arith.constant 0 : i32
      %cond3A_853 = arith.cmpi ne, %convert_element_type3A_851, %cond3A_852 : i32
      scf.if %cond3A_853 {
        %add3A_957 = arith.constant 1 : i32
        %add3A_958 = arith.addi %add3A_846, %add3A_957 : i32
        %mul3A_959 = arith.constant 8 : i32
        %mul3A_960 = arith.muli %add3A_958, %mul3A_959 : i32
        %add3A_961 = arith.addi %mul3A_512, %mul3A_960 : i32
        %add3A_962 = arith.constant 0 : i32
        %add3A_963 = arith.addi %add3A_961, %add3A_962 : i32
        %add3A_964 = arith.constant 2 : i32
        %add3A_965 = arith.addi %add3A_961, %add3A_964 : i32
        %add3A_966 = arith.constant 4 : i32
        %add3A_967 = arith.addi %add3A_961, %add3A_966 : i32
        %add3A_968 = arith.constant 6 : i32
        %add3A_969 = arith.addi %add3A_961, %add3A_968 : i32
        %dma_start3A_970 = arith.constant 0 : i32
        %dma_start3A_971 = arith.constant 0 : i32
        %dma_start3A_972 = arith.constant 0 : i32
        %dma_start3A_973 = tpu.memref_slice %arg7[%dma_start3A_970, %dma_start3A_971, %dma_start3A_972] : memref<2x8x4096xf32, #tpu.memory_space<vmem>> -> memref<1x8x4096xf32, #tpu.memory_space<vmem>>
        %dma_start3A_974 = tpu.memref_squeeze %dma_start3A_973 : memref<1x8x4096xf32, #tpu.memory_space<vmem>> -> memref<8x4096xf32, #tpu.memory_space<vmem>>
        %dma_start3A_975 = arith.constant 0 : i32
        %dma_start3A_976 = arith.constant 0 : i32
        %dma_start3A_977 = tpu.memref_slice %dma_start3A_974[%dma_start3A_975, %dma_start3A_976] : memref<8x4096xf32, #tpu.memory_space<vmem>> -> memref<2x4096xf32, #tpu.memory_space<vmem>>
        %dma_start3A_978 = arith.constant 0 : i32
        %dma_start3A_979 = tpu.memref_slice %arg3[%add3A_963, %dma_start3A_978] : memref<16384x4096xf32, #tpu.memory_space<hbm>> -> memref<2x4096xf32, #tpu.memory_space<hbm>>
        %dma_start3A_980 = arith.constant 0 : i32
        %dma_start3A_981 = arith.constant 0 : i32
        %dma_start3A_982 = tpu.memref_slice %arg7[%dma_start3A_970, %dma_start3A_980, %dma_start3A_981] : memref<2x8x4096xf32, #tpu.memory_space<vmem>> -> memref<1x8x4096xf32, #tpu.memory_space<vmem>>
        %dma_start3A_983 = tpu.memref_squeeze %dma_start3A_982 : memref<1x8x4096xf32, #tpu.memory_space<vmem>> -> memref<8x4096xf32, #tpu.memory_space<vmem>>
        %dma_start3A_984 = arith.constant 0 : i32
        %dma_start3A_985 = arith.constant 0 : i32
        %dma_start3A_986 = tpu.memref_slice %dma_start3A_983[%dma_start3A_984, %dma_start3A_985] : memref<8x4096xf32, #tpu.memory_space<vmem>> -> memref<2x4096xf32, #tpu.memory_space<vmem>>
        %dma_start3A_987 = arith.constant 0 : i32
        %dma_start3A_988 = tpu.memref_slice %arg3[%add3A_963, %dma_start3A_987] : memref<16384x4096xf32, #tpu.memory_space<hbm>> -> memref<2x4096xf32, #tpu.memory_space<hbm>>
        tpu.enqueue_dma source(%dma_start3A_988 : memref<2x4096xf32, #tpu.memory_space<hbm>>) target(%dma_start3A_986 : memref<2x4096xf32, #tpu.memory_space<vmem>>) target_semaphore(%arg9 : memref<!tpu.dma_semaphore, #tpu.memory_space<semaphore_mem>>)
        %dma_start3A_989 = arith.constant 0 : i32
        %dma_start3A_990 = arith.constant 0 : i32
        %dma_start3A_991 = arith.constant 0 : i32
        %dma_start3A_992 = tpu.memref_slice %arg7[%dma_start3A_989, %dma_start3A_990, %dma_start3A_991] : memref<2x8x4096xf32, #tpu.memory_space<vmem>> -> memref<1x8x4096xf32, #tpu.memory_space<vmem>>
        %dma_start3A_993 = tpu.memref_squeeze %dma_start3A_992 : memref<1x8x4096xf32, #tpu.memory_space<vmem>> -> memref<8x4096xf32, #tpu.memory_space<vmem>>
        %dma_start3A_994 = arith.constant 2 : i32
        %dma_start3A_995 = arith.constant 0 : i32
        %dma_start3A_996 = tpu.memref_slice %dma_start3A_993[%dma_start3A_994, %dma_start3A_995] : memref<8x4096xf32, #tpu.memory_space<vmem>> -> memref<2x4096xf32, #tpu.memory_space<vmem>>
        %dma_start3A_997 = arith.constant 0 : i32
        %dma_start3A_998 = tpu.memref_slice %arg3[%add3A_965, %dma_start3A_997] : memref<16384x4096xf32, #tpu.memory_space<hbm>> -> memref<2x4096xf32, #tpu.memory_space<hbm>>
        %dma_start3A_999 = arith.constant 0 : i32
        %dma_start3A_1000 = arith.constant 0 : i32
        %dma_start3A_1001 = tpu.memref_slice %arg7[%dma_start3A_989, %dma_start3A_999, %dma_start3A_1000] : memref<2x8x4096xf32, #tpu.memory_space<vmem>> -> memref<1x8x4096xf32, #tpu.memory_space<vmem>>
        %dma_start3A_1002 = tpu.memref_squeeze %dma_start3A_1001 : memref<1x8x4096xf32, #tpu.memory_space<vmem>> -> memref<8x4096xf32, #tpu.memory_space<vmem>>
        %dma_start3A_1003 = arith.constant 2 : i32
        %dma_start3A_1004 = arith.constant 0 : i32
        %dma_start3A_1005 = tpu.memref_slice %dma_start3A_1002[%dma_start3A_1003, %dma_start3A_1004] : memref<8x4096xf32, #tpu.memory_space<vmem>> -> memref<2x4096xf32, #tpu.memory_space<vmem>>
        %dma_start3A_1006 = arith.constant 0 : i32
        %dma_start3A_1007 = tpu.memref_slice %arg3[%add3A_965, %dma_start3A_1006] : memref<16384x4096xf32, #tpu.memory_space<hbm>> -> memref<2x4096xf32, #tpu.memory_space<hbm>>
        tpu.enqueue_dma source(%dma_start3A_1007 : memref<2x4096xf32, #tpu.memory_space<hbm>>) target(%dma_start3A_1005 : memref<2x4096xf32, #tpu.memory_space<vmem>>) target_semaphore(%arg10 : memref<!tpu.dma_semaphore, #tpu.memory_space<semaphore_mem>>)
        %dma_start3A_1008 = arith.constant 0 : i32
        %dma_start3A_1009 = arith.constant 0 : i32
        %dma_start3A_1010 = arith.constant 0 : i32
        %dma_start3A_1011 = tpu.memref_slice %arg7[%dma_start3A_1008, %dma_start3A_1009, %dma_start3A_1010] : memref<2x8x4096xf32, #tpu.memory_space<vmem>> -> memref<1x8x4096xf32, #tpu.memory_space<vmem>>
        %dma_start3A_1012 = tpu.memref_squeeze %dma_start3A_1011 : memref<1x8x4096xf32, #tpu.memory_space<vmem>> -> memref<8x4096xf32, #tpu.memory_space<vmem>>
        %dma_start3A_1013 = arith.constant 4 : i32
        %dma_start3A_1014 = arith.constant 0 : i32
        %dma_start3A_1015 = tpu.memref_slice %dma_start3A_1012[%dma_start3A_1013, %dma_start3A_1014] : memref<8x4096xf32, #tpu.memory_space<vmem>> -> memref<2x4096xf32, #tpu.memory_space<vmem>>
        %dma_start3A_1016 = arith.constant 0 : i32
        %dma_start3A_1017 = tpu.memref_slice %arg3[%add3A_967, %dma_start3A_1016] : memref<16384x4096xf32, #tpu.memory_space<hbm>> -> memref<2x4096xf32, #tpu.memory_space<hbm>>
        %dma_start3A_1018 = arith.constant 0 : i32
        %dma_start3A_1019 = arith.constant 0 : i32
        %dma_start3A_1020 = tpu.memref_slice %arg7[%dma_start3A_1008, %dma_start3A_1018, %dma_start3A_1019] : memref<2x8x4096xf32, #tpu.memory_space<vmem>> -> memref<1x8x4096xf32, #tpu.memory_space<vmem>>
        %dma_start3A_1021 = tpu.memref_squeeze %dma_start3A_1020 : memref<1x8x4096xf32, #tpu.memory_space<vmem>> -> memref<8x4096xf32, #tpu.memory_space<vmem>>
        %dma_start3A_1022 = arith.constant 4 : i32
        %dma_start3A_1023 = arith.constant 0 : i32
        %dma_start3A_1024 = tpu.memref_slice %dma_start3A_1021[%dma_start3A_1022, %dma_start3A_1023] : memref<8x4096xf32, #tpu.memory_space<vmem>> -> memref<2x4096xf32, #tpu.memory_space<vmem>>
        %dma_start3A_1025 = arith.constant 0 : i32
        %dma_start3A_1026 = tpu.memref_slice %arg3[%add3A_967, %dma_start3A_1025] : memref<16384x4096xf32, #tpu.memory_space<hbm>> -> memref<2x4096xf32, #tpu.memory_space<hbm>>
        tpu.enqueue_dma source(%dma_start3A_1026 : memref<2x4096xf32, #tpu.memory_space<hbm>>) target(%dma_start3A_1024 : memref<2x4096xf32, #tpu.memory_space<vmem>>) target_semaphore(%arg11 : memref<!tpu.dma_semaphore, #tpu.memory_space<semaphore_mem>>)
        %dma_start3A_1027 = arith.constant 0 : i32
        %dma_start3A_1028 = arith.constant 0 : i32
        %dma_start3A_1029 = arith.constant 0 : i32
        %dma_start3A_1030 = tpu.memref_slice %arg7[%dma_start3A_1027, %dma_start3A_1028, %dma_start3A_1029] : memref<2x8x4096xf32, #tpu.memory_space<vmem>> -> memref<1x8x4096xf32, #tpu.memory_space<vmem>>
        %dma_start3A_1031 = tpu.memref_squeeze %dma_start3A_1030 : memref<1x8x4096xf32, #tpu.memory_space<vmem>> -> memref<8x4096xf32, #tpu.memory_space<vmem>>
        %dma_start3A_1032 = arith.constant 6 : i32
        %dma_start3A_1033 = arith.constant 0 : i32
        %dma_start3A_1034 = tpu.memref_slice %dma_start3A_1031[%dma_start3A_1032, %dma_start3A_1033] : memref<8x4096xf32, #tpu.memory_space<vmem>> -> memref<2x4096xf32, #tpu.memory_space<vmem>>
        %dma_start3A_1035 = arith.constant 0 : i32
        %dma_start3A_1036 = tpu.memref_slice %arg3[%add3A_969, %dma_start3A_1035] : memref<16384x4096xf32, #tpu.memory_space<hbm>> -> memref<2x4096xf32, #tpu.memory_space<hbm>>
        %dma_start3A_1037 = arith.constant 0 : i32
        %dma_start3A_1038 = arith.constant 0 : i32
        %dma_start3A_1039 = tpu.memref_slice %arg7[%dma_start3A_1027, %dma_start3A_1037, %dma_start3A_1038] : memref<2x8x4096xf32, #tpu.memory_space<vmem>> -> memref<1x8x4096xf32, #tpu.memory_space<vmem>>
        %dma_start3A_1040 = tpu.memref_squeeze %dma_start3A_1039 : memref<1x8x4096xf32, #tpu.memory_space<vmem>> -> memref<8x4096xf32, #tpu.memory_space<vmem>>
        %dma_start3A_1041 = arith.constant 6 : i32
        %dma_start3A_1042 = arith.constant 0 : i32
        %dma_start3A_1043 = tpu.memref_slice %dma_start3A_1040[%dma_start3A_1041, %dma_start3A_1042] : memref<8x4096xf32, #tpu.memory_space<vmem>> -> memref<2x4096xf32, #tpu.memory_space<vmem>>
        %dma_start3A_1044 = arith.constant 0 : i32
        %dma_start3A_1045 = tpu.memref_slice %arg3[%add3A_969, %dma_start3A_1044] : memref<16384x4096xf32, #tpu.memory_space<hbm>> -> memref<2x4096xf32, #tpu.memory_space<hbm>>
        tpu.enqueue_dma source(%dma_start3A_1045 : memref<2x4096xf32, #tpu.memory_space<hbm>>) target(%dma_start3A_1043 : memref<2x4096xf32, #tpu.memory_space<vmem>>) target_semaphore(%arg12 : memref<!tpu.dma_semaphore, #tpu.memory_space<semaphore_mem>>)
      } else {
      }
      %mul3A_854 = arith.constant 8 : i32
      %mul3A_855 = arith.muli %add3A_846, %mul3A_854 : i32
      %add3A_856 = arith.addi %mul3A_512, %mul3A_855 : i32
      %add3A_857 = arith.constant 0 : i32
      %add3A_858 = arith.addi %add3A_856, %add3A_857 : i32
      %add3A_859 = arith.constant 2 : i32
      %add3A_860 = arith.addi %add3A_856, %add3A_859 : i32
      %add3A_861 = arith.constant 4 : i32
      %add3A_862 = arith.addi %add3A_856, %add3A_861 : i32
      %add3A_863 = arith.constant 6 : i32
      %add3A_864 = arith.addi %add3A_856, %add3A_863 : i32
      %dma_wait3A_865 = arith.constant 1 : i32
      %dma_wait3A_866 = arith.constant 0 : i32
      %dma_wait3A_867 = arith.constant 0 : i32
      %dma_wait3A_868 = tpu.memref_slice %arg7[%dma_wait3A_865, %dma_wait3A_866, %dma_wait3A_867] : memref<2x8x4096xf32, #tpu.memory_space<vmem>> -> memref<1x8x4096xf32, #tpu.memory_space<vmem>>
      %dma_wait3A_869 = tpu.memref_squeeze %dma_wait3A_868 : memref<1x8x4096xf32, #tpu.memory_space<vmem>> -> memref<8x4096xf32, #tpu.memory_space<vmem>>
      %dma_wait3A_870 = arith.constant 0 : i32
      %dma_wait3A_871 = arith.constant 0 : i32
      %dma_wait3A_872 = tpu.memref_slice %dma_wait3A_869[%dma_wait3A_870, %dma_wait3A_871] : memref<8x4096xf32, #tpu.memory_space<vmem>> -> memref<2x4096xf32, #tpu.memory_space<vmem>>
      %dma_wait3A_873 = arith.constant 0 : i32
      %dma_wait3A_874 = tpu.memref_slice %arg3[%add3A_858, %dma_wait3A_873] : memref<16384x4096xf32, #tpu.memory_space<hbm>> -> memref<2x4096xf32, #tpu.memory_space<hbm>>
      %dma_wait3A_875 = arith.constant 0 : i32
      %dma_wait3A_876 = arith.constant 0 : i32
      %dma_wait3A_877 = tpu.memref_slice %arg7[%dma_wait3A_865, %dma_wait3A_875, %dma_wait3A_876] : memref<2x8x4096xf32, #tpu.memory_space<vmem>> -> memref<1x8x4096xf32, #tpu.memory_space<vmem>>
      %dma_wait3A_878 = tpu.memref_squeeze %dma_wait3A_877 : memref<1x8x4096xf32, #tpu.memory_space<vmem>> -> memref<8x4096xf32, #tpu.memory_space<vmem>>
      %dma_wait3A_879 = arith.constant 0 : i32
      %dma_wait3A_880 = arith.constant 0 : i32
      %dma_wait3A_881 = tpu.memref_slice %dma_wait3A_878[%dma_wait3A_879, %dma_wait3A_880] : memref<8x4096xf32, #tpu.memory_space<vmem>> -> memref<2x4096xf32, #tpu.memory_space<vmem>>
      %dma_wait3A_882 = arith.constant 0 : i32
      %dma_wait3A_883 = tpu.memref_slice %arg3[%add3A_858, %dma_wait3A_882] : memref<16384x4096xf32, #tpu.memory_space<hbm>> -> memref<2x4096xf32, #tpu.memory_space<hbm>>
      tpu.wait_dma2 semaphore(%arg13 : memref<!tpu.dma_semaphore, #tpu.memory_space<semaphore_mem>>) src(%dma_wait3A_883 : memref<2x4096xf32, #tpu.memory_space<hbm>>) dst(%dma_wait3A_881 : memref<2x4096xf32, #tpu.memory_space<vmem>>)
      %dma_wait3A_884 = arith.constant 1 : i32
      %dma_wait3A_885 = arith.constant 0 : i32
      %dma_wait3A_886 = arith.constant 0 : i32
      %dma_wait3A_887 = tpu.memref_slice %arg7[%dma_wait3A_884, %dma_wait3A_885, %dma_wait3A_886] : memref<2x8x4096xf32, #tpu.memory_space<vmem>> -> memref<1x8x4096xf32, #tpu.memory_space<vmem>>
      %dma_wait3A_888 = tpu.memref_squeeze %dma_wait3A_887 : memref<1x8x4096xf32, #tpu.memory_space<vmem>> -> memref<8x4096xf32, #tpu.memory_space<vmem>>
      %dma_wait3A_889 = arith.constant 2 : i32
      %dma_wait3A_890 = arith.constant 0 : i32
      %dma_wait3A_891 = tpu.memref_slice %dma_wait3A_888[%dma_wait3A_889, %dma_wait3A_890] : memref<8x4096xf32, #tpu.memory_space<vmem>> -> memref<2x4096xf32, #tpu.memory_space<vmem>>
      %dma_wait3A_892 = arith.constant 0 : i32
      %dma_wait3A_893 = tpu.memref_slice %arg3[%add3A_860, %dma_wait3A_892] : memref<16384x4096xf32, #tpu.memory_space<hbm>> -> memref<2x4096xf32, #tpu.memory_space<hbm>>
      %dma_wait3A_894 = arith.constant 0 : i32
      %dma_wait3A_895 = arith.constant 0 : i32
      %dma_wait3A_896 = tpu.memref_slice %arg7[%dma_wait3A_884, %dma_wait3A_894, %dma_wait3A_895] : memref<2x8x4096xf32, #tpu.memory_space<vmem>> -> memref<1x8x4096xf32, #tpu.memory_space<vmem>>
      %dma_wait3A_897 = tpu.memref_squeeze %dma_wait3A_896 : memref<1x8x4096xf32, #tpu.memory_space<vmem>> -> memref<8x4096xf32, #tpu.memory_space<vmem>>
      %dma_wait3A_898 = arith.constant 2 : i32
      %dma_wait3A_899 = arith.constant 0 : i32
      %dma_wait3A_900 = tpu.memref_slice %dma_wait3A_897[%dma_wait3A_898, %dma_wait3A_899] : memref<8x4096xf32, #tpu.memory_space<vmem>> -> memref<2x4096xf32, #tpu.memory_space<vmem>>
      %dma_wait3A_901 = arith.constant 0 : i32
      %dma_wait3A_902 = tpu.memref_slice %arg3[%add3A_860, %dma_wait3A_901] : memref<16384x4096xf32, #tpu.memory_space<hbm>> -> memref<2x4096xf32, #tpu.memory_space<hbm>>
      tpu.wait_dma2 semaphore(%arg14 : memref<!tpu.dma_semaphore, #tpu.memory_space<semaphore_mem>>) src(%dma_wait3A_902 : memref<2x4096xf32, #tpu.memory_space<hbm>>) dst(%dma_wait3A_900 : memref<2x4096xf32, #tpu.memory_space<vmem>>)
      %dma_wait3A_903 = arith.constant 1 : i32
      %dma_wait3A_904 = arith.constant 0 : i32
      %dma_wait3A_905 = arith.constant 0 : i32
      %dma_wait3A_906 = tpu.memref_slice %arg7[%dma_wait3A_903, %dma_wait3A_904, %dma_wait3A_905] : memref<2x8x4096xf32, #tpu.memory_space<vmem>> -> memref<1x8x4096xf32, #tpu.memory_space<vmem>>
      %dma_wait3A_907 = tpu.memref_squeeze %dma_wait3A_906 : memref<1x8x4096xf32, #tpu.memory_space<vmem>> -> memref<8x4096xf32, #tpu.memory_space<vmem>>
      %dma_wait3A_908 = arith.constant 4 : i32
      %dma_wait3A_909 = arith.constant 0 : i32
      %dma_wait3A_910 = tpu.memref_slice %dma_wait3A_907[%dma_wait3A_908, %dma_wait3A_909] : memref<8x4096xf32, #tpu.memory_space<vmem>> -> memref<2x4096xf32, #tpu.memory_space<vmem>>
      %dma_wait3A_911 = arith.constant 0 : i32
      %dma_wait3A_912 = tpu.memref_slice %arg3[%add3A_862, %dma_wait3A_911] : memref<16384x4096xf32, #tpu.memory_space<hbm>> -> memref<2x4096xf32, #tpu.memory_space<hbm>>
      %dma_wait3A_913 = arith.constant 0 : i32
      %dma_wait3A_914 = arith.constant 0 : i32
      %dma_wait3A_915 = tpu.memref_slice %arg7[%dma_wait3A_903, %dma_wait3A_913, %dma_wait3A_914] : memref<2x8x4096xf32, #tpu.memory_space<vmem>> -> memref<1x8x4096xf32, #tpu.memory_space<vmem>>
      %dma_wait3A_916 = tpu.memref_squeeze %dma_wait3A_915 : memref<1x8x4096xf32, #tpu.memory_space<vmem>> -> memref<8x4096xf32, #tpu.memory_space<vmem>>
      %dma_wait3A_917 = arith.constant 4 : i32
      %dma_wait3A_918 = arith.constant 0 : i32
      %dma_wait3A_919 = tpu.memref_slice %dma_wait3A_916[%dma_wait3A_917, %dma_wait3A_918] : memref<8x4096xf32, #tpu.memory_space<vmem>> -> memref<2x4096xf32, #tpu.memory_space<vmem>>
      %dma_wait3A_920 = arith.constant 0 : i32
      %dma_wait3A_921 = tpu.memref_slice %arg3[%add3A_862, %dma_wait3A_920] : memref<16384x4096xf32, #tpu.memory_space<hbm>> -> memref<2x4096xf32, #tpu.memory_space<hbm>>
      tpu.wait_dma2 semaphore(%arg15 : memref<!tpu.dma_semaphore, #tpu.memory_space<semaphore_mem>>) src(%dma_wait3A_921 : memref<2x4096xf32, #tpu.memory_space<hbm>>) dst(%dma_wait3A_919 : memref<2x4096xf32, #tpu.memory_space<vmem>>)
      %dma_wait3A_922 = arith.constant 1 : i32
      %dma_wait3A_923 = arith.constant 0 : i32
      %dma_wait3A_924 = arith.constant 0 : i32
      %dma_wait3A_925 = tpu.memref_slice %arg7[%dma_wait3A_922, %dma_wait3A_923, %dma_wait3A_924] : memref<2x8x4096xf32, #tpu.memory_space<vmem>> -> memref<1x8x4096xf32, #tpu.memory_space<vmem>>
      %dma_wait3A_926 = tpu.memref_squeeze %dma_wait3A_925 : memref<1x8x4096xf32, #tpu.memory_space<vmem>> -> memref<8x4096xf32, #tpu.memory_space<vmem>>
      %dma_wait3A_927 = arith.constant 6 : i32
      %dma_wait3A_928 = arith.constant 0 : i32
      %dma_wait3A_929 = tpu.memref_slice %dma_wait3A_926[%dma_wait3A_927, %dma_wait3A_928] : memref<8x4096xf32, #tpu.memory_space<vmem>> -> memref<2x4096xf32, #tpu.memory_space<vmem>>
      %dma_wait3A_930 = arith.constant 0 : i32
      %dma_wait3A_931 = tpu.memref_slice %arg3[%add3A_864, %dma_wait3A_930] : memref<16384x4096xf32, #tpu.memory_space<hbm>> -> memref<2x4096xf32, #tpu.memory_space<hbm>>
      %dma_wait3A_932 = arith.constant 0 : i32
      %dma_wait3A_933 = arith.constant 0 : i32
      %dma_wait3A_934 = tpu.memref_slice %arg7[%dma_wait3A_922, %dma_wait3A_932, %dma_wait3A_933] : memref<2x8x4096xf32, #tpu.memory_space<vmem>> -> memref<1x8x4096xf32, #tpu.memory_space<vmem>>
      %dma_wait3A_935 = tpu.memref_squeeze %dma_wait3A_934 : memref<1x8x4096xf32, #tpu.memory_space<vmem>> -> memref<8x4096xf32, #tpu.memory_space<vmem>>
      %dma_wait3A_936 = arith.constant 6 : i32
      %dma_wait3A_937 = arith.constant 0 : i32
      %dma_wait3A_938 = tpu.memref_slice %dma_wait3A_935[%dma_wait3A_936, %dma_wait3A_937] : memref<8x4096xf32, #tpu.memory_space<vmem>> -> memref<2x4096xf32, #tpu.memory_space<vmem>>
      %dma_wait3A_939 = arith.constant 0 : i32
      %dma_wait3A_940 = tpu.memref_slice %arg3[%add3A_864, %dma_wait3A_939] : memref<16384x4096xf32, #tpu.memory_space<hbm>> -> memref<2x4096xf32, #tpu.memory_space<hbm>>
      tpu.wait_dma2 semaphore(%arg16 : memref<!tpu.dma_semaphore, #tpu.memory_space<semaphore_mem>>) src(%dma_wait3A_940 : memref<2x4096xf32, #tpu.memory_space<hbm>>) dst(%dma_wait3A_938 : memref<2x4096xf32, #tpu.memory_space<vmem>>)
      %ge3A_941 = arith.constant 1 : i32
      %ge3A_942 = arith.cmpi sge, %add3A_846, %ge3A_941 : i32
      %convert_element_type3A_943 = arith.extui %ge3A_942 : i1 to i32
      %cond3A_944 = arith.constant 0 : i32
      %cond3A_945 = arith.cmpi ne, %convert_element_type3A_943, %cond3A_944 : i32
      scf.if %cond3A_945 {
        %sub3A = arith.constant 1 : i32
        %sub3A_957 = arith.subi %add3A_846, %sub3A : i32
        %mul3A_958 = arith.constant 8 : i32
        %mul3A_959 = arith.muli %sub3A_957, %mul3A_958 : i32
        %add3A_960 = arith.addi %mul3A_512, %mul3A_959 : i32
        %add3A_961 = arith.constant 0 : i32
        %add3A_962 = arith.addi %add3A_960, %add3A_961 : i32
        %add3A_963 = arith.constant 4 : i32
        %add3A_964 = arith.addi %add3A_960, %add3A_963 : i32
        %dma_start3A_965 = arith.constant 0 : i32
        %dma_start3A_966 = arith.constant 0 : i32
        %dma_start3A_967 = arith.constant 0 : i32
        %dma_start3A_968 = tpu.memref_slice %arg8[%dma_start3A_965, %dma_start3A_966, %dma_start3A_967] : memref<2x8x1024xf32, #tpu.memory_space<vmem>> -> memref<1x8x1024xf32, #tpu.memory_space<vmem>>
        %dma_start3A_969 = tpu.memref_squeeze %dma_start3A_968 : memref<1x8x1024xf32, #tpu.memory_space<vmem>> -> memref<8x1024xf32, #tpu.memory_space<vmem>>
        %dma_start3A_970 = arith.constant 0 : i32
        %dma_start3A_971 = arith.constant 0 : i32
        %dma_start3A_972 = tpu.memref_slice %dma_start3A_969[%dma_start3A_970, %dma_start3A_971] : memref<8x1024xf32, #tpu.memory_space<vmem>> -> memref<4x1024xf32, #tpu.memory_space<vmem>>
        %dma_start3A_973 = arith.constant 0 : i32
        %dma_start3A_974 = tpu.memref_slice %arg4[%add3A_962, %dma_start3A_973] : memref<16384x1024xf32, #tpu.memory_space<hbm>> -> memref<4x1024xf32, #tpu.memory_space<hbm>>
        %dma_start3A_975 = arith.constant 0 : i32
        %dma_start3A_976 = tpu.memref_slice %arg4[%add3A_962, %dma_start3A_975] : memref<16384x1024xf32, #tpu.memory_space<hbm>> -> memref<4x1024xf32, #tpu.memory_space<hbm>>
        %dma_start3A_977 = arith.constant 0 : i32
        %dma_start3A_978 = arith.constant 0 : i32
        %dma_start3A_979 = tpu.memref_slice %arg8[%dma_start3A_965, %dma_start3A_977, %dma_start3A_978] : memref<2x8x1024xf32, #tpu.memory_space<vmem>> -> memref<1x8x1024xf32, #tpu.memory_space<vmem>>
        %dma_start3A_980 = tpu.memref_squeeze %dma_start3A_979 : memref<1x8x1024xf32, #tpu.memory_space<vmem>> -> memref<8x1024xf32, #tpu.memory_space<vmem>>
        %dma_start3A_981 = arith.constant 0 : i32
        %dma_start3A_982 = arith.constant 0 : i32
        %dma_start3A_983 = tpu.memref_slice %dma_start3A_980[%dma_start3A_981, %dma_start3A_982] : memref<8x1024xf32, #tpu.memory_space<vmem>> -> memref<4x1024xf32, #tpu.memory_space<vmem>>
        tpu.enqueue_dma source(%dma_start3A_983 : memref<4x1024xf32, #tpu.memory_space<vmem>>) target(%dma_start3A_976 : memref<4x1024xf32, #tpu.memory_space<hbm>>) target_semaphore(%arg17 : memref<!tpu.dma_semaphore, #tpu.memory_space<semaphore_mem>>)
        %dma_start3A_984 = arith.constant 0 : i32
        %dma_start3A_985 = arith.constant 0 : i32
        %dma_start3A_986 = arith.constant 0 : i32
        %dma_start3A_987 = tpu.memref_slice %arg8[%dma_start3A_984, %dma_start3A_985, %dma_start3A_986] : memref<2x8x1024xf32, #tpu.memory_space<vmem>> -> memref<1x8x1024xf32, #tpu.memory_space<vmem>>
        %dma_start3A_988 = tpu.memref_squeeze %dma_start3A_987 : memref<1x8x1024xf32, #tpu.memory_space<vmem>> -> memref<8x1024xf32, #tpu.memory_space<vmem>>
        %dma_start3A_989 = arith.constant 4 : i32
        %dma_start3A_990 = arith.constant 0 : i32
        %dma_start3A_991 = tpu.memref_slice %dma_start3A_988[%dma_start3A_989, %dma_start3A_990] : memref<8x1024xf32, #tpu.memory_space<vmem>> -> memref<4x1024xf32, #tpu.memory_space<vmem>>
        %dma_start3A_992 = arith.constant 0 : i32
        %dma_start3A_993 = tpu.memref_slice %arg4[%add3A_964, %dma_start3A_992] : memref<16384x1024xf32, #tpu.memory_space<hbm>> -> memref<4x1024xf32, #tpu.memory_space<hbm>>
        %dma_start3A_994 = arith.constant 0 : i32
        %dma_start3A_995 = tpu.memref_slice %arg4[%add3A_964, %dma_start3A_994] : memref<16384x1024xf32, #tpu.memory_space<hbm>> -> memref<4x1024xf32, #tpu.memory_space<hbm>>
        %dma_start3A_996 = arith.constant 0 : i32
        %dma_start3A_997 = arith.constant 0 : i32
        %dma_start3A_998 = tpu.memref_slice %arg8[%dma_start3A_984, %dma_start3A_996, %dma_start3A_997] : memref<2x8x1024xf32, #tpu.memory_space<vmem>> -> memref<1x8x1024xf32, #tpu.memory_space<vmem>>
        %dma_start3A_999 = tpu.memref_squeeze %dma_start3A_998 : memref<1x8x1024xf32, #tpu.memory_space<vmem>> -> memref<8x1024xf32, #tpu.memory_space<vmem>>
        %dma_start3A_1000 = arith.constant 4 : i32
        %dma_start3A_1001 = arith.constant 0 : i32
        %dma_start3A_1002 = tpu.memref_slice %dma_start3A_999[%dma_start3A_1000, %dma_start3A_1001] : memref<8x1024xf32, #tpu.memory_space<vmem>> -> memref<4x1024xf32, #tpu.memory_space<vmem>>
        tpu.enqueue_dma source(%dma_start3A_1002 : memref<4x1024xf32, #tpu.memory_space<vmem>>) target(%dma_start3A_995 : memref<4x1024xf32, #tpu.memory_space<hbm>>) target_semaphore(%arg18 : memref<!tpu.dma_semaphore, #tpu.memory_space<semaphore_mem>>)
      } else {
      }
      %ge3A_946 = arith.constant 2 : i32
      %ge3A_947 = arith.cmpi sge, %add3A_846, %ge3A_946 : i32
      %convert_element_type3A_948 = arith.extui %ge3A_947 : i1 to i32
      %cond3A_949 = arith.constant 0 : i32
      %cond3A_950 = arith.cmpi ne, %convert_element_type3A_948, %cond3A_949 : i32
      scf.if %cond3A_950 {
        %sub3A = arith.constant 2 : i32
        %sub3A_957 = arith.subi %add3A_846, %sub3A : i32
        %mul3A_958 = arith.constant 8 : i32
        %mul3A_959 = arith.muli %sub3A_957, %mul3A_958 : i32
        %add3A_960 = arith.addi %mul3A_512, %mul3A_959 : i32
        %add3A_961 = arith.constant 0 : i32
        %add3A_962 = arith.addi %add3A_960, %add3A_961 : i32
        %add3A_963 = arith.constant 4 : i32
        %add3A_964 = arith.addi %add3A_960, %add3A_963 : i32
        %dma_wait3A_965 = arith.constant 1 : i32
        %dma_wait3A_966 = arith.constant 0 : i32
        %dma_wait3A_967 = arith.constant 0 : i32
        %dma_wait3A_968 = tpu.memref_slice %arg8[%dma_wait3A_965, %dma_wait3A_966, %dma_wait3A_967] : memref<2x8x1024xf32, #tpu.memory_space<vmem>> -> memref<1x8x1024xf32, #tpu.memory_space<vmem>>
        %dma_wait3A_969 = tpu.memref_squeeze %dma_wait3A_968 : memref<1x8x1024xf32, #tpu.memory_space<vmem>> -> memref<8x1024xf32, #tpu.memory_space<vmem>>
        %dma_wait3A_970 = arith.constant 0 : i32
        %dma_wait3A_971 = arith.constant 0 : i32
        %dma_wait3A_972 = tpu.memref_slice %dma_wait3A_969[%dma_wait3A_970, %dma_wait3A_971] : memref<8x1024xf32, #tpu.memory_space<vmem>> -> memref<4x1024xf32, #tpu.memory_space<vmem>>
        %dma_wait3A_973 = arith.constant 0 : i32
        %dma_wait3A_974 = tpu.memref_slice %arg4[%add3A_962, %dma_wait3A_973] : memref<16384x1024xf32, #tpu.memory_space<hbm>> -> memref<4x1024xf32, #tpu.memory_space<hbm>>
        %dma_wait3A_975 = arith.constant 0 : i32
        %dma_wait3A_976 = tpu.memref_slice %arg4[%add3A_962, %dma_wait3A_975] : memref<16384x1024xf32, #tpu.memory_space<hbm>> -> memref<4x1024xf32, #tpu.memory_space<hbm>>
        %dma_wait3A_977 = arith.constant 0 : i32
        %dma_wait3A_978 = arith.constant 0 : i32
        %dma_wait3A_979 = tpu.memref_slice %arg8[%dma_wait3A_965, %dma_wait3A_977, %dma_wait3A_978] : memref<2x8x1024xf32, #tpu.memory_space<vmem>> -> memref<1x8x1024xf32, #tpu.memory_space<vmem>>
        %dma_wait3A_980 = tpu.memref_squeeze %dma_wait3A_979 : memref<1x8x1024xf32, #tpu.memory_space<vmem>> -> memref<8x1024xf32, #tpu.memory_space<vmem>>
        %dma_wait3A_981 = arith.constant 0 : i32
        %dma_wait3A_982 = arith.constant 0 : i32
        %dma_wait3A_983 = tpu.memref_slice %dma_wait3A_980[%dma_wait3A_981, %dma_wait3A_982] : memref<8x1024xf32, #tpu.memory_space<vmem>> -> memref<4x1024xf32, #tpu.memory_space<vmem>>
        tpu.wait_dma2 semaphore(%arg19 : memref<!tpu.dma_semaphore, #tpu.memory_space<semaphore_mem>>) src(%dma_wait3A_983 : memref<4x1024xf32, #tpu.memory_space<vmem>>) dst(%dma_wait3A_976 : memref<4x1024xf32, #tpu.memory_space<hbm>>)
        %dma_wait3A_984 = arith.constant 1 : i32
        %dma_wait3A_985 = arith.constant 0 : i32
        %dma_wait3A_986 = arith.constant 0 : i32
        %dma_wait3A_987 = tpu.memref_slice %arg8[%dma_wait3A_984, %dma_wait3A_985, %dma_wait3A_986] : memref<2x8x1024xf32, #tpu.memory_space<vmem>> -> memref<1x8x1024xf32, #tpu.memory_space<vmem>>
        %dma_wait3A_988 = tpu.memref_squeeze %dma_wait3A_987 : memref<1x8x1024xf32, #tpu.memory_space<vmem>> -> memref<8x1024xf32, #tpu.memory_space<vmem>>
        %dma_wait3A_989 = arith.constant 4 : i32
        %dma_wait3A_990 = arith.constant 0 : i32
        %dma_wait3A_991 = tpu.memref_slice %dma_wait3A_988[%dma_wait3A_989, %dma_wait3A_990] : memref<8x1024xf32, #tpu.memory_space<vmem>> -> memref<4x1024xf32, #tpu.memory_space<vmem>>
        %dma_wait3A_992 = arith.constant 0 : i32
        %dma_wait3A_993 = tpu.memref_slice %arg4[%add3A_964, %dma_wait3A_992] : memref<16384x1024xf32, #tpu.memory_space<hbm>> -> memref<4x1024xf32, #tpu.memory_space<hbm>>
        %dma_wait3A_994 = arith.constant 0 : i32
        %dma_wait3A_995 = tpu.memref_slice %arg4[%add3A_964, %dma_wait3A_994] : memref<16384x1024xf32, #tpu.memory_space<hbm>> -> memref<4x1024xf32, #tpu.memory_space<hbm>>
        %dma_wait3A_996 = arith.constant 0 : i32
        %dma_wait3A_997 = arith.constant 0 : i32
        %dma_wait3A_998 = tpu.memref_slice %arg8[%dma_wait3A_984, %dma_wait3A_996, %dma_wait3A_997] : memref<2x8x1024xf32, #tpu.memory_space<vmem>> -> memref<1x8x1024xf32, #tpu.memory_space<vmem>>
        %dma_wait3A_999 = tpu.memref_squeeze %dma_wait3A_998 : memref<1x8x1024xf32, #tpu.memory_space<vmem>> -> memref<8x1024xf32, #tpu.memory_space<vmem>>
        %dma_wait3A_1000 = arith.constant 4 : i32
        %dma_wait3A_1001 = arith.constant 0 : i32
        %dma_wait3A_1002 = tpu.memref_slice %dma_wait3A_999[%dma_wait3A_1000, %dma_wait3A_1001] : memref<8x1024xf32, #tpu.memory_space<vmem>> -> memref<4x1024xf32, #tpu.memory_space<vmem>>
        tpu.wait_dma2 semaphore(%arg20 : memref<!tpu.dma_semaphore, #tpu.memory_space<semaphore_mem>>) src(%dma_wait3A_1002 : memref<4x1024xf32, #tpu.memory_space<vmem>>) dst(%dma_wait3A_995 : memref<4x1024xf32, #tpu.memory_space<hbm>>)
      } else {
      }
      %parallel_loop3A_951 = arith.constant 0 : i32
      %parallel_loop3A_952 = arith.constant 64 : i32
      %parallel_loop3A_953 = arith.constant 1 : i32
      %parallel_loop3A_954 = arith.constant 1 : i32
      %parallel_loop3A_955 = arith.constant 1 : i32
      scf.for %parallel_loop3A_957 = %parallel_loop3A_951 to %parallel_loop3A_952 step %parallel_loop3A_953  : i32 {
        %parallel_loop3A_958 = arith.constant 16 : i32
        %parallel_loop3A_959 = arith.muli %parallel_loop3A_957, %parallel_loop3A_958 : i32
        %parallel_loop3A_960 = arith.constant 0 : i32
        %parallel_loop3A_961 = tpu.memref_slice %arg6[%scan3A, %parallel_loop3A_960] : memref<1x1024xi32, #tpu.memory_space<vmem>> -> memref<1x1024xi32, #tpu.memory_space<vmem>>
        %parallel_loop3A_962 = tpu.memref_squeeze %parallel_loop3A_961 : memref<1x1024xi32, #tpu.memory_space<vmem>> -> memref<1024xi32, #tpu.memory_space<vmem>>
        %parallel_loop3A_963 = arith.index_cast %parallel_loop3A_959 : i32 to index
        %parallel_loop3A_964 = tpu.vector_load %parallel_loop3A_962[%parallel_loop3A_963] {strides = array<i32>} : memref<1024xi32, #tpu.memory_space<vmem>>, vector<16xi32>,
        %parallel_loop3A_965 = arith.constant 0 : i32
        %parallel_loop3A_966 = vector.broadcast %parallel_loop3A_965 : i32 to vector<16xi32>
        %parallel_loop3A_967 = arith.constant 0 : i32
        %parallel_loop3A_968 = arith.constant 0 : i32
        %parallel_loop3A_969 = tpu.memref_slice %arg7[%parallel_loop3A_954, %parallel_loop3A_967, %parallel_loop3A_968] : memref<2x8x4096xf32, #tpu.memory_space<vmem>> -> memref<1x8x4096xf32, #tpu.memory_space<vmem>>
        %parallel_loop3A_970 = tpu.memref_squeeze %parallel_loop3A_969 : memref<1x8x4096xf32, #tpu.memory_space<vmem>> -> memref<8x4096xf32, #tpu.memory_space<vmem>>
        %parallel_loop3A_971 = tpu.vector_load_idx %parallel_loop3A_970[%parallel_loop3A_966, %parallel_loop3A_964] : memref<8x4096xf32, #tpu.memory_space<vmem>>[vector<16xi32>, vector<16xi32>], vector<16xf32>,
        %parallel_loop3A_972 = arith.constant 16 : i32
        %parallel_loop3A_973 = arith.muli %parallel_loop3A_957, %parallel_loop3A_972 : i32
        %parallel_loop3A_974 = arith.constant 0 : i32
        %parallel_loop3A_975 = arith.constant 0 : i32
        %parallel_loop3A_976 = arith.constant 0 : i32
        %parallel_loop3A_977 = tpu.memref_slice %arg8[%parallel_loop3A_955, %parallel_loop3A_975, %parallel_loop3A_976] : memref<2x8x1024xf32, #tpu.memory_space<vmem>> -> memref<1x8x1024xf32, #tpu.memory_space<vmem>>
        %parallel_loop3A_978 = tpu.memref_squeeze %parallel_loop3A_977 : memref<1x8x1024xf32, #tpu.memory_space<vmem>> -> memref<8x1024xf32, #tpu.memory_space<vmem>>
        %parallel_loop3A_979 = arith.index_cast %parallel_loop3A_974 : i32 to index
        %parallel_loop3A_980 = arith.index_cast %parallel_loop3A_973 : i32 to index
        %parallel_loop3A_981 = tpu.vector_load %parallel_loop3A_978[%parallel_loop3A_979, %parallel_loop3A_980] {strides = array<i32>} : memref<8x1024xf32, #tpu.memory_space<vmem>>, vector<16xf32>,
        tpu.vector_store %parallel_loop3A_978[%parallel_loop3A_979, %parallel_loop3A_980], %parallel_loop3A_971 {strides = array<i32>} : memref<8x1024xf32, #tpu.memory_space<vmem>>, vector<16xf32>,
        %parallel_loop3A_982 = arith.constant 1 : i32
        %parallel_loop3A_983 = vector.broadcast %parallel_loop3A_982 : i32 to vector<16xi32>
        %parallel_loop3A_984 = arith.constant 0 : i32
        %parallel_loop3A_985 = arith.constant 0 : i32
        %parallel_loop3A_986 = tpu.memref_slice %arg7[%parallel_loop3A_954, %parallel_loop3A_984, %parallel_loop3A_985] : memref<2x8x4096xf32, #tpu.memory_space<vmem>> -> memref<1x8x4096xf32, #tpu.memory_space<vmem>>
        %parallel_loop3A_987 = tpu.memref_squeeze %parallel_loop3A_986 : memref<1x8x4096xf32, #tpu.memory_space<vmem>> -> memref<8x4096xf32, #tpu.memory_space<vmem>>
        %parallel_loop3A_988 = tpu.vector_load_idx %parallel_loop3A_987[%parallel_loop3A_983, %parallel_loop3A_964] : memref<8x4096xf32, #tpu.memory_space<vmem>>[vector<16xi32>, vector<16xi32>], vector<16xf32>,
        %parallel_loop3A_989 = arith.constant 16 : i32
        %parallel_loop3A_990 = arith.muli %parallel_loop3A_957, %parallel_loop3A_989 : i32
        %parallel_loop3A_991 = arith.constant 1 : i32
        %parallel_loop3A_992 = arith.constant 0 : i32
        %parallel_loop3A_993 = arith.constant 0 : i32
        %parallel_loop3A_994 = tpu.memref_slice %arg8[%parallel_loop3A_955, %parallel_loop3A_992, %parallel_loop3A_993] : memref<2x8x1024xf32, #tpu.memory_space<vmem>> -> memref<1x8x1024xf32, #tpu.memory_space<vmem>>
        %parallel_loop3A_995 = tpu.memref_squeeze %parallel_loop3A_994 : memref<1x8x1024xf32, #tpu.memory_space<vmem>> -> memref<8x1024xf32, #tpu.memory_space<vmem>>
        %parallel_loop3A_996 = arith.index_cast %parallel_loop3A_991 : i32 to index
        %parallel_loop3A_997 = arith.index_cast %parallel_loop3A_990 : i32 to index
        %parallel_loop3A_998 = tpu.vector_load %parallel_loop3A_995[%parallel_loop3A_996, %parallel_loop3A_997] {strides = array<i32>} : memref<8x1024xf32, #tpu.memory_space<vmem>>, vector<16xf32>,
        tpu.vector_store %parallel_loop3A_995[%parallel_loop3A_996, %parallel_loop3A_997], %parallel_loop3A_988 {strides = array<i32>} : memref<8x1024xf32, #tpu.memory_space<vmem>>, vector<16xf32>,
        %parallel_loop3A_999 = arith.constant 2 : i32
        %parallel_loop3A_1000 = vector.broadcast %parallel_loop3A_999 : i32 to vector<16xi32>
        %parallel_loop3A_1001 = arith.constant 0 : i32
        %parallel_loop3A_1002 = arith.constant 0 : i32
        %parallel_loop3A_1003 = tpu.memref_slice %arg7[%parallel_loop3A_954, %parallel_loop3A_1001, %parallel_loop3A_1002] : memref<2x8x4096xf32, #tpu.memory_space<vmem>> -> memref<1x8x4096xf32, #tpu.memory_space<vmem>>
        %parallel_loop3A_1004 = tpu.memref_squeeze %parallel_loop3A_1003 : memref<1x8x4096xf32, #tpu.memory_space<vmem>> -> memref<8x4096xf32, #tpu.memory_space<vmem>>
        %parallel_loop3A_1005 = tpu.vector_load_idx %parallel_loop3A_1004[%parallel_loop3A_1000, %parallel_loop3A_964] : memref<8x4096xf32, #tpu.memory_space<vmem>>[vector<16xi32>, vector<16xi32>], vector<16xf32>,
        %parallel_loop3A_1006 = arith.constant 16 : i32
        %parallel_loop3A_1007 = arith.muli %parallel_loop3A_957, %parallel_loop3A_1006 : i32
        %parallel_loop3A_1008 = arith.constant 2 : i32
        %parallel_loop3A_1009 = arith.constant 0 : i32
        %parallel_loop3A_1010 = arith.constant 0 : i32
        %parallel_loop3A_1011 = tpu.memref_slice %arg8[%parallel_loop3A_955, %parallel_loop3A_1009, %parallel_loop3A_1010] : memref<2x8x1024xf32, #tpu.memory_space<vmem>> -> memref<1x8x1024xf32, #tpu.memory_space<vmem>>
        %parallel_loop3A_1012 = tpu.memref_squeeze %parallel_loop3A_1011 : memref<1x8x1024xf32, #tpu.memory_space<vmem>> -> memref<8x1024xf32, #tpu.memory_space<vmem>>
        %parallel_loop3A_1013 = arith.index_cast %parallel_loop3A_1008 : i32 to index
        %parallel_loop3A_1014 = arith.index_cast %parallel_loop3A_1007 : i32 to index
        %parallel_loop3A_1015 = tpu.vector_load %parallel_loop3A_1012[%parallel_loop3A_1013, %parallel_loop3A_1014] {strides = array<i32>} : memref<8x1024xf32, #tpu.memory_space<vmem>>, vector<16xf32>,
        tpu.vector_store %parallel_loop3A_1012[%parallel_loop3A_1013, %parallel_loop3A_1014], %parallel_loop3A_1005 {strides = array<i32>} : memref<8x1024xf32, #tpu.memory_space<vmem>>, vector<16xf32>,
        %parallel_loop3A_1016 = arith.constant 3 : i32
        %parallel_loop3A_1017 = vector.broadcast %parallel_loop3A_1016 : i32 to vector<16xi32>
        %parallel_loop3A_1018 = arith.constant 0 : i32
        %parallel_loop3A_1019 = arith.constant 0 : i32
        %parallel_loop3A_1020 = tpu.memref_slice %arg7[%parallel_loop3A_954, %parallel_loop3A_1018, %parallel_loop3A_1019] : memref<2x8x4096xf32, #tpu.memory_space<vmem>> -> memref<1x8x4096xf32, #tpu.memory_space<vmem>>
        %parallel_loop3A_1021 = tpu.memref_squeeze %parallel_loop3A_1020 : memref<1x8x4096xf32, #tpu.memory_space<vmem>> -> memref<8x4096xf32, #tpu.memory_space<vmem>>
        %parallel_loop3A_1022 = tpu.vector_load_idx %parallel_loop3A_1021[%parallel_loop3A_1017, %parallel_loop3A_964] : memref<8x4096xf32, #tpu.memory_space<vmem>>[vector<16xi32>, vector<16xi32>], vector<16xf32>,
        %parallel_loop3A_1023 = arith.constant 16 : i32
        %parallel_loop3A_1024 = arith.muli %parallel_loop3A_957, %parallel_loop3A_1023 : i32
        %parallel_loop3A_1025 = arith.constant 3 : i32
        %parallel_loop3A_1026 = arith.constant 0 : i32
        %parallel_loop3A_1027 = arith.constant 0 : i32
        %parallel_loop3A_1028 = tpu.memref_slice %arg8[%parallel_loop3A_955, %parallel_loop3A_1026, %parallel_loop3A_1027] : memref<2x8x1024xf32, #tpu.memory_space<vmem>> -> memref<1x8x1024xf32, #tpu.memory_space<vmem>>
        %parallel_loop3A_1029 = tpu.memref_squeeze %parallel_loop3A_1028 : memref<1x8x1024xf32, #tpu.memory_space<vmem>> -> memref<8x1024xf32, #tpu.memory_space<vmem>>
        %parallel_loop3A_1030 = arith.index_cast %parallel_loop3A_1025 : i32 to index
        %parallel_loop3A_1031 = arith.index_cast %parallel_loop3A_1024 : i32 to index
        %parallel_loop3A_1032 = tpu.vector_load %parallel_loop3A_1029[%parallel_loop3A_1030, %parallel_loop3A_1031] {strides = array<i32>} : memref<8x1024xf32, #tpu.memory_space<vmem>>, vector<16xf32>,
        tpu.vector_store %parallel_loop3A_1029[%parallel_loop3A_1030, %parallel_loop3A_1031], %parallel_loop3A_1022 {strides = array<i32>} : memref<8x1024xf32, #tpu.memory_space<vmem>>, vector<16xf32>,
        %parallel_loop3A_1033 = arith.constant 4 : i32
        %parallel_loop3A_1034 = vector.broadcast %parallel_loop3A_1033 : i32 to vector<16xi32>
        %parallel_loop3A_1035 = arith.constant 0 : i32
        %parallel_loop3A_1036 = arith.constant 0 : i32
        %parallel_loop3A_1037 = tpu.memref_slice %arg7[%parallel_loop3A_954, %parallel_loop3A_1035, %parallel_loop3A_1036] : memref<2x8x4096xf32, #tpu.memory_space<vmem>> -> memref<1x8x4096xf32, #tpu.memory_space<vmem>>
        %parallel_loop3A_1038 = tpu.memref_squeeze %parallel_loop3A_1037 : memref<1x8x4096xf32, #tpu.memory_space<vmem>> -> memref<8x4096xf32, #tpu.memory_space<vmem>>
        %parallel_loop3A_1039 = tpu.vector_load_idx %parallel_loop3A_1038[%parallel_loop3A_1034, %parallel_loop3A_964] : memref<8x4096xf32, #tpu.memory_space<vmem>>[vector<16xi32>, vector<16xi32>], vector<16xf32>,
        %parallel_loop3A_1040 = arith.constant 16 : i32
        %parallel_loop3A_1041 = arith.muli %parallel_loop3A_957, %parallel_loop3A_1040 : i32
        %parallel_loop3A_1042 = arith.constant 4 : i32
        %parallel_loop3A_1043 = arith.constant 0 : i32
        %parallel_loop3A_1044 = arith.constant 0 : i32
        %parallel_loop3A_1045 = tpu.memref_slice %arg8[%parallel_loop3A_955, %parallel_loop3A_1043, %parallel_loop3A_1044] : memref<2x8x1024xf32, #tpu.memory_space<vmem>> -> memref<1x8x1024xf32, #tpu.memory_space<vmem>>
        %parallel_loop3A_1046 = tpu.memref_squeeze %parallel_loop3A_1045 : memref<1x8x1024xf32, #tpu.memory_space<vmem>> -> memref<8x1024xf32, #tpu.memory_space<vmem>>
        %parallel_loop3A_1047 = arith.index_cast %parallel_loop3A_1042 : i32 to index
        %parallel_loop3A_1048 = arith.index_cast %parallel_loop3A_1041 : i32 to index
        %parallel_loop3A_1049 = tpu.vector_load %parallel_loop3A_1046[%parallel_loop3A_1047, %parallel_loop3A_1048] {strides = array<i32>} : memref<8x1024xf32, #tpu.memory_space<vmem>>, vector<16xf32>,
        tpu.vector_store %parallel_loop3A_1046[%parallel_loop3A_1047, %parallel_loop3A_1048], %parallel_loop3A_1039 {strides = array<i32>} : memref<8x1024xf32, #tpu.memory_space<vmem>>, vector<16xf32>,
        %parallel_loop3A_1050 = arith.constant 5 : i32
        %parallel_loop3A_1051 = vector.broadcast %parallel_loop3A_1050 : i32 to vector<16xi32>
        %parallel_loop3A_1052 = arith.constant 0 : i32
        %parallel_loop3A_1053 = arith.constant 0 : i32
        %parallel_loop3A_1054 = tpu.memref_slice %arg7[%parallel_loop3A_954, %parallel_loop3A_1052, %parallel_loop3A_1053] : memref<2x8x4096xf32, #tpu.memory_space<vmem>> -> memref<1x8x4096xf32, #tpu.memory_space<vmem>>
        %parallel_loop3A_1055 = tpu.memref_squeeze %parallel_loop3A_1054 : memref<1x8x4096xf32, #tpu.memory_space<vmem>> -> memref<8x4096xf32, #tpu.memory_space<vmem>>
        %parallel_loop3A_1056 = tpu.vector_load_idx %parallel_loop3A_1055[%parallel_loop3A_1051, %parallel_loop3A_964] : memref<8x4096xf32, #tpu.memory_space<vmem>>[vector<16xi32>, vector<16xi32>], vector<16xf32>,
        %parallel_loop3A_1057 = arith.constant 16 : i32
        %parallel_loop3A_1058 = arith.muli %parallel_loop3A_957, %parallel_loop3A_1057 : i32
        %parallel_loop3A_1059 = arith.constant 5 : i32
        %parallel_loop3A_1060 = arith.constant 0 : i32
        %parallel_loop3A_1061 = arith.constant 0 : i32
        %parallel_loop3A_1062 = tpu.memref_slice %arg8[%parallel_loop3A_955, %parallel_loop3A_1060, %parallel_loop3A_1061] : memref<2x8x1024xf32, #tpu.memory_space<vmem>> -> memref<1x8x1024xf32, #tpu.memory_space<vmem>>
        %parallel_loop3A_1063 = tpu.memref_squeeze %parallel_loop3A_1062 : memref<1x8x1024xf32, #tpu.memory_space<vmem>> -> memref<8x1024xf32, #tpu.memory_space<vmem>>
        %parallel_loop3A_1064 = arith.index_cast %parallel_loop3A_1059 : i32 to index
        %parallel_loop3A_1065 = arith.index_cast %parallel_loop3A_1058 : i32 to index
        %parallel_loop3A_1066 = tpu.vector_load %parallel_loop3A_1063[%parallel_loop3A_1064, %parallel_loop3A_1065] {strides = array<i32>} : memref<8x1024xf32, #tpu.memory_space<vmem>>, vector<16xf32>,
        tpu.vector_store %parallel_loop3A_1063[%parallel_loop3A_1064, %parallel_loop3A_1065], %parallel_loop3A_1056 {strides = array<i32>} : memref<8x1024xf32, #tpu.memory_space<vmem>>, vector<16xf32>,
        %parallel_loop3A_1067 = arith.constant 6 : i32
        %parallel_loop3A_1068 = vector.broadcast %parallel_loop3A_1067 : i32 to vector<16xi32>
        %parallel_loop3A_1069 = arith.constant 0 : i32
        %parallel_loop3A_1070 = arith.constant 0 : i32
        %parallel_loop3A_1071 = tpu.memref_slice %arg7[%parallel_loop3A_954, %parallel_loop3A_1069, %parallel_loop3A_1070] : memref<2x8x4096xf32, #tpu.memory_space<vmem>> -> memref<1x8x4096xf32, #tpu.memory_space<vmem>>
        %parallel_loop3A_1072 = tpu.memref_squeeze %parallel_loop3A_1071 : memref<1x8x4096xf32, #tpu.memory_space<vmem>> -> memref<8x4096xf32, #tpu.memory_space<vmem>>
        %parallel_loop3A_1073 = tpu.vector_load_idx %parallel_loop3A_1072[%parallel_loop3A_1068, %parallel_loop3A_964] : memref<8x4096xf32, #tpu.memory_space<vmem>>[vector<16xi32>, vector<16xi32>], vector<16xf32>,
        %parallel_loop3A_1074 = arith.constant 16 : i32
        %parallel_loop3A_1075 = arith.muli %parallel_loop3A_957, %parallel_loop3A_1074 : i32
        %parallel_loop3A_1076 = arith.constant 6 : i32
        %parallel_loop3A_1077 = arith.constant 0 : i32
        %parallel_loop3A_1078 = arith.constant 0 : i32
        %parallel_loop3A_1079 = tpu.memref_slice %arg8[%parallel_loop3A_955, %parallel_loop3A_1077, %parallel_loop3A_1078] : memref<2x8x1024xf32, #tpu.memory_space<vmem>> -> memref<1x8x1024xf32, #tpu.memory_space<vmem>>
        %parallel_loop3A_1080 = tpu.memref_squeeze %parallel_loop3A_1079 : memref<1x8x1024xf32, #tpu.memory_space<vmem>> -> memref<8x1024xf32, #tpu.memory_space<vmem>>
        %parallel_loop3A_1081 = arith.index_cast %parallel_loop3A_1076 : i32 to index
        %parallel_loop3A_1082 = arith.index_cast %parallel_loop3A_1075 : i32 to index
        %parallel_loop3A_1083 = tpu.vector_load %parallel_loop3A_1080[%parallel_loop3A_1081, %parallel_loop3A_1082] {strides = array<i32>} : memref<8x1024xf32, #tpu.memory_space<vmem>>, vector<16xf32>,
        tpu.vector_store %parallel_loop3A_1080[%parallel_loop3A_1081, %parallel_loop3A_1082], %parallel_loop3A_1073 {strides = array<i32>} : memref<8x1024xf32, #tpu.memory_space<vmem>>, vector<16xf32>,
        %parallel_loop3A_1084 = arith.constant 7 : i32
        %parallel_loop3A_1085 = vector.broadcast %parallel_loop3A_1084 : i32 to vector<16xi32>
        %parallel_loop3A_1086 = arith.constant 0 : i32
        %parallel_loop3A_1087 = arith.constant 0 : i32
        %parallel_loop3A_1088 = tpu.memref_slice %arg7[%parallel_loop3A_954, %parallel_loop3A_1086, %parallel_loop3A_1087] : memref<2x8x4096xf32, #tpu.memory_space<vmem>> -> memref<1x8x4096xf32, #tpu.memory_space<vmem>>
        %parallel_loop3A_1089 = tpu.memref_squeeze %parallel_loop3A_1088 : memref<1x8x4096xf32, #tpu.memory_space<vmem>> -> memref<8x4096xf32, #tpu.memory_space<vmem>>
        %parallel_loop3A_1090 = tpu.vector_load_idx %parallel_loop3A_1089[%parallel_loop3A_1085, %parallel_loop3A_964] : memref<8x4096xf32, #tpu.memory_space<vmem>>[vector<16xi32>, vector<16xi32>], vector<16xf32>,
        %parallel_loop3A_1091 = arith.constant 16 : i32
        %parallel_loop3A_1092 = arith.muli %parallel_loop3A_957, %parallel_loop3A_1091 : i32
        %parallel_loop3A_1093 = arith.constant 7 : i32
        %parallel_loop3A_1094 = arith.constant 0 : i32
        %parallel_loop3A_1095 = arith.constant 0 : i32
        %parallel_loop3A_1096 = tpu.memref_slice %arg8[%parallel_loop3A_955, %parallel_loop3A_1094, %parallel_loop3A_1095] : memref<2x8x1024xf32, #tpu.memory_space<vmem>> -> memref<1x8x1024xf32, #tpu.memory_space<vmem>>
        %parallel_loop3A_1097 = tpu.memref_squeeze %parallel_loop3A_1096 : memref<1x8x1024xf32, #tpu.memory_space<vmem>> -> memref<8x1024xf32, #tpu.memory_space<vmem>>
        %parallel_loop3A_1098 = arith.index_cast %parallel_loop3A_1093 : i32 to index
        %parallel_loop3A_1099 = arith.index_cast %parallel_loop3A_1092 : i32 to index
        %parallel_loop3A_1100 = tpu.vector_load %parallel_loop3A_1097[%parallel_loop3A_1098, %parallel_loop3A_1099] {strides = array<i32>} : memref<8x1024xf32, #tpu.memory_space<vmem>>, vector<16xf32>,
        tpu.vector_store %parallel_loop3A_1097[%parallel_loop3A_1098, %parallel_loop3A_1099], %parallel_loop3A_1090 {strides = array<i32>} : memref<8x1024xf32, #tpu.memory_space<vmem>>, vector<16xf32>,
      } {sc.loop_unroll_factor = 8 : i64, sc.parallel_access}
      %barrier3A_956 = arith.constant 0 : index
      tpu.barrier barrier_id(%barrier3A_956)
    }
    %scan3A_602 = arith.constant 32 : i32
    %add3A_603 = arith.constant 504 : i32
    %add3A_604 = arith.addi %mul3A_512, %add3A_603 : i32
    %add3A_605 = arith.constant 0 : i32
    %add3A_606 = arith.addi %add3A_604, %add3A_605 : i32
    %add3A_607 = arith.constant 4 : i32
    %add3A_608 = arith.addi %add3A_604, %add3A_607 : i32
    %dma_start3A_609 = arith.constant 1 : i32
    %dma_start3A_610 = arith.constant 0 : i32
    %dma_start3A_611 = arith.constant 0 : i32
    %dma_start3A_612 = tpu.memref_slice %arg8[%dma_start3A_609, %dma_start3A_610, %dma_start3A_611] : memref<2x8x1024xf32, #tpu.memory_space<vmem>> -> memref<1x8x1024xf32, #tpu.memory_space<vmem>>
    %dma_start3A_613 = tpu.memref_squeeze %dma_start3A_612 : memref<1x8x1024xf32, #tpu.memory_space<vmem>> -> memref<8x1024xf32, #tpu.memory_space<vmem>>
    %dma_start3A_614 = arith.constant 0 : i32
    %dma_start3A_615 = arith.constant 0 : i32
    %dma_start3A_616 = tpu.memref_slice %dma_start3A_613[%dma_start3A_614, %dma_start3A_615] : memref<8x1024xf32, #tpu.memory_space<vmem>> -> memref<4x1024xf32, #tpu.memory_space<vmem>>
    %dma_start3A_617 = arith.constant 0 : i32
    %dma_start3A_618 = tpu.memref_slice %arg4[%add3A_606, %dma_start3A_617] : memref<16384x1024xf32, #tpu.memory_space<hbm>> -> memref<4x1024xf32, #tpu.memory_space<hbm>>
    %dma_start3A_619 = arith.constant 0 : i32
    %dma_start3A_620 = tpu.memref_slice %arg4[%add3A_606, %dma_start3A_619] : memref<16384x1024xf32, #tpu.memory_space<hbm>> -> memref<4x1024xf32, #tpu.memory_space<hbm>>
    %dma_start3A_621 = arith.constant 0 : i32
    %dma_start3A_622 = arith.constant 0 : i32
    %dma_start3A_623 = tpu.memref_slice %arg8[%dma_start3A_609, %dma_start3A_621, %dma_start3A_622] : memref<2x8x1024xf32, #tpu.memory_space<vmem>> -> memref<1x8x1024xf32, #tpu.memory_space<vmem>>
    %dma_start3A_624 = tpu.memref_squeeze %dma_start3A_623 : memref<1x8x1024xf32, #tpu.memory_space<vmem>> -> memref<8x1024xf32, #tpu.memory_space<vmem>>
    %dma_start3A_625 = arith.constant 0 : i32
    %dma_start3A_626 = arith.constant 0 : i32
    %dma_start3A_627 = tpu.memref_slice %dma_start3A_624[%dma_start3A_625, %dma_start3A_626] : memref<8x1024xf32, #tpu.memory_space<vmem>> -> memref<4x1024xf32, #tpu.memory_space<vmem>>
    tpu.enqueue_dma source(%dma_start3A_627 : memref<4x1024xf32, #tpu.memory_space<vmem>>) target(%dma_start3A_620 : memref<4x1024xf32, #tpu.memory_space<hbm>>) target_semaphore(%arg19 : memref<!tpu.dma_semaphore, #tpu.memory_space<semaphore_mem>>)
    %dma_start3A_628 = arith.constant 1 : i32
    %dma_start3A_629 = arith.constant 0 : i32
    %dma_start3A_630 = arith.constant 0 : i32
    %dma_start3A_631 = tpu.memref_slice %arg8[%dma_start3A_628, %dma_start3A_629, %dma_start3A_630] : memref<2x8x1024xf32, #tpu.memory_space<vmem>> -> memref<1x8x1024xf32, #tpu.memory_space<vmem>>
    %dma_start3A_632 = tpu.memref_squeeze %dma_start3A_631 : memref<1x8x1024xf32, #tpu.memory_space<vmem>> -> memref<8x1024xf32, #tpu.memory_space<vmem>>
    %dma_start3A_633 = arith.constant 4 : i32
    %dma_start3A_634 = arith.constant 0 : i32
    %dma_start3A_635 = tpu.memref_slice %dma_start3A_632[%dma_start3A_633, %dma_start3A_634] : memref<8x1024xf32, #tpu.memory_space<vmem>> -> memref<4x1024xf32, #tpu.memory_space<vmem>>
    %dma_start3A_636 = arith.constant 0 : i32
    %dma_start3A_637 = tpu.memref_slice %arg4[%add3A_608, %dma_start3A_636] : memref<16384x1024xf32, #tpu.memory_space<hbm>> -> memref<4x1024xf32, #tpu.memory_space<hbm>>
    %dma_start3A_638 = arith.constant 0 : i32
    %dma_start3A_639 = tpu.memref_slice %arg4[%add3A_608, %dma_start3A_638] : memref<16384x1024xf32, #tpu.memory_space<hbm>> -> memref<4x1024xf32, #tpu.memory_space<hbm>>
    %dma_start3A_640 = arith.constant 0 : i32
    %dma_start3A_641 = arith.constant 0 : i32
    %dma_start3A_642 = tpu.memref_slice %arg8[%dma_start3A_628, %dma_start3A_640, %dma_start3A_641] : memref<2x8x1024xf32, #tpu.memory_space<vmem>> -> memref<1x8x1024xf32, #tpu.memory_space<vmem>>
    %dma_start3A_643 = tpu.memref_squeeze %dma_start3A_642 : memref<1x8x1024xf32, #tpu.memory_space<vmem>> -> memref<8x1024xf32, #tpu.memory_space<vmem>>
    %dma_start3A_644 = arith.constant 4 : i32
    %dma_start3A_645 = arith.constant 0 : i32
    %dma_start3A_646 = tpu.memref_slice %dma_start3A_643[%dma_start3A_644, %dma_start3A_645] : memref<8x1024xf32, #tpu.memory_space<vmem>> -> memref<4x1024xf32, #tpu.memory_space<vmem>>
    tpu.enqueue_dma source(%dma_start3A_646 : memref<4x1024xf32, #tpu.memory_space<vmem>>) target(%dma_start3A_639 : memref<4x1024xf32, #tpu.memory_space<hbm>>) target_semaphore(%arg20 : memref<!tpu.dma_semaphore, #tpu.memory_space<semaphore_mem>>)
    %add3A_647 = arith.constant 496 : i32
    %add3A_648 = arith.addi %mul3A_512, %add3A_647 : i32
    %add3A_649 = arith.constant 0 : i32
    %add3A_650 = arith.addi %add3A_648, %add3A_649 : i32
    %add3A_651 = arith.constant 4 : i32
    %add3A_652 = arith.addi %add3A_648, %add3A_651 : i32
    %dma_wait3A = arith.constant 0 : i32
    %dma_wait3A_653 = arith.constant 0 : i32
    %dma_wait3A_654 = arith.constant 0 : i32
    %dma_wait3A_655 = tpu.memref_slice %arg8[%dma_wait3A, %dma_wait3A_653, %dma_wait3A_654] : memref<2x8x1024xf32, #tpu.memory_space<vmem>> -> memref<1x8x1024xf32, #tpu.memory_space<vmem>>
    %dma_wait3A_656 = tpu.memref_squeeze %dma_wait3A_655 : memref<1x8x1024xf32, #tpu.memory_space<vmem>> -> memref<8x1024xf32, #tpu.memory_space<vmem>>
    %dma_wait3A_657 = arith.constant 0 : i32
    %dma_wait3A_658 = arith.constant 0 : i32
    %dma_wait3A_659 = tpu.memref_slice %dma_wait3A_656[%dma_wait3A_657, %dma_wait3A_658] : memref<8x1024xf32, #tpu.memory_space<vmem>> -> memref<4x1024xf32, #tpu.memory_space<vmem>>
    %dma_wait3A_660 = arith.constant 0 : i32
    %dma_wait3A_661 = tpu.memref_slice %arg4[%add3A_650, %dma_wait3A_660] : memref<16384x1024xf32, #tpu.memory_space<hbm>> -> memref<4x1024xf32, #tpu.memory_space<hbm>>
    %dma_wait3A_662 = arith.constant 0 : i32
    %dma_wait3A_663 = tpu.memref_slice %arg4[%add3A_650, %dma_wait3A_662] : memref<16384x1024xf32, #tpu.memory_space<hbm>> -> memref<4x1024xf32, #tpu.memory_space<hbm>>
    %dma_wait3A_664 = arith.constant 0 : i32
    %dma_wait3A_665 = arith.constant 0 : i32
    %dma_wait3A_666 = tpu.memref_slice %arg8[%dma_wait3A, %dma_wait3A_664, %dma_wait3A_665] : memref<2x8x1024xf32, #tpu.memory_space<vmem>> -> memref<1x8x1024xf32, #tpu.memory_space<vmem>>
    %dma_wait3A_667 = tpu.memref_squeeze %dma_wait3A_666 : memref<1x8x1024xf32, #tpu.memory_space<vmem>> -> memref<8x1024xf32, #tpu.memory_space<vmem>>
    %dma_wait3A_668 = arith.constant 0 : i32
    %dma_wait3A_669 = arith.constant 0 : i32
    %dma_wait3A_670 = tpu.memref_slice %dma_wait3A_667[%dma_wait3A_668, %dma_wait3A_669] : memref<8x1024xf32, #tpu.memory_space<vmem>> -> memref<4x1024xf32, #tpu.memory_space<vmem>>
    tpu.wait_dma2 semaphore(%arg17 : memref<!tpu.dma_semaphore, #tpu.memory_space<semaphore_mem>>) src(%dma_wait3A_670 : memref<4x1024xf32, #tpu.memory_space<vmem>>) dst(%dma_wait3A_663 : memref<4x1024xf32, #tpu.memory_space<hbm>>)
    %dma_wait3A_671 = arith.constant 0 : i32
    %dma_wait3A_672 = arith.constant 0 : i32
    %dma_wait3A_673 = arith.constant 0 : i32
    %dma_wait3A_674 = tpu.memref_slice %arg8[%dma_wait3A_671, %dma_wait3A_672, %dma_wait3A_673] : memref<2x8x1024xf32, #tpu.memory_space<vmem>> -> memref<1x8x1024xf32, #tpu.memory_space<vmem>>
    %dma_wait3A_675 = tpu.memref_squeeze %dma_wait3A_674 : memref<1x8x1024xf32, #tpu.memory_space<vmem>> -> memref<8x1024xf32, #tpu.memory_space<vmem>>
    %dma_wait3A_676 = arith.constant 4 : i32
    %dma_wait3A_677 = arith.constant 0 : i32
    %dma_wait3A_678 = tpu.memref_slice %dma_wait3A_675[%dma_wait3A_676, %dma_wait3A_677] : memref<8x1024xf32, #tpu.memory_space<vmem>> -> memref<4x1024xf32, #tpu.memory_space<vmem>>
    %dma_wait3A_679 = arith.constant 0 : i32
    %dma_wait3A_680 = tpu.memref_slice %arg4[%add3A_652, %dma_wait3A_679] : memref<16384x1024xf32, #tpu.memory_space<hbm>> -> memref<4x1024xf32, #tpu.memory_space<hbm>>
    %dma_wait3A_681 = arith.constant 0 : i32
    %dma_wait3A_682 = tpu.memref_slice %arg4[%add3A_652, %dma_wait3A_681] : memref<16384x1024xf32, #tpu.memory_space<hbm>> -> memref<4x1024xf32, #tpu.memory_space<hbm>>
    %dma_wait3A_683 = arith.constant 0 : i32
    %dma_wait3A_684 = arith.constant 0 : i32
    %dma_wait3A_685 = tpu.memref_slice %arg8[%dma_wait3A_671, %dma_wait3A_683, %dma_wait3A_684] : memref<2x8x1024xf32, #tpu.memory_space<vmem>> -> memref<1x8x1024xf32, #tpu.memory_space<vmem>>
    %dma_wait3A_686 = tpu.memref_squeeze %dma_wait3A_685 : memref<1x8x1024xf32, #tpu.memory_space<vmem>> -> memref<8x1024xf32, #tpu.memory_space<vmem>>
    %dma_wait3A_687 = arith.constant 4 : i32
    %dma_wait3A_688 = arith.constant 0 : i32
    %dma_wait3A_689 = tpu.memref_slice %dma_wait3A_686[%dma_wait3A_687, %dma_wait3A_688] : memref<8x1024xf32, #tpu.memory_space<vmem>> -> memref<4x1024xf32, #tpu.memory_space<vmem>>
    tpu.wait_dma2 semaphore(%arg18 : memref<!tpu.dma_semaphore, #tpu.memory_space<semaphore_mem>>) src(%dma_wait3A_689 : memref<4x1024xf32, #tpu.memory_space<vmem>>) dst(%dma_wait3A_682 : memref<4x1024xf32, #tpu.memory_space<hbm>>)
    %add3A_690 = arith.constant 504 : i32
    %add3A_691 = arith.addi %mul3A_512, %add3A_690 : i32
    %add3A_692 = arith.constant 0 : i32
    %add3A_693 = arith.addi %add3A_691, %add3A_692 : i32
    %add3A_694 = arith.constant 4 : i32
    %add3A_695 = arith.addi %add3A_691, %add3A_694 : i32
    %dma_wait3A_696 = arith.constant 1 : i32
    %dma_wait3A_697 = arith.constant 0 : i32
    %dma_wait3A_698 = arith.constant 0 : i32
    %dma_wait3A_699 = tpu.memref_slice %arg8[%dma_wait3A_696, %dma_wait3A_697, %dma_wait3A_698] : memref<2x8x1024xf32, #tpu.memory_space<vmem>> -> memref<1x8x1024xf32, #tpu.memory_space<vmem>>
    %dma_wait3A_700 = tpu.memref_squeeze %dma_wait3A_699 : memref<1x8x1024xf32, #tpu.memory_space<vmem>> -> memref<8x1024xf32, #tpu.memory_space<vmem>>
    %dma_wait3A_701 = arith.constant 0 : i32
    %dma_wait3A_702 = arith.constant 0 : i32
    %dma_wait3A_703 = tpu.memref_slice %dma_wait3A_700[%dma_wait3A_701, %dma_wait3A_702] : memref<8x1024xf32, #tpu.memory_space<vmem>> -> memref<4x1024xf32, #tpu.memory_space<vmem>>
    %dma_wait3A_704 = arith.constant 0 : i32
    %dma_wait3A_705 = tpu.memref_slice %arg4[%add3A_693, %dma_wait3A_704] : memref<16384x1024xf32, #tpu.memory_space<hbm>> -> memref<4x1024xf32, #tpu.memory_space<hbm>>
    %dma_wait3A_706 = arith.constant 0 : i32
    %dma_wait3A_707 = tpu.memref_slice %arg4[%add3A_693, %dma_wait3A_706] : memref<16384x1024xf32, #tpu.memory_space<hbm>> -> memref<4x1024xf32, #tpu.memory_space<hbm>>
    %dma_wait3A_708 = arith.constant 0 : i32
    %dma_wait3A_709 = arith.constant 0 : i32
    %dma_wait3A_710 = tpu.memref_slice %arg8[%dma_wait3A_696, %dma_wait3A_708, %dma_wait3A_709] : memref<2x8x1024xf32, #tpu.memory_space<vmem>> -> memref<1x8x1024xf32, #tpu.memory_space<vmem>>
    %dma_wait3A_711 = tpu.memref_squeeze %dma_wait3A_710 : memref<1x8x1024xf32, #tpu.memory_space<vmem>> -> memref<8x1024xf32, #tpu.memory_space<vmem>>
    %dma_wait3A_712 = arith.constant 0 : i32
    %dma_wait3A_713 = arith.constant 0 : i32
    %dma_wait3A_714 = tpu.memref_slice %dma_wait3A_711[%dma_wait3A_712, %dma_wait3A_713] : memref<8x1024xf32, #tpu.memory_space<vmem>> -> memref<4x1024xf32, #tpu.memory_space<vmem>>
    tpu.wait_dma2 semaphore(%arg19 : memref<!tpu.dma_semaphore, #tpu.memory_space<semaphore_mem>>) src(%dma_wait3A_714 : memref<4x1024xf32, #tpu.memory_space<vmem>>) dst(%dma_wait3A_707 : memref<4x1024xf32, #tpu.memory_space<hbm>>)
    %dma_wait3A_715 = arith.constant 1 : i32
    %dma_wait3A_716 = arith.constant 0 : i32
    %dma_wait3A_717 = arith.constant 0 : i32
    %dma_wait3A_718 = tpu.memref_slice %arg8[%dma_wait3A_715, %dma_wait3A_716, %dma_wait3A_717] : memref<2x8x1024xf32, #tpu.memory_space<vmem>> -> memref<1x8x1024xf32, #tpu.memory_space<vmem>>
    %dma_wait3A_719 = tpu.memref_squeeze %dma_wait3A_718 : memref<1x8x1024xf32, #tpu.memory_space<vmem>> -> memref<8x1024xf32, #tpu.memory_space<vmem>>
    %dma_wait3A_720 = arith.constant 4 : i32
    %dma_wait3A_721 = arith.constant 0 : i32
    %dma_wait3A_722 = tpu.memref_slice %dma_wait3A_719[%dma_wait3A_720, %dma_wait3A_721] : memref<8x1024xf32, #tpu.memory_space<vmem>> -> memref<4x1024xf32, #tpu.memory_space<vmem>>
    %dma_wait3A_723 = arith.constant 0 : i32
    %dma_wait3A_724 = tpu.memref_slice %arg4[%add3A_695, %dma_wait3A_723] : memref<16384x1024xf32, #tpu.memory_space<hbm>> -> memref<4x1024xf32, #tpu.memory_space<hbm>>
    %dma_wait3A_725 = arith.constant 0 : i32
    %dma_wait3A_726 = tpu.memref_slice %arg4[%add3A_695, %dma_wait3A_725] : memref<16384x1024xf32, #tpu.memory_space<hbm>> -> memref<4x1024xf32, #tpu.memory_space<hbm>>
    %dma_wait3A_727 = arith.constant 0 : i32
    %dma_wait3A_728 = arith.constant 0 : i32
    %dma_wait3A_729 = tpu.memref_slice %arg8[%dma_wait3A_715, %dma_wait3A_727, %dma_wait3A_728] : memref<2x8x1024xf32, #tpu.memory_space<vmem>> -> memref<1x8x1024xf32, #tpu.memory_space<vmem>>
    %dma_wait3A_730 = tpu.memref_squeeze %dma_wait3A_729 : memref<1x8x1024xf32, #tpu.memory_space<vmem>> -> memref<8x1024xf32, #tpu.memory_space<vmem>>
    %dma_wait3A_731 = arith.constant 4 : i32
    %dma_wait3A_732 = arith.constant 0 : i32
    %dma_wait3A_733 = tpu.memref_slice %dma_wait3A_730[%dma_wait3A_731, %dma_wait3A_732] : memref<8x1024xf32, #tpu.memory_space<vmem>> -> memref<4x1024xf32, #tpu.memory_space<vmem>>
    tpu.wait_dma2 semaphore(%arg20 : memref<!tpu.dma_semaphore, #tpu.memory_space<semaphore_mem>>) src(%dma_wait3A_733 : memref<4x1024xf32, #tpu.memory_space<vmem>>) dst(%dma_wait3A_726 : memref<4x1024xf32, #tpu.memory_space<hbm>>)
    return
  }
}

module attributes {stable_mosaic.version = 14 : i64} {
  func.func @_argmax_body(%arg0: i32, %arg1: memref<128x4096xf32, #tpu.memory_space<vmem>>, %arg2: memref<8x128xi32, #tpu.memory_space<vmem>>) attributes {dimension_semantics = [#tpu.dimension_semantics<arbitrary>], iteration_bounds = array<i64: 8>, scalar_prefetch = 0 : i64, scratch_operands = 0 : i64, tpu.core_type = #tpu.core_type<tc>, window_params = [{transform_indices = @transform_0, window_bounds = array<i64: 128, 4096>}, {pipeline_mode = #tpu.pipeline_mode<synchronous>, transform_indices = @transform_1, window_bounds = array<i64: 8, 128>}]} {
    %get3A = arith.constant 0 : index
    %get3A_0 = arith.constant 0 : index
    %get3A_1 = vector.load %arg1[%get3A, %get3A_0] : memref<128x4096xf32, #tpu.memory_space<vmem>>, vector<128x4096xf32>
    %reduce_max3A = arith.constant dense<0xFF800000> : vector<128xf32>
    %reduce_max3A_2 = vector.multi_reduction <maximumf>, %get3A_1, %reduce_max3A [1] : vector<128x4096xf32> to vector<128xf32>
    %broadcast_in_dim3A = vector.shape_cast %reduce_max3A_2 : vector<128xf32> to vector<128x1xf32>
    %iota3A = tpu.iota {dimensions = array<i32: 1>} : vector<128x4096xi32>
    %eq3A = vector.broadcast %broadcast_in_dim3A : vector<128x1xf32> to vector<128x4096xf32>
    %eq3A_3 = arith.cmpf oeq, %get3A_1, %eq3A : vector<128x4096xf32>
    %jit3A = arith.constant 4096 : i32
    %broadcast_in_dim3A_4 = vector.broadcast %jit3A : i32 to vector<128x4096xi32>
    %select_n3A = arith.select %eq3A_3, %iota3A, %broadcast_in_dim3A_4 : vector<128x4096xi1>, vector<128x4096xi32>
    %reduce_min3A = arith.constant dense<2147483647> : vector<128xi32>
    %reduce_min3A_5 = vector.multi_reduction <minsi>, %select_n3A, %reduce_min3A [1] : vector<128x4096xi32> to vector<128xi32>
    %iota3A_6 = tpu.iota {dimensions = array<i32: 0>} : vector<8x128xi32>
    %eq3A_7 = vector.broadcast %arg0 : i32 to vector<8x128xi32>
    %eq3A_8 = arith.cmpi eq, %iota3A_6, %eq3A_7 : vector<8x128xi32>
    %broadcast_in_dim3A_9 = vector.shape_cast %reduce_min3A_5 : vector<128xi32> to vector<1x128xi32>
    %get3A_10 = arith.constant 0 : index
    %get3A_11 = arith.constant 0 : index
    %get3A_12 = vector.load %arg2[%get3A_10, %get3A_11] : memref<8x128xi32, #tpu.memory_space<vmem>>, vector<8x128xi32>
    %broadcast_in_dim3A_13 = vector.shape_cast %broadcast_in_dim3A_9 : vector<1x128xi32> to vector<1x128xi32>
    %broadcast_in_dim3A_14 = vector.broadcast %broadcast_in_dim3A_13 : vector<1x128xi32> to vector<8x128xi32>
    %select_n3A_15 = arith.select %eq3A_8, %broadcast_in_dim3A_14, %get3A_12 : vector<8x128xi1>, vector<8x128xi32>
    %swap3A = arith.constant 0 : index
    %swap3A_16 = arith.constant 0 : index
    %swap3A_17 = vector.load %arg2[%swap3A, %swap3A_16] : memref<8x128xi32, #tpu.memory_space<vmem>>, vector<8x128xi32>
    tpu.vector_store %arg2[%swap3A, %swap3A_16], %select_n3A_15 {strides = array<i32>} : memref<8x128xi32, #tpu.memory_space<vmem>>, vector<8x128xi32>,
    return
  }
  func.func @transform_0(%arg0: i32) -> (i32, i32) {
    %c0_i32 = arith.constant 0 : i32
    %c0_i32_0 = arith.constant 0 : i32
    return %arg0, %c0_i32 : i32, i32
  }
  func.func @transform_1(%arg0: i32) -> (i32, i32) {
    %c0_i32 = arith.constant 0 : i32
    %c0_i32_0 = arith.constant 0 : i32
    %c0_i32_1 = arith.constant 0 : i32
    return %c0_i32, %c0_i32_0 : i32, i32
  }
}

</mosaic_0001>

<sc_bundles>
// kernel: kernel.4.cloned.1.call-start
scs
__scs_entry_jumppad:
0x0: {  	(pc) =	sbr.rel $0x88, $3  }
0x1: {  	(tag) =	ssettag $0x0;
	lr =	simm.s32 $0x1  }
0x2: {  	[smem:$0x3F9F] =	sst lr;
	_ =	strace $0xD0000000  }
0x3: {  	_ = 	snop  }
0x4: {  	_ = 	snop  }
0x5: {  	_ = 	snop  }
0x6: {  	_ = 	snop  }
0x7: {  	_ = 	snop  }
__scs_overlays_trampoline_lowered:
0x8: {  	[smem:$0x3FAE] =	sst s0  }
0x9: {  	[smem:$0x3FAF] =	sst s1  }
0xa: {  	[smem:$0x3FB0] =	sst s2  }
0xb: {  	[smem:$0x3FB1] =	sst s3  }
0xc: {  	[smem:$0x3FB2] =	sst s4  }
0xd: {  	[smem:$0x3FB3] =	sst s5  }
0xe: {  	[smem:$0x3FB4] =	sst s6  }
0xf: {  	[smem:$0x3FB5] =	sst s7  }
0x10: {  	[smem:$0x3FB6] =	sst s8  }
0x11: {  	[smem:$0x3FB7] =	sst s9;
	s0 =	simm.s32 @!p0 $0x0  }
0x12: {  	s1 =	sld [smem:$0x3F9D];
	s0 =	simm.s32 @p0 $0x1  }
0x13: {  	[smem:$0x3FB8] =	sst s0;
	s0 =	simm.s32 @!p1 $0x0  }
0x14: {  	s2 =	sld [smem:$0x3F9C];
	s0 =	simm.s32 @p1 $0x1  }
0x15: {  	[smem:$0x3FB9] =	sst s0;
	s0 =	simm.s32 @!p2 $0x0  }
0x16: {  	s3 =	sld [smem:$0x3FDB];
	s0 =	simm.s32 @p2 $0x1  }
0x17: {  	s4 =	simm.s32 $0x1BF5;
	[smem:$0x3FBB] =	sst s0  }
0x18: {  	s0 =	sld [smem:$0x3F9E];
	_ =	swait.ge [sflag:s4], $0x0  }
0x19: {  	s7 =	sld [smem:$0x3F9F]  }
0x1a: {  	s8 =	sadd.s32 $0xFFFFE003, lr  }
0x1b: {  	s9 =	sadd.s32 $0xFFFFFEF7, lr;
	s5 =	simm.s32 $0xFFFFFFFF;
	p2 =	slt.u32 s8, $0xFFFFF086  }
0x1c: {  	p1 =	slt.u32 s9, $0xF7A;
	s5 =	simm.s32 @!p2 $0x0  }
0x1d: {  	s5 =	simm.s32 @p1 $0x1;
	p0 =	seq.s32 s7, s2  }
0x1e: {  	s7 =	smul.u32 @!p0 $0xF7A, s2;
	p2 =	seq.s32 @!p0 s5, $0x0  }
0x1f: {  	s9 =	smul.u32 $0xF7A, s1;
	s8 =	simm.s32 @!p0 $0x1BF5;
	p2 =	por !p2, p0  }
0x20: {  	[sflag:s8] =	ssyncset.s32 @!p0 $0xFFFFF086;
	s6 =	sadd.s32 @!p0 s3, s7;
	s7 =	simm.s32 @!p0 $0x108  }
0x21: {  	s3 =	sadd.s32 s3, s9;
	s6 =	sadd.s32 @!p0 $0x88, s6;
	s7 =	simm.s32 @p2 $0x1082  }
0x22: {  	[simem:s7], [sflag:s8] =	dma.local @!p0 [hbm:s6], $0xF7A  }
0x23: {  	s9 =	sor.u32 $0xD0000000, s2;
	s6 =	simm.s32 $0x108;
	_ =	swait.ge @!p0 [sflag:s8], $0x0  }
0x24: {  	s3 =	sadd.s32 $0x88, s3;
	s6 =	simm.s32 @!p1 $0x1082;
	[sflag:s4] =	ssyncset.s32 $0xFFFFF086  }
0x25: {  	[simem:s6], [sflag:s4] =	dma.local [hbm:s3], $0xF7A  }
0x26: {  	[smem:$0x3F9F] =	sst s1;
	(tag) =	ssettag s2;
	_ =	strace s9  }
0x27: {  	s1 =	sld [smem:$0x3FAF]  }
0x28: {  	s2 =	sld [smem:$0x3FB0]  }
0x29: {  	s4 =	sld [smem:$0x3FB2]  }
0x2a: {  	p0 =	seq.s32 s5, $0x0;
	s5 =	sld [smem:$0x3FB3]  }
0x2b: {  	s6 =	sld [smem:$0x3FB4]  }
0x2c: {  	s7 =	sld [smem:$0x3FB5]  }
0x2d: {  	s3 =	simm.s32 $0x108;
	s8 =	sld [smem:$0x3FB6]  }
0x2e: {  	s3 =	simm.s32 @!p0 $0x1082;
	s9 =	sld [smem:$0x3FB7]  }
0x2f: {  	lr =	sadd.s32 s0, s3;
	s0 =	sld [smem:$0x3FAE]  }
0x30: {  	s3 =	sld [smem:$0x3FB1]  }
0x31: {  	[smem:$0x3FBA] =	sst s10  }
0x32: {  	s10 =	sld [smem:$0x3FB8];
	_ =	sdelay $0x3  }
0x33: {  	p0 =	seq.s32 s10, $0x1;
	s10 =	sld [smem:$0x3FBA];
	_ =	sdelay $0x3  }
0x34: {  	[smem:$0x3FBA] =	sst s10  }
0x35: {  	s10 =	sld [smem:$0x3FB9];
	_ =	sdelay $0x3  }
0x36: {  	p1 =	seq.s32 s10, $0x1;
	s10 =	sld [smem:$0x3FBA];
	_ =	sdelay $0x3  }
0x37: {  	[smem:$0x3FBA] =	sst s10  }
0x38: {  	s10 =	sld [smem:$0x3FBB]  }
0x39: {  	_ = 	snop;
	(pc) =	sbr.ind lr, $3  }
0x3a: {  	_ = 	snop  }
0x3b: {  	_ = 	snop  }
0x3c: {  	p2 =	seq.s32 s10, $0x1;
	s10 =	sld [smem:$0x3FBA]  }
0x3d: {  	_ =	shalt  }
0x3e: {  	_ =	shalt  }
0x3f: {  	_ =	shalt  }
0x40: {  	_ =	shalt  }
0x41: {  	_ =	shalt  }
0x42: {  	_ =	shalt  }
0x43: {  	_ =	shalt  }
0x44: {  	_ =	shalt  }
0x45: {  	_ =	shalt  }
0x46: {  	_ =	shalt  }
0x47: {  	_ =	shalt  }
0x48: {  	_ =	shalt  }
0x49: {  	_ =	shalt  }
0x4a: {  	_ =	shalt  }
0x4b: {  	_ =	shalt  }
0x4c: {  	_ =	shalt  }
0x4d: {  	_ =	shalt  }
0x4e: {  	_ =	shalt  }
0x4f: {  	_ =	shalt  }
0x50: {  	_ =	shalt  }
0x51: {  	_ =	shalt  }
0x52: {  	_ =	shalt  }
0x53: {  	_ =	shalt  }
0x54: {  	_ =	shalt  }
0x55: {  	_ =	shalt  }
0x56: {  	_ =	shalt  }
0x57: {  	_ =	shalt  }
0x58: {  	_ =	shalt  }
0x59: {  	_ =	shalt  }
0x5a: {  	_ =	shalt  }
0x5b: {  	_ =	shalt  }
0x5c: {  	_ =	shalt  }
0x5d: {  	_ =	shalt  }
0x5e: {  	_ =	shalt  }
0x5f: {  	_ =	shalt  }
0x60: {  	_ =	shalt  }
0x61: {  	_ =	shalt  }
0x62: {  	_ =	shalt  }
0x63: {  	_ =	shalt  }
0x64: {  	_ =	shalt  }
0x65: {  	_ =	shalt  }
0x66: {  	_ =	shalt  }
0x67: {  	_ =	shalt  }
0x68: {  	_ =	shalt  }
0x69: {  	_ =	shalt  }
0x6a: {  	_ =	shalt  }
0x6b: {  	_ =	shalt  }
0x6c: {  	_ =	shalt  }
0x6d: {  	_ =	shalt  }
0x6e: {  	_ =	shalt  }
0x6f: {  	_ =	shalt  }
0x70: {  	_ =	shalt  }
0x71: {  	_ =	shalt  }
0x72: {  	_ =	shalt  }
0x73: {  	_ =	shalt  }
0x74: {  	_ =	shalt  }
0x75: {  	_ =	shalt  }
0x76: {  	_ =	shalt  }
0x77: {  	_ =	shalt  }
0x78: {  	_ =	shalt  }
0x79: {  	_ =	shalt  }
0x7a: {  	_ =	shalt  }
0x7b: {  	_ =	shalt  }
0x7c: {  	_ =	shalt  }
0x7d: {  	_ =	shalt  }
0x7e: {  	_ =	shalt  }
0x7f: {  	_ =	shalt  }
0x80: {  	_ =	shalt  }
0x81: {  	_ =	shalt  }
0x82: {  	_ =	shalt  }
0x83: {  	_ =	shalt  }
0x84: {  	_ =	shalt  }
0x85: {  	_ =	shalt  }
0x86: {  	_ =	shalt  }
0x87: {  	_ =	shalt  }
.Lfunc_end0:
.L_simem_size_0:
called_computation_lowered:
.L_overlay_start_0:
0x88: {  	s2 =	sld [smem:$0x3FD9]  }
0x89: {  	s3 =	sld [smem:$0x3FFE];
	_ =	sdelay $0x1  }
0x8a: {  	s1 =	srdreg.scid  }
0x8b: {  	s0 =	sand.u32 $0x1, s1  }
0x8c: {  	s17 =	sshll.u32 s0, $0xA;
	s2 =	sadd.s32 s3, s2  }
0x8d: {  	s2 =	sadd.s32 s2, s17  }
0x8e: {  	[smem:$0x3FC6] =	sst s2  }
0x8f: {  	_ = 	snop  }
0x90: {  	s2 =	sld [smem:$0x3FC9]  }
0x91: {  	s18 =	sld [smem:$0x3FD0];
	(tm) =	ssettm $0x1  }
0x92: {  	s4 =	sld [smem:$0x3FFB];
	_ =	sdelay $0x3  }
0x93: {  	_ =	strace s4  }
0x94: {  	s4 =	sld [smem:$0x3FFC];
	_ =	sdelay $0x3  }
0x95: {  	_ =	strace s4  }
0x96: {  	s4 =	sld [smem:$0x3FFD];
	_ =	sdelay $0x3  }
0x97: {  	_ =	strace s4  }
0x98: {  	_ =	strace $0x8FFFFFFF  }
0x99: {  	s19 =	sld [smem:$0x3FDB];
	_ =	sdelay $0x1  }
0x9a: {  	s5 =	simm.s32 $_scs_section_size  }
0x9b: {  	s6 =	simm.s32 $_size__tile_overlayer_lowered;
	s7 =	simm.s32 $_tile_overlayer_lowered  }
0x9c: {  	s22 =	simm.s32 $0x1BFF;
	s21 =	sshll.u32 s7, $0x1;
	s4 =	sadd.s32 s5, s19  }
0x9d: {  	s8 =	simm.s32 $0x0;
	s20 =	sshll.u32 s6, $0x1;
	s6 =	sadd.s32 s21, s4  }
0x9e: {  	[timem:s8], [sflag:s22] =	dma.local [hbm:s6], s20  }
0x9f: {  	_ =	swait.ge [sflag:s22], s20  }
0xa0: {  	s5 =	ssub.s32 $0x0, s20;
	[sflag:s22] =	ssyncset.done $0x0  }
0xa1: {  	[sflag:s22] =	ssyncadd.s32 s5;
	_ =	sdelay $0x1  }
0xa2: {  	s23 =	simm.s32 $0x1B8B  }
0xa3: {  	_ =	swait.ge [sflag:s23], $0x1  }
0xa4: {  	[sflag:s23] =	ssyncset.done $0x0  }
0xa5: {  	s25 =	simm.s32 $0x1B8E;
	s24 =	sld [smem:$0x3FFE];
	[sflag:s23] =	ssyncadd.s32 $0xFFFFFFFF  }
0xa6: {  	s26 =	simm.s32 $execute0_lowered;
	[smem:$0x3FD2] =	sst s25  }
0xa7: {  	s6 =	sshll.u32 s26, $0x1;
	_ =	strace $0x80000046;
	[dreg:$0x1] =	wrdreg $0xFFFFFFFF  }
0xa8: {  	s28 =	simm.s32 $_size_execute0_lowered;
	s4 =	sadd.s32 s4, s6;
	[dreg:$0x0] =	wrdreg $0x0  }
0xa9: {  	s6 =	sshll.u32 s28, $0x1;
	[dreg:$0x2] =	wrdreg s4  }
0xaa: {  	[dreg:$0x3] =	wrdreg s6  }
0xab: {  	[dreg:$0x4] =	wrdreg $0xC0  }
0xac: {  	_ =	task [dreg:s8], $0x5FFFF  }
0xad: {  	[dreg:$0x1] =	wrdreg $0xFFFFFFFF  }
0xae: {  	[dreg:$0x0] =	wrdreg $0x60  }
0xaf: {  	[dreg:$0x2] =	wrdreg s24  }
0xb0: {  	[dreg:$0x3] =	wrdreg s2  }
0xb1: {  	[dreg:$0x4] =	wrdreg s18  }
0xb2: {  	[dreg:$0x5] =	wrdreg $0x9  }
0xb3: {  	_ =	task.clear_ibuf [dreg:s8], $0x6FFFF;
	_ =	strace $0x90000046  }
0xb4: {  	s29 =	simm.s32 $0x9;
	_ =	strace $0x80000048  }
0xb5: {  	_ =	swait.ge [sflag:s29], $0x1  }
0xb6: {  	[sflag:s29] =	ssyncadd.s32 $0xFFFFFFFF  }
0xb7: {  	_ =	strace $0x90000048  }
0xb8: {  	_ =	sfence  }
0xb9: {  	s30 =	sld [smem:$0x0];
	_ =	sdelay $0x2  }
0xba: {  	s31 =	sshll.u32 s1, $0xD;
	s1 =	sshrl.u32 s1, $0x2  }
0xbb: {  	s3 =	sand.u32 $0x4000, s31;
	s1 =	sadd.s32 s1, s30  }
0xbc: {  	s0 =	sor.u32 s3, s0;
	s1 =	sshll.u32 s1, $0x11  }
0xbd: {  	s0 =	sor.u32 s1, s0  }
0xbe: {  	s0 =	sadd.s32 $0x8F2B, s0  }
0xbf: {  	[sflag:s0] =	ssyncadd.remote.s32 $0x1  }
0xc0: {  	_ =	sfence.sel $0xFFFF  }
0xc1: {  	[dreg:$0x0] =	wrdreg $0xFFFFFFFF;
	(pc) =	sbr.abs _section_cstart, $3  }
0xc2: {  	[dreg:$0x1] =	wrdreg $0xFFFFFFFF  }
0xc3: {  	_ =	task.clear_ibuf [dreg:s8], $0x2FFFF;
	_ =	strace $0x9FFFFFFF  }
0xc4: {  	(tm) =	ssettm $0x7FFFFFFF  }
0xc5: {  	_ =	shalt  }
tec
execute0_lowered:
.L_overlay_start_1:
0x0: {  	(tag) =	ssettag $0x1  }
0x1: {  	s0 =	rddreg [dreg:$0x0]  }
0x2: {  	s6 =	rddreg [dreg:$0x1]  }
0x3: {  	s3 =	rddreg [dreg:$0x2]  }
0x4: {  	s1 =	srdreg.scid;
	s4 =	simm.s32 $0x0;
	s2 =	stileid.u32  }
0x5: {  	s20 =	simm.s32 $0x1;
	s21 =	simm.s32 $0x2;
	s22 =	simm.s32 $0x3  }
0x6: {  	s23 =	simm.s32 $0x4;
	s24 =	simm.s32 $0x800;
	s28 =	simm.s32 $0x7  }
0x7: {  	s29 =	simm.s32 $0x8;
	s18 =	simm.s32 $0x8800;
	s1 =	sand.u32 $0x1, s1  }
0x8: {  	[smem:$0x7FF] =	sst s4;
	s2 =	sshll.u32 s2, $0xA;
	s0 =	sadd.s32 $0x800, s0  }
0x9: {  	s8 =	sadd.s32 $0x20, s6;
	s10 =	sadd.s32 $0x40, s6;
	s11 =	sadd.s32 $0x60, s6  }
0xa: {  	s15 =	sadd.s32 $0x40, s3;
	s5 =	sshll.u32 s1, $0x9;
	s1 =	ssub.s32 $0x2, s1  }
0xb: {  	_ =	strace $0x80000047;
	s5 =	sor.u32 s5, s2;
	s25 =	sshrl.u32 s1, $0x1  }
0xc: {  	[dreg:$0x4] =	wrdreg s0;
	s2 =	sshll.u32 s5, $0x9;
	s0 =	ssub.s32 s1, s25  }
0xd: {  	s26 =	sshll.u32 s5, $0x7;
	s14 =	sadd.s32 $0x3FFFF8, s5;
	s30 =	sor.u32 $0x10, s5  }
0xe: {  	s25 =	simm.s32 $0x5;
	s7 =	sadd.s32 s6, s2;
	s9 =	sadd.s32 s2, s8  }
0xf: {  	s1 =	sadd.s32 s26, s3;
	[dreg:$0x5] =	wrdreg s30;
	s0 =	smax.u32 s0, $0x1  }
0x10: {  	s12 =	sadd.s32 s2, s10;
	s31 =	sadd.s32 $0xFC00, s1;
	[dreg:$0x8] =	wrdreg s0  }
0x11: {  	s13 =	sadd.s32 s2, s11;
	s1 =	sadd.s32 $0xFC40, s1;
	[dreg:$0x6] =	wrdreg s31  }
0x12: {  	s26 =	simm.s32 $0x6;
	s2 =	simm.s32 $0x0;
	[dreg:$0x7] =	wrdreg s1  }
.LBB2_1:
0x13: {  	[dreg:$0x9] =	wrdreg s2  }
0x14: {  	s0 =	rddreg [dreg:$0x4]  }
0x15: {  	[tilespmem:s4], [sflag:$0x1] =	stream.linear.gather [hbm4b:s0+s4], $0x400, $0x38;
	[tilespmem:$0x14800] =	vst v63  }
0x16: {  	_ =	swait.ge [sflag:s20], $0x400  }
0x17: {  	[sflag:s20] =	ssyncset.done $0x0  }
0x18: {  	[sflag:s20] =	ssyncadd.s32 $0xFFFFFC00  }
0x19: {  	v0 =	vld [tilespmem:$0x0]  }
0x1a: {  	v1 =	vld [tilespmem:$0x10]  }
0x1b: {  	v2 =	vld [tilespmem:$0x20]  }
0x1c: {  	v3 =	vld [tilespmem:$0x30]  }
0x1d: {  	v4 =	vld [tilespmem:$0x40]  }
0x1e: {  	v61 =	vld [tilespmem:$0x50];
	[tilespmem:$0x400] =	vst v0  }
0x1f: {  	v62 =	vld [tilespmem:$0x60];
	[tilespmem:$0x410] =	vst v1  }
0x20: {  	v63 =	vld [tilespmem:$0x70];
	[tilespmem:$0x420] =	vst v2  }
0x21: {  	v8 =	vld [tilespmem:$0x80];
	[tilespmem:$0x430] =	vst v3  }
0x22: {  	v9 =	vld [tilespmem:$0x90];
	[tilespmem:$0x440] =	vst v4  }
0x23: {  	v10 =	vld [tilespmem:$0xA0];
	[tilespmem:$0x450] =	vst v61  }
0x24: {  	v11 =	vld [tilespmem:$0xB0];
	[tilespmem:$0x460] =	vst v62  }
0x25: {  	v12 =	vld [tilespmem:$0xC0];
	[tilespmem:$0x470] =	vst v63  }
0x26: {  	v13 =	vld [tilespmem:$0xD0];
	[tilespmem:$0x480] =	vst v8  }
0x27: {  	v14 =	vld [tilespmem:$0xE0];
	[tilespmem:$0x490] =	vst v9  }
0x28: {  	v15 =	vld [tilespmem:$0xF0];
	[tilespmem:$0x4A0] =	vst v10  }
0x29: {  	v16 =	vld [tilespmem:$0x100];
	[tilespmem:$0x4B0] =	vst v11  }
0x2a: {  	v17 =	vld [tilespmem:$0x110];
	[tilespmem:$0x4C0] =	vst v12  }
0x2b: {  	v18 =	vld [tilespmem:$0x120];
	[tilespmem:$0x4D0] =	vst v13  }
0x2c: {  	v19 =	vld [tilespmem:$0x130];
	[tilespmem:$0x4E0] =	vst v14  }
0x2d: {  	v20 =	vld [tilespmem:$0x140];
	[tilespmem:$0x4F0] =	vst v15  }
0x2e: {  	v21 =	vld [tilespmem:$0x150];
	[tilespmem:$0x500] =	vst v16  }
0x2f: {  	v22 =	vld [tilespmem:$0x160];
	[tilespmem:$0x510] =	vst v17  }
0x30: {  	v23 =	vld [tilespmem:$0x170];
	[tilespmem:$0x520] =	vst v18  }
0x31: {  	v24 =	vld [tilespmem:$0x180];
	[tilespmem:$0x530] =	vst v19  }
0x32: {  	v25 =	vld [tilespmem:$0x190];
	[tilespmem:$0x540] =	vst v20  }
0x33: {  	v26 =	vld [tilespmem:$0x1A0];
	[tilespmem:$0x550] =	vst v21  }
0x34: {  	v27 =	vld [tilespmem:$0x1B0];
	[tilespmem:$0x560] =	vst v22  }
0x35: {  	v28 =	vld [tilespmem:$0x1C0];
	[tilespmem:$0x570] =	vst v23  }
0x36: {  	v29 =	vld [tilespmem:$0x1D0];
	[tilespmem:$0x580] =	vst v24  }
0x37: {  	v30 =	vld [tilespmem:$0x1E0];
	[tilespmem:$0x590] =	vst v25  }
0x38: {  	v31 =	vld [tilespmem:$0x1F0];
	[tilespmem:$0x5A0] =	vst v26  }
0x39: {  	v32 =	vld [tilespmem:$0x200];
	[tilespmem:$0x5B0] =	vst v27  }
0x3a: {  	v33 =	vld [tilespmem:$0x210];
	[tilespmem:$0x5C0] =	vst v28  }
0x3b: {  	v34 =	vld [tilespmem:$0x220];
	[tilespmem:$0x5D0] =	vst v29  }
0x3c: {  	v35 =	vld [tilespmem:$0x230];
	[tilespmem:$0x5E0] =	vst v30  }
0x3d: {  	v36 =	vld [tilespmem:$0x240];
	[tilespmem:$0x5F0] =	vst v31  }
0x3e: {  	v37 =	vld [tilespmem:$0x250];
	[tilespmem:$0x600] =	vst v32  }
0x3f: {  	v38 =	vld [tilespmem:$0x260];
	[tilespmem:$0x610] =	vst v33  }
0x40: {  	v39 =	vld [tilespmem:$0x270];
	[tilespmem:$0x620] =	vst v34  }
0x41: {  	v40 =	vld [tilespmem:$0x280];
	[tilespmem:$0x630] =	vst v35  }
0x42: {  	v41 =	vld [tilespmem:$0x290];
	[tilespmem:$0x640] =	vst v36  }
0x43: {  	v42 =	vld [tilespmem:$0x2A0];
	[tilespmem:$0x650] =	vst v37  }
0x44: {  	v43 =	vld [tilespmem:$0x2B0];
	[tilespmem:$0x660] =	vst v38  }
0x45: {  	v44 =	vld [tilespmem:$0x2C0];
	[tilespmem:$0x670] =	vst v39  }
0x46: {  	v45 =	vld [tilespmem:$0x2D0];
	[tilespmem:$0x680] =	vst v40  }
0x47: {  	v46 =	vld [tilespmem:$0x2E0];
	[tilespmem:$0x690] =	vst v41  }
0x48: {  	v47 =	vld [tilespmem:$0x2F0];
	[tilespmem:$0x6A0] =	vst v42  }
0x49: {  	v48 =	vld [tilespmem:$0x300];
	[tilespmem:$0x6B0] =	vst v43  }
0x4a: {  	v49 =	vld [tilespmem:$0x310];
	[tilespmem:$0x6C0] =	vst v44  }
0x4b: {  	v50 =	vld [tilespmem:$0x320];
	[tilespmem:$0x6D0] =	vst v45  }
0x4c: {  	v51 =	vld [tilespmem:$0x330];
	[tilespmem:$0x6E0] =	vst v46  }
0x4d: {  	v52 =	vld [tilespmem:$0x340];
	[tilespmem:$0x6F0] =	vst v47  }
0x4e: {  	v53 =	vld [tilespmem:$0x350];
	[tilespmem:$0x700] =	vst v48  }
0x4f: {  	v54 =	vld [tilespmem:$0x360];
	[tilespmem:$0x710] =	vst v49  }
0x50: {  	v55 =	vld [tilespmem:$0x370];
	[tilespmem:$0x720] =	vst v50  }
0x51: {  	v56 =	vld [tilespmem:$0x380];
	[tilespmem:$0x730] =	vst v51  }
0x52: {  	v57 =	vld [tilespmem:$0x390];
	[tilespmem:$0x740] =	vst v52  }
0x53: {  	v58 =	vld [tilespmem:$0x3A0];
	[tilespmem:$0x750] =	vst v53  }
0x54: {  	v59 =	vld [tilespmem:$0x3B0];
	[tilespmem:$0x760] =	vst v54  }
0x55: {  	v60 =	vld [tilespmem:$0x3C0];
	[tilespmem:$0x770] =	vst v55  }
0x56: {  	[tilespmem:$0x780] =	vst v56;
	v61 =	vld [tilespmem:$0x3D0]  }
0x57: {  	[tilespmem:$0x790] =	vst v57;
	v62 =	vld [tilespmem:$0x3E0]  }
0x58: {  	[tilespmem:$0x7A0] =	vst v58;
	v63 =	vld [tilespmem:$0x3F0]  }
0x59: {  	[tilespmem:$0x7B0] =	vst v59  }
0x5a: {  	[tilespmem:$0x7C0] =	vst v60  }
0x5b: {  	[tilespmem:$0x7D0] =	vst v61  }
0x5c: {  	s16 =	sadd.s32 $0x0, s7;
	[tilespmem:$0x7E0] =	vst v62  }
0x5d: {  	s2 =	simm.s32 $0xC00;
	s6 =	simm.s32 $0x800;
	s0 =	simm.s32 $0x80;
	[tilespmem:$0x7F0] =	vst v63  }
.LBB2_2:
0x5e: {  	[tilespmem:s6], [sflag:$0x1] =	stream.linear.gather [hbm4b:s16+s4], $0x100, $0x38;
	[tilespmem:$0x14800] =	vst v63  }
0x5f: {  	s1 =	smov.u32 s0;
	s6 =	smov.u32 s2;
	p0 =	sne.s32 s0, $0xF80  }
.Ltmp0:
0x60: {  	s0 =	sadd.s32 $0x80, s0;
	(pc) =	sbr.rel @p0 .LBB2_2-.Ltmp0, $2  }
0x61: {  	_ =	sdelay $0x2  }
0x62: {  	s2 =	sadd.s32 $0x400, s2;
	s16 =	sadd.s32 s1, s7  }
0x63: {  	[tilespmem:s6], [sflag:$0x1] =	stream.linear.gather [hbm4b:s16+s4], $0x100, $0x38;
	[tilespmem:$0x14800] =	vst v63  }
0x64: {  	s0 =	simm.s32 $0x900  }
0x65: {  	s2 =	simm.s32 $0x80;
	s16 =	sadd.s32 $0x0, s9;
	s6 =	simm.s32 $0xD00  }
.LBB2_4:
0x66: {  	[tilespmem:s0], [sflag:$0x2] =	stream.linear.gather [hbm4b:s16+s4], $0x100, $0x38;
	[tilespmem:$0x14800] =	vst v63  }
0x67: {  	s1 =	smov.u32 s2;
	s0 =	smov.u32 s6;
	p0 =	sne.s32 s2, $0xF80  }
.Ltmp1:
0x68: {  	s2 =	sadd.s32 $0x80, s2;
	(pc) =	sbr.rel @p0 .LBB2_4-.Ltmp1, $2  }
0x69: {  	_ =	sdelay $0x2  }
0x6a: {  	s6 =	sadd.s32 $0x400, s6;
	s16 =	sadd.s32 s1, s9  }
0x6b: {  	[tilespmem:s0], [sflag:$0x2] =	stream.linear.gather [hbm4b:s16+s4], $0x100, $0x38;
	[tilespmem:$0x14800] =	vst v63  }
0x6c: {  	s0 =	simm.s32 $0xA00  }
0x6d: {  	s2 =	simm.s32 $0x80;
	s16 =	sadd.s32 $0x0, s12;
	s6 =	simm.s32 $0xE00  }
.LBB2_6:
0x6e: {  	[tilespmem:s0], [sflag:$0x3] =	stream.linear.gather [hbm4b:s16+s4], $0x100, $0x38;
	[tilespmem:$0x14800] =	vst v63  }
0x6f: {  	s1 =	smov.u32 s2;
	s0 =	smov.u32 s6;
	p0 =	sne.s32 s2, $0xF80  }
.Ltmp2:
0x70: {  	s2 =	sadd.s32 $0x80, s2;
	(pc) =	sbr.rel @p0 .LBB2_6-.Ltmp2, $2  }
0x71: {  	_ =	sdelay $0x2  }
0x72: {  	s6 =	sadd.s32 $0x400, s6;
	s16 =	sadd.s32 s1, s12  }
0x73: {  	[tilespmem:s0], [sflag:$0x3] =	stream.linear.gather [hbm4b:s16+s4], $0x100, $0x38;
	[tilespmem:$0x14800] =	vst v63  }
0x74: {  	s16 =	simm.s32 $0x0;
	s0 =	simm.s32 $0xB00  }
0x75: {  	s2 =	simm.s32 $0x80;
	s17 =	sadd.s32 $0x0, s13;
	s6 =	simm.s32 $0xF00  }
.LBB2_8:
0x76: {  	[tilespmem:s0], [sflag:$0x4] =	stream.linear.gather [hbm4b:s17+s16], $0x100, $0x38;
	[tilespmem:$0x14800] =	vst v63  }
0x77: {  	s1 =	smov.u32 s2;
	s0 =	smov.u32 s6;
	p0 =	sne.s32 s2, $0xF80  }
.Ltmp3:
0x78: {  	s2 =	sadd.s32 $0x80, s2;
	(pc) =	sbr.rel @p0 .LBB2_8-.Ltmp3, $2  }
0x79: {  	_ =	sdelay $0x2  }
0x7a: {  	s6 =	sadd.s32 $0x400, s6;
	s17 =	sadd.s32 s1, s13  }
0x7b: {  	[tilespmem:s0], [sflag:$0x4] =	stream.linear.gather [hbm4b:s17+s16], $0x100, $0x38;
	[tilespmem:$0x14800] =	vst v63  }
.LBB2_10:
0x7c: {  	s31 =	sshll.u32 s16, $0x4  }
0x7d: {  	s30 =	sor.u32 s31, s5  }
0x7e: {  	s0 =	sshll.u32 s30, $0x9  }
0x7f: {  	s1 =	rddreg [dreg:$0x1];
	s0 =	sor.u32 $0x1000, s0  }
0x80: {  	s6 =	simm.s32 $0x8800;
	s2 =	sadd.s32 s1, s0  }
0x81: {  	s19 =	simm.s32 $0x80;
	s17 =	simm.s32 $0x8C00;
	s1 =	sadd.s32 $0x0, s2  }
.LBB2_11:
0x82: {  	[tilespmem:s6], [sflag:$0x5] =	stream.linear.gather [hbm4b:s1+s4], $0x100, $0x38;
	[tilespmem:$0x14800] =	vst v63  }
0x83: {  	s1 =	smov.u32 s19;
	s6 =	smov.u32 s17;
	p0 =	sne.s32 s19, $0xF80  }
.Ltmp4:
0x84: {  	s19 =	sadd.s32 $0x80, s19;
	(pc) =	sbr.rel @p0 .LBB2_11-.Ltmp4, $2  }
0x85: {  	_ =	sdelay $0x2  }
0x86: {  	s17 =	sadd.s32 $0x400, s17;
	s1 =	sadd.s32 s1, s2  }
0x87: {  	[tilespmem:s6], [sflag:$0x5] =	stream.linear.gather [hbm4b:s1+s4], $0x100, $0x38;
	[tilespmem:$0x14800] =	vst v63  }
0x88: {  	s2 =	sadd.s32 s0, s8;
	s6 =	simm.s32 $0x8900  }
0x89: {  	s19 =	simm.s32 $0x80;
	s17 =	simm.s32 $0x8D00;
	s1 =	sadd.s32 $0x0, s2  }
.LBB2_13:
0x8a: {  	[tilespmem:s6], [sflag:$0x6] =	stream.linear.gather [hbm4b:s1+s4], $0x100, $0x38;
	[tilespmem:$0x14800] =	vst v63  }
0x8b: {  	s1 =	smov.u32 s19;
	s6 =	smov.u32 s17;
	p0 =	sne.s32 s19, $0xF80  }
.Ltmp5:
0x8c: {  	s19 =	sadd.s32 $0x80, s19;
	(pc) =	sbr.rel @p0 .LBB2_13-.Ltmp5, $2  }
0x8d: {  	_ =	sdelay $0x2  }
0x8e: {  	s17 =	sadd.s32 $0x400, s17;
	s1 =	sadd.s32 s1, s2  }
0x8f: {  	[tilespmem:s6], [sflag:$0x6] =	stream.linear.gather [hbm4b:s1+s4], $0x100, $0x38;
	[tilespmem:$0x14800] =	vst v63  }
0x90: {  	s2 =	sadd.s32 s0, s10;
	s6 =	simm.s32 $0x8A00  }
0x91: {  	s19 =	simm.s32 $0x80;
	s17 =	simm.s32 $0x8E00;
	s1 =	sadd.s32 $0x0, s2  }
.LBB2_15:
0x92: {  	[tilespmem:s6], [sflag:$0x7] =	stream.linear.gather [hbm4b:s1+s4], $0x100, $0x38;
	[tilespmem:$0x14800] =	vst v63  }
0x93: {  	s1 =	smov.u32 s19;
	s6 =	smov.u32 s17;
	p0 =	sne.s32 s19, $0xF80  }
.Ltmp6:
0x94: {  	s19 =	sadd.s32 $0x80, s19;
	(pc) =	sbr.rel @p0 .LBB2_15-.Ltmp6, $2  }
0x95: {  	_ =	sdelay $0x2  }
0x96: {  	s17 =	sadd.s32 $0x400, s17;
	s1 =	sadd.s32 s1, s2  }
0x97: {  	[tilespmem:s6], [sflag:$0x7] =	stream.linear.gather [hbm4b:s1+s4], $0x100, $0x38;
	[tilespmem:$0x14800] =	vst v63  }
0x98: {  	s0 =	sadd.s32 s0, s11;
	s2 =	simm.s32 $0x8B00  }
0x99: {  	s6 =	simm.s32 $0x80;
	s17 =	simm.s32 $0x8F00;
	s1 =	sadd.s32 $0x0, s0  }
.LBB2_17:
0x9a: {  	[tilespmem:s2], [sflag:$0x8] =	stream.linear.gather [hbm4b:s1+s4], $0x100, $0x38;
	[tilespmem:$0x14800] =	vst v63  }
0x9b: {  	s1 =	smov.u32 s6;
	s2 =	smov.u32 s17;
	p0 =	sne.s32 s6, $0xF80  }
.Ltmp7:
0x9c: {  	s6 =	sadd.s32 $0x80, s6;
	(pc) =	sbr.rel @p0 .LBB2_17-.Ltmp7, $2  }
0x9d: {  	_ =	sdelay $0x2  }
0x9e: {  	s17 =	sadd.s32 $0x400, s17;
	s1 =	sadd.s32 s1, s0  }
0x9f: {  	[tilespmem:s2], [sflag:$0x8] =	stream.linear.gather [hbm4b:s1+s4], $0x100, $0x38;
	[tilespmem:$0x14800] =	vst v63  }
0xa0: {  	_ =	swait.ge [sflag:s20], $0x2000  }
0xa1: {  	[sflag:s20] =	ssyncset.done $0x0  }
0xa2: {  	[sflag:s20] =	ssyncadd.s32 $0xFFFFE000  }
0xa3: {  	_ =	swait.ge [sflag:s21], $0x2000  }
0xa4: {  	[sflag:s21] =	ssyncset.done $0x0  }
0xa5: {  	[sflag:s21] =	ssyncadd.s32 $0xFFFFE000  }
0xa6: {  	_ =	swait.ge [sflag:s22], $0x2000  }
0xa7: {  	p0 =	seq.s32 s16, $0x0;
	[sflag:s22] =	ssyncset.done $0x0  }
0xa8: {  	s0 =	sadd.s32 @!p0 s31, s14;
	[sflag:s22] =	ssyncadd.s32 $0xFFFFE000  }
0xa9: {  	s0 =	sshll.u32 @!p0 s0, $0x7;
	_ =	swait.ge [sflag:s23], $0x2000  }
0xaa: {  	s2 =	simm.s32 @!p0 $0x0;
	s0 =	sand.u32 @!p0 $0x1FFFFC00, s0;
	[sflag:s23] =	ssyncset.done $0x0  }
0xab: {  	s6 =	simm.s32 @!p0 $0x12800;
	s1 =	sadd.s32 @!p0 s3, s0;
	[sflag:s23] =	ssyncadd.s32 $0xFFFFE000  }
0xac: {  	[hbm4b:s1+s2] =	stream.linear.scatter @!p0 [tilespmem:s6], [sflag:$0xB], $0x200, $0x38;
	[tilespmem:$0x14800] =	vst v63  }
0xad: {  	s17 =	simm.s32 @!p0 $0x12C00;
	s6 =	sadd.s32 @!p0 $0x80, s1  }
0xae: {  	[hbm4b:s6+s2] =	stream.linear.scatter @!p0 [tilespmem:s17], [sflag:$0xB], $0x200, $0x38;
	[tilespmem:$0x14800] =	vst v63  }
0xaf: {  	s6 =	sadd.s32 @!p0 $0x100, s1;
	s17 =	simm.s32 @!p0 $0x13000  }
0xb0: {  	[hbm4b:s6+s2] =	stream.linear.scatter @!p0 [tilespmem:s17], [sflag:$0xB], $0x200, $0x38;
	[tilespmem:$0x14800] =	vst v63  }
0xb1: {  	s6 =	sadd.s32 @!p0 $0x180, s1;
	s17 =	simm.s32 @!p0 $0x13400  }
0xb2: {  	[hbm4b:s6+s2] =	stream.linear.scatter @!p0 [tilespmem:s17], [sflag:$0xB], $0x200, $0x38;
	[tilespmem:$0x14800] =	vst v63  }
0xb3: {  	s6 =	sadd.s32 @!p0 $0x200, s1;
	s17 =	simm.s32 @!p0 $0x13800  }
0xb4: {  	[hbm4b:s6+s2] =	stream.linear.scatter @!p0 [tilespmem:s17], [sflag:$0xB], $0x200, $0x38;
	[tilespmem:$0x14800] =	vst v63  }
0xb5: {  	s6 =	sadd.s32 @!p0 $0x280, s1;
	s17 =	simm.s32 @!p0 $0x13C00  }
0xb6: {  	[hbm4b:s6+s2] =	stream.linear.scatter @!p0 [tilespmem:s17], [sflag:$0xB], $0x200, $0x38;
	[tilespmem:$0x14800] =	vst v63  }
0xb7: {  	s6 =	sadd.s32 @!p0 $0x300, s1;
	s17 =	simm.s32 @!p0 $0x14000  }
0xb8: {  	[hbm4b:s6+s2] =	stream.linear.scatter @!p0 [tilespmem:s17], [sflag:$0xB], $0x200, $0x38;
	[tilespmem:$0x14800] =	vst v63  }
0xb9: {  	s1 =	sadd.s32 @!p0 $0x380, s1;
	s6 =	simm.s32 @!p0 $0x14400  }
0xba: {  	[hbm4b:s1+s2] =	stream.linear.scatter @!p0 [tilespmem:s6], [sflag:$0xB], $0x200, $0x38;
	[tilespmem:$0x14800] =	vst v63  }
0xbb: {  	s0 =	sadd.s32 @!p0 s0, s15;
	s1 =	simm.s32 @!p0 $0x12A00  }
0xbc: {  	[hbm4b:s0+s2] =	stream.linear.scatter @!p0 [tilespmem:s1], [sflag:$0xC], $0x200, $0x38;
	[tilespmem:$0x14800] =	vst v63  }
0xbd: {  	s6 =	simm.s32 @!p0 $0x12E00;
	s1 =	sadd.s32 @!p0 $0x80, s0  }
0xbe: {  	[hbm4b:s1+s2] =	stream.linear.scatter @!p0 [tilespmem:s6], [sflag:$0xC], $0x200, $0x38;
	[tilespmem:$0x14800] =	vst v63  }
0xbf: {  	s1 =	sadd.s32 @!p0 $0x100, s0;
	s6 =	simm.s32 @!p0 $0x13200  }
0xc0: {  	[hbm4b:s1+s2] =	stream.linear.scatter @!p0 [tilespmem:s6], [sflag:$0xC], $0x200, $0x38;
	[tilespmem:$0x14800] =	vst v63  }
0xc1: {  	s1 =	sadd.s32 @!p0 $0x180, s0;
	s6 =	simm.s32 @!p0 $0x13600  }
0xc2: {  	[hbm4b:s1+s2] =	stream.linear.scatter @!p0 [tilespmem:s6], [sflag:$0xC], $0x200, $0x38;
	[tilespmem:$0x14800] =	vst v63  }
0xc3: {  	s1 =	sadd.s32 @!p0 $0x200, s0;
	s6 =	simm.s32 @!p0 $0x13A00  }
0xc4: {  	[hbm4b:s1+s2] =	stream.linear.scatter @!p0 [tilespmem:s6], [sflag:$0xC], $0x200, $0x38;
	[tilespmem:$0x14800] =	vst v63  }
0xc5: {  	s1 =	sadd.s32 @!p0 $0x280, s0;
	s6 =	simm.s32 @!p0 $0x13E00  }
0xc6: {  	[hbm4b:s1+s2] =	stream.linear.scatter @!p0 [tilespmem:s6], [sflag:$0xC], $0x200, $0x38;
	[tilespmem:$0x14800] =	vst v63  }
0xc7: {  	s1 =	sadd.s32 @!p0 $0x300, s0;
	s6 =	simm.s32 @!p0 $0x14200  }
0xc8: {  	[hbm4b:s1+s2] =	stream.linear.scatter @!p0 [tilespmem:s6], [sflag:$0xC], $0x200, $0x38;
	[tilespmem:$0x14800] =	vst v63  }
0xc9: {  	s0 =	sadd.s32 @!p0 $0x380, s0;
	s1 =	simm.s32 @!p0 $0x14600  }
0xca: {  	[hbm4b:s0+s2] =	stream.linear.scatter @!p0 [tilespmem:s1], [sflag:$0xC], $0x200, $0x38;
	[tilespmem:$0x14800] =	vst v63  }
0xcb: {  	s0 =	simm.s32 @!p0 $0x9  }
0xcc: {  	_ =	swait.ge @!p0 [sflag:s0], $0x1000  }
0xcd: {  	[sflag:s0] =	ssyncset.done @!p0 $0x0  }
0xce: {  	[sflag:s0] =	ssyncadd.s32 @!p0 $0xFFFFF000;
	s0 =	simm.s32 @!p0 $0xA  }
0xcf: {  	_ =	swait.ge @!p0 [sflag:s0], $0x1000  }
0xd0: {  	[sflag:s0] =	ssyncset.done @!p0 $0x0  }
0xd1: {  	s19 =	simm.s32 $0x440;
	[sflag:s0] =	ssyncadd.s32 @!p0 $0xFFFFF000  }
0xd2: {  	v0 =	vld [tilespmem:s19+$0x30];
	_ =	sdelay $0x3  }
0xd3: {  	v1 =	vld [tilespmem:s19+$0xFFFFFFD0]  }
0xd4: {  	v2 =	vshll.u32 v0, $0x3  }
0xd5: {  	v3 =	vld [tilespmem:s19+$0xFFFFFFE0];
	v0 =	vand.u32 $0x7F, v0;
	v2 =	vand.u32 $0xFFFFFC00, v2  }
0xd6: {  	v5 =	vld [tilespmem:s19+$0xFFFFFFC0];
	v4 =	vor.u32 v0, v2;
	_ =	sdelay $0x1  }
0xd7: {  	v2 =	vld [tilespmem:s19+$0xFFFFFFF0];
	v0 =	vshll.u32 v1, $0x3  }
0xd8: {  	v7 =	vld [tilespmem:s19+$0x10];
	v1 =	vand.u32 $0x7F, v1;
	v8 =	vand.u32 $0xFFFFFC00, v0  }
0xd9: {  	v6 =	vld [tilespmem:s19+$0x0];
	v0 =	vshll.u32 v3, $0x3;
	v1 =	vor.u32 v1, v8  }
0xda: {  	v11 =	vor.u32 $0x80, v4;
	v9 =	vand.u32 $0xFFFFFC00, v0;
	v0 =	vshll.u32 v5, $0x3;
	v10 =	vld.idx.msk [tilespmem:v4+s24+$0x0], $0xffff  }
0xdb: {  	v12 =	vld [tilespmem:s19+$0x20];
	v3 =	vand.u32 $0x7F, v3;
	v5 =	vand.u32 $0x7F, v5;
	v0 =	vand.u32 $0xFFFFFC00, v0  }
0xdc: {  	v0 =	vor.u32 v5, v0;
	v13 =	vshll.u32 v2, $0x3;
	v8 =	vand.u32 $0x7F, v2  }
0xdd: {  	v2 =	vor.u32 v3, v9;
	v9 =	vshll.u32 v7, $0x3;
	v5 =	vand.u32 $0xFFFFFC00, v13  }
0xde: {  	s0 =	simm.s32 $0x10A00;
	v13 =	vshll.u32 v6, $0x3;
	v3 =	vor.u32 v8, v5;
	v5 =	vand.u32 $0xFFFFFC00, v9;
	v9 =	vld.idx.msk [tilespmem:v1+s24+$0x0], $0xffff  }
0xdf: {  	v15 =	vor.u32 $0x80, v1;
	v6 =	vand.u32 $0x7F, v6;
	v13 =	vand.u32 $0xFFFFFC00, v13;
	[tilespmem:s0+$0xFFFFFE70] =	vst v10  }
0xe0: {  	v7 =	vand.u32 $0x7F, v7;
	v8 =	vshll.u32 v12, $0x3;
	v10 =	vor.u32 v6, v13;
	v6 =	vld.idx.msk [tilespmem:v11+s24+$0x0], $0xffff  }
0xe1: {  	v11 =	vor.u32 v7, v5;
	v5 =	vld.idx.msk [tilespmem:v0+s24+$0x0], $0xffff;
	v7 =	vand.u32 $0xFFFFFC00, v8;
	v8 =	vand.u32 $0x7F, v12  }
0xe2: {  	v13 =	vor.u32 $0x100, v4;
	v12 =	vor.u32 v8, v7;
	v7 =	vld.idx.msk [tilespmem:v2+s24+$0x0], $0xffff  }
0xe3: {  	v8 =	vor.u32 $0x80, v0;
	v14 =	vld.idx.msk [tilespmem:v3+s24+$0x0], $0xffff;
	[tilespmem:s0+$0xFFFFFE10] =	vst v9  }
0xe4: {  	v15 =	vld.idx.msk [tilespmem:v15+s24+$0x0], $0xffff  }
0xe5: {  	v17 =	vor.u32 $0x80, v2;
	v16 =	vld.idx.msk [tilespmem:v10+s24+$0x0], $0xffff  }
0xe6: {  	v18 =	vld.idx.msk [tilespmem:v11+s24+$0x0], $0xffff;
	[tilespmem:s0+$0xFFFFFEF0] =	vst v6;
	v6 =	vor.u32 $0x80, v3  }
0xe7: {  	[tilespmem:s0+$0xFFFFFE00] =	vst v5;
	v5 =	vld.idx.msk [tilespmem:v13+s24+$0x0], $0xffff;
	v13 =	vor.u32 $0x80, v10  }
0xe8: {  	v19 =	vor.u32 $0x80, v11;
	v8 =	vld.idx.msk [tilespmem:v8+s24+$0x0], $0xffff;
	[tilespmem:s0+$0xFFFFFE20] =	vst v7  }
0xe9: {  	v9 =	vld.idx.msk [tilespmem:v12+s24+$0x0], $0xffff;
	v7 =	vor.u32 $0x180, v4;
	[tilespmem:s0+$0xFFFFFE30] =	vst v14  }
0xea: {  	v14 =	vor.u32 $0x80, v12;
	v17 =	vld.idx.msk [tilespmem:v17+s24+$0x0], $0xffff;
	[tilespmem:s0+$0xFFFFFE40] =	vst v16  }
0xeb: {  	v16 =	vor.u32 $0x100, v0;
	v6 =	vld.idx.msk [tilespmem:v6+s24+$0x0], $0xffff;
	[tilespmem:s0+$0xFFFFFE50] =	vst v18  }
0xec: {  	v18 =	vor.u32 $0x100, v1;
	v13 =	vld.idx.msk [tilespmem:v13+s24+$0x0], $0xffff;
	[tilespmem:s0+$0xFFFFFF70] =	vst v5  }
0xed: {  	v5 =	vor.u32 $0x100, v2;
	[tilespmem:s0+$0xFFFFFE80] =	vst v8;
	v8 =	vld.idx.msk [tilespmem:v19+s24+$0x0], $0xffff  }
0xee: {  	[tilespmem:s0+$0xFFFFFE60] =	vst v9;
	v9 =	vor.u32 $0x100, v3;
	v7 =	vld.idx.msk [tilespmem:v7+s24+$0x0], $0xffff  }
0xef: {  	[tilespmem:s0+$0xFFFFFE90] =	vst v15;
	v19 =	vor.u32 $0x100, v10;
	v14 =	vld.idx.msk [tilespmem:v14+s24+$0x0], $0xffff  }
0xf0: {  	[tilespmem:s0+$0xFFFFFEA0] =	vst v17;
	v17 =	vor.u32 $0x100, v11;
	v16 =	vld.idx.msk [tilespmem:v16+s24+$0x0], $0xffff  }
0xf1: {  	v15 =	vor.u32 $0x200, v4;
	v18 =	vld.idx.msk [tilespmem:v18+s24+$0x0], $0xffff;
	[tilespmem:s0+$0xFFFFFEB0] =	vst v6  }
0xf2: {  	v6 =	vor.u32 $0x100, v12;
	v5 =	vld.idx.msk [tilespmem:v5+s24+$0x0], $0xffff;
	[tilespmem:s0+$0xFFFFFEC0] =	vst v13  }
0xf3: {  	v13 =	vor.u32 $0x180, v0;
	v9 =	vld.idx.msk [tilespmem:v9+s24+$0x0], $0xffff;
	[tilespmem:s0+$0xFFFFFED0] =	vst v8  }
0xf4: {  	[tilespmem:s0+$0xFFFFFFF0] =	vst v7;
	v7 =	vor.u32 $0x180, v1;
	v19 =	vld.idx.msk [tilespmem:v19+s24+$0x0], $0xffff  }
0xf5: {  	[tilespmem:s0+$0xFFFFFEE0] =	vst v14;
	v14 =	vld.idx.msk [tilespmem:v17+s24+$0x0], $0xffff;
	v17 =	vor.u32 $0x180, v3  }
0xf6: {  	v8 =	vld.idx.msk [tilespmem:v15+s24+$0x0], $0xffff;
	v15 =	vor.u32 $0x180, v2;
	[tilespmem:s0+$0xFFFFFF00] =	vst v16  }
0xf7: {  	v16 =	vor.u32 $0x280, v4;
	[tilespmem:s0+$0xFFFFFF10] =	vst v18;
	v6 =	vld.idx.msk [tilespmem:v6+s24+$0x0], $0xffff  }
0xf8: {  	v18 =	vor.u32 $0x180, v10;
	v13 =	vld.idx.msk [tilespmem:v13+s24+$0x0], $0xffff;
	[tilespmem:s0+$0xFFFFFF20] =	vst v5  }
0xf9: {  	v5 =	vor.u32 $0x180, v11;
	[tilespmem:s0+$0xFFFFFF30] =	vst v9;
	v7 =	vld.idx.msk [tilespmem:v7+s24+$0x0], $0xffff  }
0xfa: {  	v9 =	vor.u32 $0x180, v12;
	[tilespmem:s0+$0xFFFFFF40] =	vst v19;
	v17 =	vld.idx.msk [tilespmem:v17+s24+$0x0], $0xffff  }
0xfb: {  	v15 =	vld.idx.msk [tilespmem:v15+s24+$0x0], $0xffff;
	[tilespmem:s0+$0x70] =	vst v8;
	v8 =	vor.u32 $0x200, v0  }
0xfc: {  	v19 =	vor.u32 $0x200, v1;
	[tilespmem:s0+$0xFFFFFF50] =	vst v14;
	v16 =	vld.idx.msk [tilespmem:v16+s24+$0x0], $0xffff  }
0xfd: {  	v14 =	vld.idx.msk [tilespmem:v18+s24+$0x0], $0xffff;
	[tilespmem:s0+$0xFFFFFF60] =	vst v6;
	v6 =	vor.u32 $0x300, v4  }
0xfe: {  	v18 =	vor.u32 $0x200, v2;
	[tilespmem:s0+$0xFFFFFF80] =	vst v13;
	v5 =	vld.idx.msk [tilespmem:v5+s24+$0x0], $0xffff  }
0xff: {  	v13 =	vor.u32 $0x200, v3;
	[tilespmem:s0+$0xFFFFFF90] =	vst v7;
	v7 =	vld.idx.msk [tilespmem:v9+s24+$0x0], $0xffff  }
0x100: {  	v9 =	vor.u32 $0x200, v10;
	v8 =	vld.idx.msk [tilespmem:v8+s24+$0x0], $0xffff;
	[tilespmem:s0+$0xFFFFFFA0] =	vst v15  }
0x101: {  	v15 =	vor.u32 $0x200, v11;
	v19 =	vld.idx.msk [tilespmem:v19+s24+$0x0], $0xffff;
	[tilespmem:s0+$0xF0] =	vst v16  }
0x102: {  	[tilespmem:s0+$0xFFFFFFB0] =	vst v17;
	v16 =	vor.u32 $0x200, v12;
	v6 =	vld.idx.msk [tilespmem:v6+s24+$0x0], $0xffff  }
0x103: {  	v17 =	vor.u32 $0x280, v0;
	v18 =	vld.idx.msk [tilespmem:v18+s24+$0x0], $0xffff;
	[tilespmem:s0+$0xFFFFFFC0] =	vst v14  }
0x104: {  	v4 =	vor.u32 $0x380, v4;
	v13 =	vld.idx.msk [tilespmem:v13+s24+$0x0], $0xffff;
	[tilespmem:s0+$0xFFFFFFD0] =	vst v5  }
0x105: {  	v5 =	vor.u32 $0x280, v1;
	v9 =	vld.idx.msk [tilespmem:v9+s24+$0x0], $0xffff;
	[tilespmem:s0+$0xFFFFFFE0] =	vst v7  }
0x106: {  	v7 =	vor.u32 $0x280, v2;
	[tilespmem:s0+$0x0] =	vst v8;
	v8 =	vld.idx.msk [tilespmem:v15+s24+$0x0], $0xffff  }
0x107: {  	v14 =	vor.u32 $0x280, v3;
	[tilespmem:s0+$0x10] =	vst v19;
	v15 =	vld.idx.msk [tilespmem:v16+s24+$0x0], $0xffff  }
0x108: {  	v16 =	vor.u32 $0x280, v10;
	v17 =	vld.idx.msk [tilespmem:v17+s24+$0x0], $0xffff;
	[tilespmem:s0+$0x170] =	vst v6  }
0x109: {  	v6 =	vor.u32 $0x280, v11;
	[tilespmem:s0+$0x20] =	vst v18;
	v4 =	vld.idx.msk [tilespmem:v4+s24+$0x0], $0xffff  }
0x10a: {  	v18 =	vor.u32 $0x280, v12;
	v5 =	vld.idx.msk [tilespmem:v5+s24+$0x0], $0xffff;
	[tilespmem:s0+$0x30] =	vst v13  }
0x10b: {  	v13 =	vor.u32 $0x300, v0;
	v7 =	vld.idx.msk [tilespmem:v7+s24+$0x0], $0xffff;
	[tilespmem:s0+$0x40] =	vst v9  }
0x10c: {  	v9 =	vor.u32 $0x300, v1;
	v19 =	vld.idx.msk [tilespmem:v14+s24+$0x0], $0xffff;
	[tilespmem:s0+$0x50] =	vst v8  }
0x10d: {  	v20 =	vor.u32 $0x300, v2;
	v21 =	vld.idx.msk [tilespmem:v16+s24+$0x0], $0xffff;
	[tilespmem:s0+$0x60] =	vst v15  }
0x10e: {  	v22 =	vor.u32 $0x300, v3;
	[tilespmem:s0+$0x80] =	vst v17;
	v17 =	vld.idx.msk [tilespmem:v6+s24+$0x0], $0xffff  }
0x10f: {  	v23 =	vor.u32 $0x300, v10;
	v15 =	vld.idx.msk [tilespmem:v18+s24+$0x0], $0xffff;
	[tilespmem:s0+$0x1F0] =	vst v4  }
0x110: {  	v14 =	vld.idx.msk [tilespmem:v13+s24+$0x0], $0xffff;
	[tilespmem:s0+$0x90] =	vst v5  }
0x111: {  	v13 =	vld.idx.msk [tilespmem:v9+s24+$0x0], $0xffff;
	[tilespmem:s0+$0xA0] =	vst v7  }
0x112: {  	v8 =	vor.u32 $0x300, v11;
	v6 =	vor.u32 $0x380, v1;
	v1 =	vor.u32 $0x380, v11;
	[tilespmem:s0+$0xB0] =	vst v19;
	v16 =	vld.idx.msk [tilespmem:v20+s24+$0x0], $0xffff  }
0x113: {  	v5 =	vor.u32 $0x380, v2;
	v4 =	vor.u32 $0x380, v3;
	v2 =	vor.u32 $0x380, v10;
	v3 =	vld.idx.msk [tilespmem:v22+s24+$0x0], $0xffff;
	[tilespmem:s0+$0xC0] =	vst v21  }
0x114: {  	s6 =	simm.s32 $0x0;
	s2 =	simm.s32 $0x10A00;
	s19 =	simm.s32 $0x4C0;
	v7 =	vor.u32 $0x380, v0;
	v9 =	vor.u32 $0x300, v12;
	v0 =	vor.u32 $0x380, v12;
	v10 =	vld.idx.msk [tilespmem:v23+s24+$0x0], $0xffff;
	[tilespmem:s0+$0xD0] =	vst v17  }
.LBB2_19:
0x115: {  	v11 =	vld [tilespmem:s19+$0x30];
	s6 =	sadd.s32 $0x8, s6;
	[tilespmem:s0+$0xE0] =	vst v15  }
0x116: {  	v12 =	vld [tilespmem:s19+$0xFFFFFFD0];
	p1 =	slt.u32 s6, $0x38;
	[tilespmem:s0+$0x100] =	vst v14  }
0x117: {  	v14 =	vld [tilespmem:s19+$0xFFFFFFE0];
	[tilespmem:s0+$0x110] =	vst v13  }
0x118: {  	v13 =	vld [tilespmem:s19+$0xFFFFFFF0];
	[tilespmem:s0+$0x120] =	vst v16  }
0x119: {  	v15 =	vld [tilespmem:s19+$0x0];
	[tilespmem:s0+$0x130] =	vst v3  }
0x11a: {  	v16 =	vld [tilespmem:s19+$0x10];
	v3 =	vshll.u32 v11, $0x3;
	[tilespmem:s0+$0x140] =	vst v10  }
0x11b: {  	v11 =	vand.u32 $0x7F, v11;
	v10 =	vshll.u32 v12, $0x3;
	v17 =	vld [tilespmem:s19+$0x20];
	v3 =	vand.u32 $0xFFFFFC00, v3  }
0x11c: {  	v18 =	vld [tilespmem:s19+$0xFFFFFFC0];
	v10 =	vand.u32 $0xFFFFFC00, v10;
	v19 =	vshll.u32 v14, $0x3;
	v3 =	vor.u32 v11, v3  }
0x11d: {  	v11 =	vand.u32 $0x7F, v12;
	v12 =	vand.u32 $0xFFFFFC00, v19;
	v19 =	vshll.u32 v13, $0x3;
	v8 =	vld.idx.msk [tilespmem:v8+s24+$0x0], $0xffff  }
0x11e: {  	v14 =	vand.u32 $0x7F, v14;
	v19 =	vand.u32 $0xFFFFFC00, v19;
	v20 =	vshll.u32 v15, $0x3;
	v9 =	vld.idx.msk [tilespmem:v9+s24+$0x0], $0xffff  }
0x11f: {  	v13 =	vand.u32 $0x7F, v13;
	v20 =	vand.u32 $0xFFFFFC00, v20;
	v21 =	vshll.u32 v16, $0x3;
	v7 =	vld.idx.msk [tilespmem:v7+s24+$0x0], $0xffff  }
0x120: {  	v15 =	vand.u32 $0x7F, v15;
	v21 =	vand.u32 $0xFFFFFC00, v21;
	v22 =	vshll.u32 v17, $0x3;
	v6 =	vld.idx.msk [tilespmem:v6+s24+$0x0], $0xffff  }
0x121: {  	v23 =	vand.u32 $0x7F, v18;
	v18 =	vshll.u32 v18, $0x3;
	v22 =	vand.u32 $0xFFFFFC00, v22;
	v24 =	vld.idx.msk [tilespmem:v3+s24+$0x0], $0xffff  }
0x122: {  	v16 =	vand.u32 $0x7F, v16;
	v17 =	vand.u32 $0x7F, v17;
	v18 =	vand.u32 $0xFFFFFC00, v18;
	v5 =	vld.idx.msk [tilespmem:v5+s24+$0x0], $0xffff  }
0x123: {  	v25 =	vor.u32 v11, v10;
	v10 =	vor.u32 $0x80, v3;
	v23 =	vor.u32 v23, v18;
	v4 =	vld.idx.msk [tilespmem:v4+s24+$0x0], $0xffff;
	[tilespmem:s0+$0x150] =	vst v8  }
0x124: {  	v26 =	vor.u32 v14, v12;
	v27 =	vor.u32 v13, v19;
	v28 =	vor.u32 v15, v20;
	[tilespmem:s0+$0x160] =	vst v9  }
0x125: {  	v21 =	vor.u32 v16, v21;
	v22 =	vor.u32 v17, v22;
	v8 =	vor.u32 $0x80, v23;
	[tilespmem:s0+$0x180] =	vst v7;
	v2 =	vld.idx.msk [tilespmem:v2+s24+$0x0], $0xffff  }
0x126: {  	v29 =	vor.u32 $0x80, v27;
	v9 =	vor.u32 $0x80, v26;
	v7 =	vor.u32 $0x80, v25;
	s0 =	sadd.s32 $0x400, s0;
	[tilespmem:s2+$0x190] =	vst v6;
	v1 =	vld.idx.msk [tilespmem:v1+s24+$0x0], $0xffff  }
0x127: {  	v30 =	vor.u32 $0x80, v28;
	v31 =	vor.u32 $0x80, v21;
	v32 =	vor.u32 $0x80, v22;
	[tilespmem:s0+$0xFFFFFE70] =	vst v24;
	v0 =	vld.idx.msk [tilespmem:v0+s24+$0x0], $0xffff  }
0x128: {  	v33 =	vor.u32 $0x100, v25;
	v34 =	vor.u32 $0x100, v26;
	v24 =	vor.u32 $0x100, v23;
	v6 =	vld.idx.msk [tilespmem:v10+s24+$0x0], $0xffff;
	[tilespmem:s2+$0x1A0] =	vst v5  }
0x129: {  	v35 =	vor.u32 $0x100, v27;
	v36 =	vor.u32 $0x100, v28;
	v37 =	vor.u32 $0x100, v21;
	v5 =	vld.idx.msk [tilespmem:v23+s24+$0x0], $0xffff;
	[tilespmem:s2+$0x1B0] =	vst v4  }
0x12a: {  	v39 =	vor.u32 $0x100, v22;
	v38 =	vor.u32 $0x180, v23;
	v10 =	vor.u32 $0x100, v3;
	v4 =	vld.idx.msk [tilespmem:v25+s24+$0x0], $0xffff  }
0x12b: {  	v40 =	vor.u32 $0x180, v25;
	v41 =	vor.u32 $0x180, v26;
	v42 =	vor.u32 $0x180, v27;
	v11 =	vld.idx.msk [tilespmem:v26+s24+$0x0], $0xffff;
	[tilespmem:s2+$0x1C0] =	vst v2  }
0x12c: {  	v43 =	vor.u32 $0x180, v28;
	v44 =	vor.u32 $0x180, v21;
	v45 =	vor.u32 $0x180, v22;
	v2 =	vld.idx.msk [tilespmem:v27+s24+$0x0], $0xffff;
	[tilespmem:s2+$0x1D0] =	vst v1  }
0x12d: {  	v47 =	vor.u32 $0x200, v25;
	v48 =	vor.u32 $0x200, v26;
	v46 =	vor.u32 $0x200, v23;
	v1 =	vld.idx.msk [tilespmem:v28+s24+$0x0], $0xffff;
	[tilespmem:s2+$0x1E0] =	vst v0;
	s2 =	smov.u32 s0  }
0x12e: {  	v49 =	vor.u32 $0x200, v27;
	v50 =	vor.u32 $0x200, v28;
	v51 =	vor.u32 $0x200, v21;
	v0 =	vld.idx.msk [tilespmem:v21+s24+$0x0], $0xffff;
	[tilespmem:s0+$0xFFFFFEF0] =	vst v6  }
0x12f: {  	v18 =	vor.u32 $0x280, v25;
	v53 =	vor.u32 $0x200, v22;
	v52 =	vor.u32 $0x280, v23;
	[tilespmem:s0+$0xFFFFFE00] =	vst v5;
	v54 =	vld.idx.msk [tilespmem:v10+s24+$0x0], $0xffff  }
0x130: {  	v20 =	vor.u32 $0x280, v26;
	v19 =	vor.u32 $0x280, v27;
	v15 =	vor.u32 $0x280, v28;
	[tilespmem:s0+$0xFFFFFE10] =	vst v4;
	v55 =	vld.idx.msk [tilespmem:v22+s24+$0x0], $0xffff  }
0x131: {  	v57 =	vor.u32 $0x180, v3;
	v17 =	vor.u32 $0x280, v21;
	v16 =	vor.u32 $0x280, v22;
	v56 =	vld.idx.msk [tilespmem:v8+s24+$0x0], $0xffff;
	[tilespmem:s0+$0xFFFFFE20] =	vst v11  }
0x132: {  	v13 =	vor.u32 $0x300, v25;
	v14 =	vor.u32 $0x300, v23;
	v10 =	vor.u32 $0x300, v26;
	v58 =	vld.idx.msk [tilespmem:v7+s24+$0x0], $0xffff;
	[tilespmem:s0+$0xFFFFFE30] =	vst v2  }
0x133: {  	v12 =	vor.u32 $0x300, v27;
	v11 =	vor.u32 $0x300, v28;
	v8 =	vor.u32 $0x300, v21;
	v59 =	vld.idx.msk [tilespmem:v9+s24+$0x0], $0xffff;
	[tilespmem:s0+$0xFFFFFE40] =	vst v1  }
0x134: {  	v6 =	vor.u32 $0x380, v25;
	v7 =	vor.u32 $0x380, v23;
	v9 =	vor.u32 $0x300, v22;
	v23 =	vld.idx.msk [tilespmem:v29+s24+$0x0], $0xffff;
	[tilespmem:s0+$0xFFFFFE50] =	vst v0  }
0x135: {  	v5 =	vor.u32 $0x380, v26;
	v4 =	vor.u32 $0x380, v27;
	v2 =	vor.u32 $0x380, v28;
	v25 =	vld.idx.msk [tilespmem:v30+s24+$0x0], $0xffff;
	[tilespmem:s0+$0xFFFFFF70] =	vst v54  }
0x136: {  	v1 =	vor.u32 $0x380, v21;
	v0 =	vor.u32 $0x380, v22;
	[tilespmem:s0+$0xFFFFFE60] =	vst v55;
	v21 =	vld.idx.msk [tilespmem:v57+s24+$0x0], $0xffff  }
0x137: {  	[tilespmem:s0+$0xFFFFFE80] =	vst v56;
	v22 =	vld.idx.msk [tilespmem:v31+s24+$0x0], $0xffff  }
0x138: {  	v27 =	vor.u32 $0x200, v3;
	[tilespmem:s0+$0xFFFFFE90] =	vst v58;
	v26 =	vld.idx.msk [tilespmem:v32+s24+$0x0], $0xffff  }
0x139: {  	v24 =	vld.idx.msk [tilespmem:v24+s24+$0x0], $0xffff;
	[tilespmem:s0+$0xFFFFFEA0] =	vst v59  }
0x13a: {  	v28 =	vld.idx.msk [tilespmem:v33+s24+$0x0], $0xffff;
	[tilespmem:s0+$0xFFFFFEB0] =	vst v23  }
0x13b: {  	v23 =	vld.idx.msk [tilespmem:v34+s24+$0x0], $0xffff;
	[tilespmem:s0+$0xFFFFFEC0] =	vst v25  }
0x13c: {  	v25 =	vld.idx.msk [tilespmem:v35+s24+$0x0], $0xffff;
	[tilespmem:s0+$0xFFFFFFF0] =	vst v21  }
0x13d: {  	[tilespmem:s0+$0xFFFFFED0] =	vst v22;
	v21 =	vld.idx.msk [tilespmem:v27+s24+$0x0], $0xffff  }
0x13e: {  	v22 =	vld.idx.msk [tilespmem:v36+s24+$0x0], $0xffff;
	[tilespmem:s0+$0xFFFFFEE0] =	vst v26  }
0x13f: {  	v26 =	vor.u32 $0x280, v3;
	[tilespmem:s0+$0xFFFFFF00] =	vst v24;
	v24 =	vld.idx.msk [tilespmem:v37+s24+$0x0], $0xffff  }
0x140: {  	[tilespmem:s0+$0xFFFFFF10] =	vst v28;
	v27 =	vld.idx.msk [tilespmem:v39+s24+$0x0], $0xffff  }
0x141: {  	v28 =	vld.idx.msk [tilespmem:v38+s24+$0x0], $0xffff;
	[tilespmem:s0+$0xFFFFFF20] =	vst v23  }
0x142: {  	v23 =	vld.idx.msk [tilespmem:v40+s24+$0x0], $0xffff;
	[tilespmem:s0+$0xFFFFFF30] =	vst v25  }
0x143: {  	v25 =	vld.idx.msk [tilespmem:v41+s24+$0x0], $0xffff;
	[tilespmem:s0+$0x70] =	vst v21  }
0x144: {  	[tilespmem:s0+$0xFFFFFF40] =	vst v22;
	v21 =	vld.idx.msk [tilespmem:v26+s24+$0x0], $0xffff  }
0x145: {  	v22 =	vld.idx.msk [tilespmem:v42+s24+$0x0], $0xffff;
	[tilespmem:s0+$0xFFFFFF50] =	vst v24  }
0x146: {  	v26 =	vor.u32 $0x300, v3;
	v24 =	vld.idx.msk [tilespmem:v43+s24+$0x0], $0xffff;
	[tilespmem:s0+$0xFFFFFF60] =	vst v27  }
0x147: {  	[tilespmem:s0+$0xFFFFFF80] =	vst v28;
	v27 =	vld.idx.msk [tilespmem:v44+s24+$0x0], $0xffff  }
0x148: {  	[tilespmem:s0+$0xFFFFFF90] =	vst v23;
	v23 =	vld.idx.msk [tilespmem:v45+s24+$0x0], $0xffff  }
0x149: {  	v28 =	vld.idx.msk [tilespmem:v46+s24+$0x0], $0xffff;
	[tilespmem:s0+$0xFFFFFFA0] =	vst v25  }
0x14a: {  	v25 =	vld.idx.msk [tilespmem:v47+s24+$0x0], $0xffff;
	[tilespmem:s0+$0xF0] =	vst v21  }
0x14b: {  	[tilespmem:s0+$0xFFFFFFB0] =	vst v22;
	v21 =	vld.idx.msk [tilespmem:v26+s24+$0x0], $0xffff  }
0x14c: {  	v22 =	vld.idx.msk [tilespmem:v48+s24+$0x0], $0xffff;
	[tilespmem:s0+$0xFFFFFFC0] =	vst v24  }
0x14d: {  	v3 =	vor.u32 $0x380, v3;
	v24 =	vld.idx.msk [tilespmem:v49+s24+$0x0], $0xffff;
	[tilespmem:s0+$0xFFFFFFD0] =	vst v27  }
0x14e: {  	v26 =	vld.idx.msk [tilespmem:v50+s24+$0x0], $0xffff;
	[tilespmem:s0+$0xFFFFFFE0] =	vst v23  }
0x14f: {  	[tilespmem:s0+$0x0] =	vst v28;
	v23 =	vld.idx.msk [tilespmem:v51+s24+$0x0], $0xffff  }
0x150: {  	[tilespmem:s0+$0x10] =	vst v25;
	v25 =	vld.idx.msk [tilespmem:v53+s24+$0x0], $0xffff  }
0x151: {  	v27 =	vld.idx.msk [tilespmem:v52+s24+$0x0], $0xffff;
	[tilespmem:s0+$0x170] =	vst v21  }
0x152: {  	[tilespmem:s0+$0x20] =	vst v22;
	v3 =	vld.idx.msk [tilespmem:v3+s24+$0x0], $0xffff  }
0x153: {  	v18 =	vld.idx.msk [tilespmem:v18+s24+$0x0], $0xffff;
	[tilespmem:s0+$0x30] =	vst v24  }
0x154: {  	v20 =	vld.idx.msk [tilespmem:v20+s24+$0x0], $0xffff;
	[tilespmem:s0+$0x40] =	vst v26  }
0x155: {  	v19 =	vld.idx.msk [tilespmem:v19+s24+$0x0], $0xffff;
	[tilespmem:s0+$0x50] =	vst v23  }
0x156: {  	v21 =	vld.idx.msk [tilespmem:v15+s24+$0x0], $0xffff;
	[tilespmem:s0+$0x60] =	vst v25  }
0x157: {  	[tilespmem:s0+$0x80] =	vst v27;
	v17 =	vld.idx.msk [tilespmem:v17+s24+$0x0], $0xffff  }
0x158: {  	v15 =	vld.idx.msk [tilespmem:v16+s24+$0x0], $0xffff;
	[tilespmem:s0+$0x1F0] =	vst v3  }
.Ltmp8:
0x159: {  	v14 =	vld.idx.msk [tilespmem:v14+s24+$0x0], $0xffff;
	[tilespmem:s0+$0x90] =	vst v18;
	(pc) =	sbr.rel @p1 .LBB2_19-.Ltmp8, $4  }
0x15a: {  	v13 =	vld.idx.msk [tilespmem:v13+s24+$0x0], $0xffff;
	[tilespmem:s0+$0xA0] =	vst v20  }
0x15b: {  	v16 =	vld.idx.msk [tilespmem:v10+s24+$0x0], $0xffff;
	[tilespmem:s0+$0xB0] =	vst v19  }
0x15c: {  	v3 =	vld.idx.msk [tilespmem:v12+s24+$0x0], $0xffff;
	[tilespmem:s0+$0xC0] =	vst v21  }
0x15d: {  	s19 =	sadd.s32 $0x80, s19;
	v10 =	vld.idx.msk [tilespmem:v11+s24+$0x0], $0xffff;
	[tilespmem:s0+$0xD0] =	vst v17  }
0x15e: {  	_ =	sdelay $0x2  }
0x15f: {  	[tilespmem:s0+$0xE0] =	vst v15  }
0x160: {  	[tilespmem:s0+$0x100] =	vst v14;
	v8 =	vld.idx.msk [tilespmem:v8+s24+$0x0], $0xffff  }
0x161: {  	[tilespmem:s0+$0x110] =	vst v13;
	v9 =	vld.idx.msk [tilespmem:v9+s24+$0x0], $0xffff  }
0x162: {  	v7 =	vld.idx.msk [tilespmem:v7+s24+$0x0], $0xffff;
	[tilespmem:s0+$0x120] =	vst v16  }
0x163: {  	v63 =	vld.idx.msk [tilespmem:v6+s24+$0x0], $0xffff;
	[tilespmem:s0+$0x130] =	vst v3  }
0x164: {  	v5 =	vld.idx.msk [tilespmem:v5+s24+$0x0], $0xffff;
	[tilespmem:s0+$0x140] =	vst v10  }
0x165: {  	v4 =	vld.idx.msk [tilespmem:v4+s24+$0x0], $0xffff;
	[tilespmem:s0+$0x150] =	vst v8  }
0x166: {  	v2 =	vld.idx.msk [tilespmem:v2+s24+$0x0], $0xffff;
	[tilespmem:s0+$0x160] =	vst v9  }
0x167: {  	[tilespmem:s0+$0x180] =	vst v7;
	v1 =	vld.idx.msk [tilespmem:v1+s24+$0x0], $0xffff  }
0x168: {  	[tilespmem:s2+$0x190] =	vst v63;
	v0 =	vld.idx.msk [tilespmem:v0+s24+$0x0], $0xffff  }
0x169: {  	[tilespmem:s2+$0x1A0] =	vst v5  }
0x16a: {  	p1 =	seq.s32 s16, $0x1F;
	[tilespmem:s2+$0x1B0] =	vst v4  }
.Ltmp9:
0x16b: {  	[tilespmem:s2+$0x1C0] =	vst v2;
	(pc) =	sbr.rel @p1 .LBB2_30-.Ltmp9, $3  }
0x16c: {  	[tilespmem:s2+$0x1D0] =	vst v1  }
0x16d: {  	[tilespmem:s2+$0x1E0] =	vst v0  }
0x16e: {  	[bflag:$0x0] =	sbarrier.arrive $0xFFFF;
	_ =	sdelay $0x1  }
0x16f: {  	s0 =	rddreg [dreg:$0x5]  }
0x170: {  	s0 =	sadd.s32 s31, s0  }
0x171: {  	s1 =	rddreg [dreg:$0x1];
	s0 =	sshll.u32 s0, $0x9  }
0x172: {  	s6 =	simm.s32 $0x800;
	s2 =	sadd.s32 s1, s0  }
0x173: {  	s19 =	simm.s32 $0x80;
	s17 =	simm.s32 $0xC00;
	s1 =	sadd.s32 $0x0, s2  }
.LBB2_22:
0x174: {  	[tilespmem:s6], [sflag:$0x1] =	stream.linear.gather [hbm4b:s1+s4], $0x100, $0x38;
	[tilespmem:$0x14800] =	vst v63  }
0x175: {  	s1 =	smov.u32 s19;
	s6 =	smov.u32 s17;
	p1 =	sne.s32 s19, $0xF80  }
.Ltmp10:
0x176: {  	s19 =	sadd.s32 $0x80, s19;
	(pc) =	sbr.rel @p1 .LBB2_22-.Ltmp10, $2  }
0x177: {  	_ =	sdelay $0x2  }
0x178: {  	s17 =	sadd.s32 $0x400, s17;
	s1 =	sadd.s32 s1, s2  }
0x179: {  	[tilespmem:s6], [sflag:$0x1] =	stream.linear.gather [hbm4b:s1+s4], $0x100, $0x38;
	[tilespmem:$0x14800] =	vst v63  }
0x17a: {  	s2 =	sadd.s32 s0, s8;
	s6 =	simm.s32 $0x900  }
0x17b: {  	s19 =	simm.s32 $0x80;
	s17 =	simm.s32 $0xD00;
	s1 =	sadd.s32 $0x0, s2  }
.LBB2_24:
0x17c: {  	[tilespmem:s6], [sflag:$0x2] =	stream.linear.gather [hbm4b:s1+s4], $0x100, $0x38;
	[tilespmem:$0x14800] =	vst v63  }
0x17d: {  	s1 =	smov.u32 s19;
	s6 =	smov.u32 s17;
	p1 =	sne.s32 s19, $0xF80  }
.Ltmp11:
0x17e: {  	s19 =	sadd.s32 $0x80, s19;
	(pc) =	sbr.rel @p1 .LBB2_24-.Ltmp11, $2  }
0x17f: {  	_ =	sdelay $0x2  }
0x180: {  	s17 =	sadd.s32 $0x400, s17;
	s1 =	sadd.s32 s1, s2  }
0x181: {  	[tilespmem:s6], [sflag:$0x2] =	stream.linear.gather [hbm4b:s1+s4], $0x100, $0x38;
	[tilespmem:$0x14800] =	vst v63  }
0x182: {  	s2 =	sadd.s32 s0, s10;
	s6 =	simm.s32 $0xA00  }
0x183: {  	s19 =	simm.s32 $0x80;
	s17 =	simm.s32 $0xE00;
	s1 =	sadd.s32 $0x0, s2  }
.LBB2_26:
0x184: {  	[tilespmem:s6], [sflag:$0x3] =	stream.linear.gather [hbm4b:s1+s4], $0x100, $0x38;
	[tilespmem:$0x14800] =	vst v63  }
0x185: {  	s1 =	smov.u32 s19;
	s6 =	smov.u32 s17;
	p1 =	sne.s32 s19, $0xF80  }
.Ltmp12:
0x186: {  	s19 =	sadd.s32 $0x80, s19;
	(pc) =	sbr.rel @p1 .LBB2_26-.Ltmp12, $2  }
0x187: {  	_ =	sdelay $0x2  }
0x188: {  	s17 =	sadd.s32 $0x400, s17;
	s1 =	sadd.s32 s1, s2  }
0x189: {  	[tilespmem:s6], [sflag:$0x3] =	stream.linear.gather [hbm4b:s1+s4], $0x100, $0x38;
	[tilespmem:$0x14800] =	vst v63  }
0x18a: {  	s0 =	sadd.s32 s0, s11;
	s2 =	simm.s32 $0xB00  }
0x18b: {  	s6 =	simm.s32 $0x80;
	s17 =	simm.s32 $0xF00;
	s1 =	sadd.s32 $0x0, s0  }
.LBB2_28:
0x18c: {  	[tilespmem:s2], [sflag:$0x4] =	stream.linear.gather [hbm4b:s1+s4], $0x100, $0x38;
	[tilespmem:$0x14800] =	vst v63  }
0x18d: {  	s1 =	smov.u32 s6;
	s2 =	smov.u32 s17;
	p1 =	sne.s32 s6, $0xF80  }
.Ltmp13:
0x18e: {  	s6 =	sadd.s32 $0x80, s6;
	(pc) =	sbr.rel @p1 .LBB2_28-.Ltmp13, $2  }
0x18f: {  	_ =	sdelay $0x2  }
0x190: {  	s17 =	sadd.s32 $0x400, s17;
	s1 =	sadd.s32 s1, s0  }
0x191: {  	[tilespmem:s2], [sflag:$0x4] =	stream.linear.gather [hbm4b:s1+s4], $0x100, $0x38;
	[tilespmem:$0x14800] =	vst v63  }
.LBB2_30:
0x192: {  	_ =	swait.ge [sflag:s25], $0x2000  }
0x193: {  	[sflag:s25] =	ssyncset.done $0x0  }
0x194: {  	[sflag:s25] =	ssyncadd.s32 $0xFFFFE000  }
0x195: {  	_ =	swait.ge [sflag:s26], $0x2000  }
0x196: {  	[sflag:s26] =	ssyncset.done $0x0  }
0x197: {  	[sflag:s26] =	ssyncadd.s32 $0xFFFFE000  }
0x198: {  	_ =	swait.ge [sflag:s28], $0x2000  }
0x199: {  	[sflag:s28] =	ssyncset.done $0x0  }
0x19a: {  	[sflag:s28] =	ssyncadd.s32 $0xFFFFE000  }
0x19b: {  	_ =	swait.ge [sflag:s29], $0x2000  }
0x19c: {  	s0 =	sshll.u32 s30, $0x7;
	[sflag:s29] =	ssyncset.done $0x0  }
0x19d: {  	s2 =	simm.s32 $0x10800;
	s1 =	sadd.s32 s3, s0;
	[sflag:s29] =	ssyncadd.s32 $0xFFFFE000  }
0x19e: {  	[hbm4b:s1+s4] =	stream.linear.scatter [tilespmem:s2], [sflag:$0x9], $0x200, $0x38;
	[tilespmem:$0x14800] =	vst v63  }
0x19f: {  	s6 =	simm.s32 $0x10C00;
	s17 =	sadd.s32 $0x80, s1  }
0x1a0: {  	[hbm4b:s17+s4] =	stream.linear.scatter [tilespmem:s6], [sflag:$0x9], $0x200, $0x38;
	[tilespmem:$0x14800] =	vst v63  }
0x1a1: {  	s31 =	simm.s32 $0x11000;
	s19 =	sadd.s32 $0x100, s1  }
0x1a2: {  	[hbm4b:s19+s4] =	stream.linear.scatter [tilespmem:s31], [sflag:$0x9], $0x200, $0x38;
	[tilespmem:$0x14800] =	vst v63  }
0x1a3: {  	s6 =	sadd.s32 $0x180, s1;
	s17 =	simm.s32 $0x11400  }
0x1a4: {  	[hbm4b:s6+s4] =	stream.linear.scatter [tilespmem:s17], [sflag:$0x9], $0x200, $0x38;
	[tilespmem:$0x14800] =	vst v63  }
0x1a5: {  	s19 =	sadd.s32 $0x200, s1;
	s31 =	simm.s32 $0x11800  }
0x1a6: {  	[hbm4b:s19+s4] =	stream.linear.scatter [tilespmem:s31], [sflag:$0x9], $0x200, $0x38;
	[tilespmem:$0x14800] =	vst v63  }
0x1a7: {  	s6 =	sadd.s32 $0x280, s1;
	s17 =	simm.s32 $0x11C00  }
0x1a8: {  	[hbm4b:s6+s4] =	stream.linear.scatter [tilespmem:s17], [sflag:$0x9], $0x200, $0x38;
	[tilespmem:$0x14800] =	vst v63  }
0x1a9: {  	s19 =	sadd.s32 $0x300, s1;
	s31 =	simm.s32 $0x12000  }
0x1aa: {  	[hbm4b:s19+s4] =	stream.linear.scatter [tilespmem:s31], [sflag:$0x9], $0x200, $0x38;
	[tilespmem:$0x14800] =	vst v63  }
0x1ab: {  	s1 =	sadd.s32 $0x380, s1;
	s6 =	simm.s32 $0x12400  }
0x1ac: {  	[hbm4b:s1+s4] =	stream.linear.scatter [tilespmem:s6], [sflag:$0x9], $0x200, $0x38;
	[tilespmem:$0x14800] =	vst v63  }
0x1ad: {  	s0 =	sadd.s32 s0, s15;
	s17 =	simm.s32 $0x10A00  }
0x1ae: {  	[hbm4b:s0+s4] =	stream.linear.scatter [tilespmem:s17], [sflag:$0xA], $0x200, $0x38;
	[tilespmem:$0x14800] =	vst v63  }
0x1af: {  	s19 =	sadd.s32 $0x80, s0;
	s31 =	simm.s32 $0x10E00  }
0x1b0: {  	[hbm4b:s19+s4] =	stream.linear.scatter [tilespmem:s31], [sflag:$0xA], $0x200, $0x38;
	[tilespmem:$0x14800] =	vst v63  }
0x1b1: {  	s6 =	sadd.s32 $0x100, s0;
	s17 =	simm.s32 $0x11200  }
0x1b2: {  	[hbm4b:s6+s4] =	stream.linear.scatter [tilespmem:s17], [sflag:$0xA], $0x200, $0x38;
	[tilespmem:$0x14800] =	vst v63  }
0x1b3: {  	s19 =	sadd.s32 $0x180, s0;
	s31 =	simm.s32 $0x11600  }
0x1b4: {  	[hbm4b:s19+s4] =	stream.linear.scatter [tilespmem:s31], [sflag:$0xA], $0x200, $0x38;
	[tilespmem:$0x14800] =	vst v63  }
0x1b5: {  	s6 =	sadd.s32 $0x200, s0;
	s17 =	simm.s32 $0x11A00  }
0x1b6: {  	[hbm4b:s6+s4] =	stream.linear.scatter [tilespmem:s17], [sflag:$0xA], $0x200, $0x38;
	[tilespmem:$0x14800] =	vst v63  }
0x1b7: {  	s19 =	sadd.s32 $0x280, s0;
	s31 =	simm.s32 $0x11E00  }
0x1b8: {  	[hbm4b:s19+s4] =	stream.linear.scatter [tilespmem:s31], [sflag:$0xA], $0x200, $0x38;
	[tilespmem:$0x14800] =	vst v63  }
0x1b9: {  	s6 =	sadd.s32 $0x300, s0;
	s17 =	simm.s32 $0x12200  }
0x1ba: {  	[hbm4b:s6+s4] =	stream.linear.scatter [tilespmem:s17], [sflag:$0xA], $0x200, $0x38;
	[tilespmem:$0x14800] =	vst v63  }
0x1bb: {  	s0 =	sadd.s32 $0x380, s0;
	s19 =	simm.s32 $0x12600  }
0x1bc: {  	[hbm4b:s0+s4] =	stream.linear.scatter [tilespmem:s19], [sflag:$0xA], $0x200, $0x38;
	[tilespmem:$0x14800] =	vst v63  }
0x1bd: {  	s0 =	simm.s32 @!p0 $0xB  }
0x1be: {  	_ =	swait.ge @!p0 [sflag:s0], $0x1000  }
0x1bf: {  	[sflag:s0] =	ssyncset.done @!p0 $0x0  }
0x1c0: {  	[sflag:s0] =	ssyncadd.s32 @!p0 $0xFFFFF000;
	s0 =	simm.s32 @!p0 $0xC  }
0x1c1: {  	_ =	swait.ge @!p0 [sflag:s0], $0x1000  }
0x1c2: {  	[sflag:s0] =	ssyncset.done @!p0 $0x0  }
0x1c3: {  	s31 =	simm.s32 $0x440;
	[sflag:s0] =	ssyncadd.s32 @!p0 $0xFFFFF000  }
0x1c4: {  	v0 =	vld [tilespmem:s31+$0x30];
	_ =	sdelay $0x3  }
0x1c5: {  	v1 =	vld [tilespmem:s31+$0xFFFFFFD0]  }
0x1c6: {  	v2 =	vshll.u32 v0, $0x3  }
0x1c7: {  	v3 =	vld [tilespmem:s31+$0xFFFFFFE0];
	v0 =	vand.u32 $0x7F, v0;
	v2 =	vand.u32 $0xFFFFFC00, v2  }
0x1c8: {  	v5 =	vld [tilespmem:s31+$0xFFFFFFC0];
	v4 =	vor.u32 v0, v2;
	_ =	sdelay $0x1  }
0x1c9: {  	v2 =	vld [tilespmem:s31+$0xFFFFFFF0];
	v0 =	vshll.u32 v1, $0x3  }
0x1ca: {  	v7 =	vld [tilespmem:s31+$0x10];
	v1 =	vand.u32 $0x7F, v1;
	v8 =	vand.u32 $0xFFFFFC00, v0  }
0x1cb: {  	v6 =	vld [tilespmem:s31+$0x0];
	v0 =	vshll.u32 v3, $0x3;
	v1 =	vor.u32 v1, v8  }
0x1cc: {  	v11 =	vor.u32 $0x80, v4;
	v9 =	vand.u32 $0xFFFFFC00, v0;
	v0 =	vshll.u32 v5, $0x3;
	v10 =	vld.idx.msk [tilespmem:v4+s18+$0x0], $0xffff  }
0x1cd: {  	v12 =	vld [tilespmem:s31+$0x20];
	v3 =	vand.u32 $0x7F, v3;
	v5 =	vand.u32 $0x7F, v5;
	v0 =	vand.u32 $0xFFFFFC00, v0  }
0x1ce: {  	v0 =	vor.u32 v5, v0;
	v13 =	vshll.u32 v2, $0x3;
	v8 =	vand.u32 $0x7F, v2  }
0x1cf: {  	v2 =	vor.u32 v3, v9;
	v9 =	vshll.u32 v7, $0x3;
	v5 =	vand.u32 $0xFFFFFC00, v13  }
0x1d0: {  	s0 =	simm.s32 $0x12BF0;
	v13 =	vshll.u32 v6, $0x3;
	v3 =	vor.u32 v8, v5;
	v5 =	vand.u32 $0xFFFFFC00, v9;
	v9 =	vld.idx.msk [tilespmem:v1+s18+$0x0], $0xffff  }
0x1d1: {  	v15 =	vor.u32 $0x80, v1;
	v6 =	vand.u32 $0x7F, v6;
	v13 =	vand.u32 $0xFFFFFC00, v13;
	[tilespmem:s0+$0xFFFFFC80] =	vst v10  }
0x1d2: {  	v7 =	vand.u32 $0x7F, v7;
	v8 =	vshll.u32 v12, $0x3;
	v10 =	vor.u32 v6, v13;
	v6 =	vld.idx.msk [tilespmem:v11+s18+$0x0], $0xffff  }
0x1d3: {  	v11 =	vor.u32 v7, v5;
	v5 =	vld.idx.msk [tilespmem:v0+s18+$0x0], $0xffff;
	v7 =	vand.u32 $0xFFFFFC00, v8;
	v8 =	vand.u32 $0x7F, v12  }
0x1d4: {  	v13 =	vor.u32 $0x100, v4;
	v12 =	vor.u32 v8, v7;
	v7 =	vld.idx.msk [tilespmem:v2+s18+$0x0], $0xffff  }
0x1d5: {  	v8 =	vor.u32 $0x80, v0;
	v14 =	vld.idx.msk [tilespmem:v3+s18+$0x0], $0xffff;
	[tilespmem:s0+$0xFFFFFC20] =	vst v9  }
0x1d6: {  	v15 =	vld.idx.msk [tilespmem:v15+s18+$0x0], $0xffff  }
0x1d7: {  	v17 =	vor.u32 $0x80, v2;
	v16 =	vld.idx.msk [tilespmem:v10+s18+$0x0], $0xffff  }
0x1d8: {  	v18 =	vld.idx.msk [tilespmem:v11+s18+$0x0], $0xffff;
	[tilespmem:s0+$0xFFFFFD00] =	vst v6;
	v6 =	vor.u32 $0x80, v3  }
0x1d9: {  	[tilespmem:s0+$0xFFFFFC10] =	vst v5;
	v5 =	vld.idx.msk [tilespmem:v13+s18+$0x0], $0xffff;
	v13 =	vor.u32 $0x80, v10  }
0x1da: {  	v19 =	vor.u32 $0x80, v11;
	v8 =	vld.idx.msk [tilespmem:v8+s18+$0x0], $0xffff;
	[tilespmem:s0+$0xFFFFFC30] =	vst v7  }
0x1db: {  	v9 =	vld.idx.msk [tilespmem:v12+s18+$0x0], $0xffff;
	v7 =	vor.u32 $0x180, v4;
	[tilespmem:s0+$0xFFFFFC40] =	vst v14  }
0x1dc: {  	v14 =	vor.u32 $0x80, v12;
	v17 =	vld.idx.msk [tilespmem:v17+s18+$0x0], $0xffff;
	[tilespmem:s0+$0xFFFFFC50] =	vst v16  }
0x1dd: {  	v16 =	vor.u32 $0x100, v0;
	v6 =	vld.idx.msk [tilespmem:v6+s18+$0x0], $0xffff;
	[tilespmem:s0+$0xFFFFFC60] =	vst v18  }
0x1de: {  	v18 =	vor.u32 $0x100, v1;
	v13 =	vld.idx.msk [tilespmem:v13+s18+$0x0], $0xffff;
	[tilespmem:s0+$0xFFFFFD80] =	vst v5  }
0x1df: {  	v5 =	vor.u32 $0x100, v2;
	[tilespmem:s0+$0xFFFFFC90] =	vst v8;
	v8 =	vld.idx.msk [tilespmem:v19+s18+$0x0], $0xffff  }
0x1e0: {  	[tilespmem:s0+$0xFFFFFC70] =	vst v9;
	v9 =	vor.u32 $0x100, v3;
	v7 =	vld.idx.msk [tilespmem:v7+s18+$0x0], $0xffff  }
0x1e1: {  	[tilespmem:s0+$0xFFFFFCA0] =	vst v15;
	v19 =	vor.u32 $0x100, v10;
	v14 =	vld.idx.msk [tilespmem:v14+s18+$0x0], $0xffff  }
0x1e2: {  	[tilespmem:s0+$0xFFFFFCB0] =	vst v17;
	v17 =	vor.u32 $0x100, v11;
	v16 =	vld.idx.msk [tilespmem:v16+s18+$0x0], $0xffff  }
0x1e3: {  	v15 =	vor.u32 $0x200, v4;
	v18 =	vld.idx.msk [tilespmem:v18+s18+$0x0], $0xffff;
	[tilespmem:s0+$0xFFFFFCC0] =	vst v6  }
0x1e4: {  	v6 =	vor.u32 $0x100, v12;
	v5 =	vld.idx.msk [tilespmem:v5+s18+$0x0], $0xffff;
	[tilespmem:s0+$0xFFFFFCD0] =	vst v13  }
0x1e5: {  	v13 =	vor.u32 $0x180, v0;
	v9 =	vld.idx.msk [tilespmem:v9+s18+$0x0], $0xffff;
	[tilespmem:s0+$0xFFFFFCE0] =	vst v8  }
0x1e6: {  	[tilespmem:s0+$0xFFFFFE00] =	vst v7;
	v7 =	vor.u32 $0x180, v1;
	v19 =	vld.idx.msk [tilespmem:v19+s18+$0x0], $0xffff  }
0x1e7: {  	[tilespmem:s0+$0xFFFFFCF0] =	vst v14;
	v14 =	vld.idx.msk [tilespmem:v17+s18+$0x0], $0xffff;
	v17 =	vor.u32 $0x180, v3  }
0x1e8: {  	v8 =	vld.idx.msk [tilespmem:v15+s18+$0x0], $0xffff;
	v15 =	vor.u32 $0x180, v2;
	[tilespmem:s0+$0xFFFFFD10] =	vst v16  }
0x1e9: {  	v16 =	vor.u32 $0x280, v4;
	[tilespmem:s0+$0xFFFFFD20] =	vst v18;
	v6 =	vld.idx.msk [tilespmem:v6+s18+$0x0], $0xffff  }
0x1ea: {  	v18 =	vor.u32 $0x180, v10;
	v13 =	vld.idx.msk [tilespmem:v13+s18+$0x0], $0xffff;
	[tilespmem:s0+$0xFFFFFD30] =	vst v5  }
0x1eb: {  	v5 =	vor.u32 $0x180, v11;
	[tilespmem:s0+$0xFFFFFD40] =	vst v9;
	v7 =	vld.idx.msk [tilespmem:v7+s18+$0x0], $0xffff  }
0x1ec: {  	v9 =	vor.u32 $0x180, v12;
	[tilespmem:s0+$0xFFFFFD50] =	vst v19;
	v17 =	vld.idx.msk [tilespmem:v17+s18+$0x0], $0xffff  }
0x1ed: {  	v15 =	vld.idx.msk [tilespmem:v15+s18+$0x0], $0xffff;
	[tilespmem:s0+$0xFFFFFE80] =	vst v8;
	v8 =	vor.u32 $0x200, v0  }
0x1ee: {  	v19 =	vor.u32 $0x200, v1;
	[tilespmem:s0+$0xFFFFFD60] =	vst v14;
	v16 =	vld.idx.msk [tilespmem:v16+s18+$0x0], $0xffff  }
0x1ef: {  	v14 =	vld.idx.msk [tilespmem:v18+s18+$0x0], $0xffff;
	[tilespmem:s0+$0xFFFFFD70] =	vst v6;
	v6 =	vor.u32 $0x300, v4  }
0x1f0: {  	v18 =	vor.u32 $0x200, v2;
	[tilespmem:s0+$0xFFFFFD90] =	vst v13;
	v5 =	vld.idx.msk [tilespmem:v5+s18+$0x0], $0xffff  }
0x1f1: {  	v13 =	vor.u32 $0x200, v3;
	[tilespmem:s0+$0xFFFFFDA0] =	vst v7;
	v7 =	vld.idx.msk [tilespmem:v9+s18+$0x0], $0xffff  }
0x1f2: {  	v9 =	vor.u32 $0x200, v10;
	v8 =	vld.idx.msk [tilespmem:v8+s18+$0x0], $0xffff;
	[tilespmem:s0+$0xFFFFFDB0] =	vst v15  }
0x1f3: {  	v15 =	vor.u32 $0x200, v11;
	v19 =	vld.idx.msk [tilespmem:v19+s18+$0x0], $0xffff;
	[tilespmem:s0+$0xFFFFFF00] =	vst v16  }
0x1f4: {  	[tilespmem:s0+$0xFFFFFDC0] =	vst v17;
	v16 =	vor.u32 $0x200, v12;
	v6 =	vld.idx.msk [tilespmem:v6+s18+$0x0], $0xffff  }
0x1f5: {  	v17 =	vor.u32 $0x280, v0;
	v18 =	vld.idx.msk [tilespmem:v18+s18+$0x0], $0xffff;
	[tilespmem:s0+$0xFFFFFDD0] =	vst v14  }
0x1f6: {  	v4 =	vor.u32 $0x380, v4;
	v13 =	vld.idx.msk [tilespmem:v13+s18+$0x0], $0xffff;
	[tilespmem:s0+$0xFFFFFDE0] =	vst v5  }
0x1f7: {  	v5 =	vor.u32 $0x280, v1;
	v9 =	vld.idx.msk [tilespmem:v9+s18+$0x0], $0xffff;
	[tilespmem:s0+$0xFFFFFDF0] =	vst v7  }
0x1f8: {  	v7 =	vor.u32 $0x280, v2;
	[tilespmem:s0+$0xFFFFFE10] =	vst v8;
	v8 =	vld.idx.msk [tilespmem:v15+s18+$0x0], $0xffff  }
0x1f9: {  	v14 =	vor.u32 $0x280, v3;
	[tilespmem:s0+$0xFFFFFE20] =	vst v19;
	v15 =	vld.idx.msk [tilespmem:v16+s18+$0x0], $0xffff  }
0x1fa: {  	v16 =	vor.u32 $0x280, v10;
	v17 =	vld.idx.msk [tilespmem:v17+s18+$0x0], $0xffff;
	[tilespmem:s0+$0xFFFFFF80] =	vst v6  }
0x1fb: {  	v6 =	vor.u32 $0x280, v11;
	[tilespmem:s0+$0xFFFFFE30] =	vst v18;
	v4 =	vld.idx.msk [tilespmem:v4+s18+$0x0], $0xffff  }
0x1fc: {  	v18 =	vor.u32 $0x280, v12;
	v5 =	vld.idx.msk [tilespmem:v5+s18+$0x0], $0xffff;
	[tilespmem:s0+$0xFFFFFE40] =	vst v13  }
0x1fd: {  	v13 =	vor.u32 $0x300, v0;
	v7 =	vld.idx.msk [tilespmem:v7+s18+$0x0], $0xffff;
	[tilespmem:s0+$0xFFFFFE50] =	vst v9  }
0x1fe: {  	v9 =	vor.u32 $0x300, v1;
	v19 =	vld.idx.msk [tilespmem:v14+s18+$0x0], $0xffff;
	[tilespmem:s0+$0xFFFFFE60] =	vst v8  }
0x1ff: {  	v20 =	vor.u32 $0x300, v2;
	v21 =	vld.idx.msk [tilespmem:v16+s18+$0x0], $0xffff;
	[tilespmem:s0+$0xFFFFFE70] =	vst v15  }
0x200: {  	v22 =	vor.u32 $0x300, v3;
	[tilespmem:s0+$0xFFFFFE90] =	vst v17;
	v17 =	vld.idx.msk [tilespmem:v6+s18+$0x0], $0xffff  }
0x201: {  	v23 =	vor.u32 $0x300, v10;
	v15 =	vld.idx.msk [tilespmem:v18+s18+$0x0], $0xffff;
	[tilespmem:s0+$0x0] =	vst v4  }
0x202: {  	v14 =	vld.idx.msk [tilespmem:v13+s18+$0x0], $0xffff;
	[tilespmem:s0+$0xFFFFFEA0] =	vst v5  }
0x203: {  	v13 =	vld.idx.msk [tilespmem:v9+s18+$0x0], $0xffff;
	[tilespmem:s0+$0xFFFFFEB0] =	vst v7  }
0x204: {  	v8 =	vor.u32 $0x300, v11;
	v6 =	vor.u32 $0x380, v1;
	v1 =	vor.u32 $0x380, v11;
	[tilespmem:s0+$0xFFFFFEC0] =	vst v19;
	v16 =	vld.idx.msk [tilespmem:v20+s18+$0x0], $0xffff  }
0x205: {  	v5 =	vor.u32 $0x380, v2;
	v4 =	vor.u32 $0x380, v3;
	v2 =	vor.u32 $0x380, v10;
	v3 =	vld.idx.msk [tilespmem:v22+s18+$0x0], $0xffff;
	[tilespmem:s0+$0xFFFFFED0] =	vst v21  }
0x206: {  	s30 =	simm.s32 $0x12BF0;
	s2 =	simm.s32 $0x0;
	s6 =	simm.s32 $0x4C0;
	v7 =	vor.u32 $0x380, v0;
	v9 =	vor.u32 $0x300, v12;
	v0 =	vor.u32 $0x380, v12;
	v10 =	vld.idx.msk [tilespmem:v23+s18+$0x0], $0xffff;
	[tilespmem:s0+$0xFFFFFEE0] =	vst v17  }
.LBB2_31:
0x207: {  	v11 =	vld [tilespmem:s6+$0x30];
	s2 =	sadd.s32 $0x8, s2;
	[tilespmem:s0+$0xFFFFFEF0] =	vst v15  }
0x208: {  	v12 =	vld [tilespmem:s6+$0xFFFFFFD0];
	p0 =	slt.u32 s2, $0x38;
	[tilespmem:s0+$0xFFFFFF10] =	vst v14  }
0x209: {  	v14 =	vld [tilespmem:s6+$0xFFFFFFE0];
	[tilespmem:s0+$0xFFFFFF20] =	vst v13  }
0x20a: {  	v13 =	vld [tilespmem:s6+$0xFFFFFFF0];
	[tilespmem:s0+$0xFFFFFF30] =	vst v16  }
0x20b: {  	v15 =	vld [tilespmem:s6+$0x0];
	[tilespmem:s0+$0xFFFFFF40] =	vst v3  }
0x20c: {  	v16 =	vld [tilespmem:s6+$0x10];
	v3 =	vshll.u32 v11, $0x3;
	[tilespmem:s0+$0xFFFFFF50] =	vst v10  }
0x20d: {  	v11 =	vand.u32 $0x7F, v11;
	v10 =	vshll.u32 v12, $0x3;
	v17 =	vld [tilespmem:s6+$0x20];
	v3 =	vand.u32 $0xFFFFFC00, v3  }
0x20e: {  	v18 =	vld [tilespmem:s6+$0xFFFFFFC0];
	v10 =	vand.u32 $0xFFFFFC00, v10;
	v19 =	vshll.u32 v14, $0x3;
	v3 =	vor.u32 v11, v3  }
0x20f: {  	v11 =	vand.u32 $0x7F, v12;
	v12 =	vand.u32 $0xFFFFFC00, v19;
	v19 =	vshll.u32 v13, $0x3;
	v8 =	vld.idx.msk [tilespmem:v8+s18+$0x0], $0xffff  }
0x210: {  	v14 =	vand.u32 $0x7F, v14;
	v19 =	vand.u32 $0xFFFFFC00, v19;
	v20 =	vshll.u32 v15, $0x3;
	v9 =	vld.idx.msk [tilespmem:v9+s18+$0x0], $0xffff  }
0x211: {  	v13 =	vand.u32 $0x7F, v13;
	v20 =	vand.u32 $0xFFFFFC00, v20;
	v21 =	vshll.u32 v16, $0x3;
	v7 =	vld.idx.msk [tilespmem:v7+s18+$0x0], $0xffff  }
0x212: {  	v15 =	vand.u32 $0x7F, v15;
	v21 =	vand.u32 $0xFFFFFC00, v21;
	v22 =	vshll.u32 v17, $0x3;
	v6 =	vld.idx.msk [tilespmem:v6+s18+$0x0], $0xffff  }
0x213: {  	v23 =	vand.u32 $0x7F, v18;
	v18 =	vshll.u32 v18, $0x3;
	v22 =	vand.u32 $0xFFFFFC00, v22;
	v24 =	vld.idx.msk [tilespmem:v3+s18+$0x0], $0xffff  }
0x214: {  	v16 =	vand.u32 $0x7F, v16;
	v17 =	vand.u32 $0x7F, v17;
	v18 =	vand.u32 $0xFFFFFC00, v18;
	v5 =	vld.idx.msk [tilespmem:v5+s18+$0x0], $0xffff  }
0x215: {  	v25 =	vor.u32 v11, v10;
	v10 =	vor.u32 $0x80, v3;
	v23 =	vor.u32 v23, v18;
	v4 =	vld.idx.msk [tilespmem:v4+s18+$0x0], $0xffff;
	[tilespmem:s0+$0xFFFFFF60] =	vst v8  }
0x216: {  	v26 =	vor.u32 v14, v12;
	v27 =	vor.u32 v13, v19;
	v28 =	vor.u32 v15, v20;
	[tilespmem:s0+$0xFFFFFF70] =	vst v9  }
0x217: {  	v21 =	vor.u32 v16, v21;
	v22 =	vor.u32 v17, v22;
	v8 =	vor.u32 $0x80, v23;
	[tilespmem:s0+$0xFFFFFF90] =	vst v7;
	v2 =	vld.idx.msk [tilespmem:v2+s18+$0x0], $0xffff  }
0x218: {  	v29 =	vor.u32 $0x80, v27;
	v9 =	vor.u32 $0x80, v26;
	v7 =	vor.u32 $0x80, v25;
	s0 =	sadd.s32 $0x400, s0;
	[tilespmem:s30+$0xFFFFFFA0] =	vst v6;
	v1 =	vld.idx.msk [tilespmem:v1+s18+$0x0], $0xffff  }
0x219: {  	v30 =	vor.u32 $0x80, v28;
	v31 =	vor.u32 $0x80, v21;
	v32 =	vor.u32 $0x80, v22;
	[tilespmem:s0+$0xFFFFFC80] =	vst v24;
	v0 =	vld.idx.msk [tilespmem:v0+s18+$0x0], $0xffff  }
0x21a: {  	v33 =	vor.u32 $0x100, v25;
	v34 =	vor.u32 $0x100, v26;
	v24 =	vor.u32 $0x100, v23;
	v6 =	vld.idx.msk [tilespmem:v10+s18+$0x0], $0xffff;
	[tilespmem:s30+$0xFFFFFFB0] =	vst v5  }
0x21b: {  	v35 =	vor.u32 $0x100, v27;
	v36 =	vor.u32 $0x100, v28;
	v37 =	vor.u32 $0x100, v21;
	v5 =	vld.idx.msk [tilespmem:v23+s18+$0x0], $0xffff;
	[tilespmem:s30+$0xFFFFFFC0] =	vst v4  }
0x21c: {  	v39 =	vor.u32 $0x100, v22;
	v38 =	vor.u32 $0x180, v23;
	v10 =	vor.u32 $0x100, v3;
	v4 =	vld.idx.msk [tilespmem:v25+s18+$0x0], $0xffff  }
0x21d: {  	v40 =	vor.u32 $0x180, v25;
	v41 =	vor.u32 $0x180, v26;
	v42 =	vor.u32 $0x180, v27;
	v11 =	vld.idx.msk [tilespmem:v26+s18+$0x0], $0xffff;
	[tilespmem:s30+$0xFFFFFFD0] =	vst v2  }
0x21e: {  	v43 =	vor.u32 $0x180, v28;
	v44 =	vor.u32 $0x180, v21;
	v45 =	vor.u32 $0x180, v22;
	v2 =	vld.idx.msk [tilespmem:v27+s18+$0x0], $0xffff;
	[tilespmem:s30+$0xFFFFFFE0] =	vst v1  }
0x21f: {  	v47 =	vor.u32 $0x200, v25;
	v48 =	vor.u32 $0x200, v26;
	v46 =	vor.u32 $0x200, v23;
	v1 =	vld.idx.msk [tilespmem:v28+s18+$0x0], $0xffff;
	[tilespmem:s30+$0xFFFFFFF0] =	vst v0;
	s30 =	smov.u32 s0  }
0x220: {  	v49 =	vor.u32 $0x200, v27;
	v50 =	vor.u32 $0x200, v28;
	v51 =	vor.u32 $0x200, v21;
	v0 =	vld.idx.msk [tilespmem:v21+s18+$0x0], $0xffff;
	[tilespmem:s0+$0xFFFFFD00] =	vst v6  }
0x221: {  	v18 =	vor.u32 $0x280, v25;
	v53 =	vor.u32 $0x200, v22;
	v52 =	vor.u32 $0x280, v23;
	[tilespmem:s0+$0xFFFFFC10] =	vst v5;
	v54 =	vld.idx.msk [tilespmem:v10+s18+$0x0], $0xffff  }
0x222: {  	v20 =	vor.u32 $0x280, v26;
	v19 =	vor.u32 $0x280, v27;
	v15 =	vor.u32 $0x280, v28;
	[tilespmem:s0+$0xFFFFFC20] =	vst v4;
	v55 =	vld.idx.msk [tilespmem:v22+s18+$0x0], $0xffff  }
0x223: {  	v57 =	vor.u32 $0x180, v3;
	v17 =	vor.u32 $0x280, v21;
	v16 =	vor.u32 $0x280, v22;
	v56 =	vld.idx.msk [tilespmem:v8+s18+$0x0], $0xffff;
	[tilespmem:s0+$0xFFFFFC30] =	vst v11  }
0x224: {  	v13 =	vor.u32 $0x300, v25;
	v14 =	vor.u32 $0x300, v23;
	v10 =	vor.u32 $0x300, v26;
	v58 =	vld.idx.msk [tilespmem:v7+s18+$0x0], $0xffff;
	[tilespmem:s0+$0xFFFFFC40] =	vst v2  }
0x225: {  	v12 =	vor.u32 $0x300, v27;
	v11 =	vor.u32 $0x300, v28;
	v8 =	vor.u32 $0x300, v21;
	v59 =	vld.idx.msk [tilespmem:v9+s18+$0x0], $0xffff;
	[tilespmem:s0+$0xFFFFFC50] =	vst v1  }
0x226: {  	v6 =	vor.u32 $0x380, v25;
	v7 =	vor.u32 $0x380, v23;
	v9 =	vor.u32 $0x300, v22;
	v23 =	vld.idx.msk [tilespmem:v29+s18+$0x0], $0xffff;
	[tilespmem:s0+$0xFFFFFC60] =	vst v0  }
0x227: {  	v5 =	vor.u32 $0x380, v26;
	v4 =	vor.u32 $0x380, v27;
	v2 =	vor.u32 $0x380, v28;
	v25 =	vld.idx.msk [tilespmem:v30+s18+$0x0], $0xffff;
	[tilespmem:s0+$0xFFFFFD80] =	vst v54  }
0x228: {  	v1 =	vor.u32 $0x380, v21;
	v0 =	vor.u32 $0x380, v22;
	[tilespmem:s0+$0xFFFFFC70] =	vst v55;
	v21 =	vld.idx.msk [tilespmem:v57+s18+$0x0], $0xffff  }
0x229: {  	[tilespmem:s0+$0xFFFFFC90] =	vst v56;
	v22 =	vld.idx.msk [tilespmem:v31+s18+$0x0], $0xffff  }
0x22a: {  	v27 =	vor.u32 $0x200, v3;
	[tilespmem:s0+$0xFFFFFCA0] =	vst v58;
	v26 =	vld.idx.msk [tilespmem:v32+s18+$0x0], $0xffff  }
0x22b: {  	v24 =	vld.idx.msk [tilespmem:v24+s18+$0x0], $0xffff;
	[tilespmem:s0+$0xFFFFFCB0] =	vst v59  }
0x22c: {  	v28 =	vld.idx.msk [tilespmem:v33+s18+$0x0], $0xffff;
	[tilespmem:s0+$0xFFFFFCC0] =	vst v23  }
0x22d: {  	v23 =	vld.idx.msk [tilespmem:v34+s18+$0x0], $0xffff;
	[tilespmem:s0+$0xFFFFFCD0] =	vst v25  }
0x22e: {  	v25 =	vld.idx.msk [tilespmem:v35+s18+$0x0], $0xffff;
	[tilespmem:s0+$0xFFFFFE00] =	vst v21  }
0x22f: {  	[tilespmem:s0+$0xFFFFFCE0] =	vst v22;
	v21 =	vld.idx.msk [tilespmem:v27+s18+$0x0], $0xffff  }
0x230: {  	v22 =	vld.idx.msk [tilespmem:v36+s18+$0x0], $0xffff;
	[tilespmem:s0+$0xFFFFFCF0] =	vst v26  }
0x231: {  	v26 =	vor.u32 $0x280, v3;
	[tilespmem:s0+$0xFFFFFD10] =	vst v24;
	v24 =	vld.idx.msk [tilespmem:v37+s18+$0x0], $0xffff  }
0x232: {  	[tilespmem:s0+$0xFFFFFD20] =	vst v28;
	v27 =	vld.idx.msk [tilespmem:v39+s18+$0x0], $0xffff  }
0x233: {  	v28 =	vld.idx.msk [tilespmem:v38+s18+$0x0], $0xffff;
	[tilespmem:s0+$0xFFFFFD30] =	vst v23  }
0x234: {  	v23 =	vld.idx.msk [tilespmem:v40+s18+$0x0], $0xffff;
	[tilespmem:s0+$0xFFFFFD40] =	vst v25  }
0x235: {  	v25 =	vld.idx.msk [tilespmem:v41+s18+$0x0], $0xffff;
	[tilespmem:s0+$0xFFFFFE80] =	vst v21  }
0x236: {  	[tilespmem:s0+$0xFFFFFD50] =	vst v22;
	v21 =	vld.idx.msk [tilespmem:v26+s18+$0x0], $0xffff  }
0x237: {  	v22 =	vld.idx.msk [tilespmem:v42+s18+$0x0], $0xffff;
	[tilespmem:s0+$0xFFFFFD60] =	vst v24  }
0x238: {  	v26 =	vor.u32 $0x300, v3;
	v24 =	vld.idx.msk [tilespmem:v43+s18+$0x0], $0xffff;
	[tilespmem:s0+$0xFFFFFD70] =	vst v27  }
0x239: {  	[tilespmem:s0+$0xFFFFFD90] =	vst v28;
	v27 =	vld.idx.msk [tilespmem:v44+s18+$0x0], $0xffff  }
0x23a: {  	[tilespmem:s0+$0xFFFFFDA0] =	vst v23;
	v23 =	vld.idx.msk [tilespmem:v45+s18+$0x0], $0xffff  }
0x23b: {  	v28 =	vld.idx.msk [tilespmem:v46+s18+$0x0], $0xffff;
	[tilespmem:s0+$0xFFFFFDB0] =	vst v25  }
0x23c: {  	v25 =	vld.idx.msk [tilespmem:v47+s18+$0x0], $0xffff;
	[tilespmem:s0+$0xFFFFFF00] =	vst v21  }
0x23d: {  	[tilespmem:s0+$0xFFFFFDC0] =	vst v22;
	v21 =	vld.idx.msk [tilespmem:v26+s18+$0x0], $0xffff  }
0x23e: {  	v22 =	vld.idx.msk [tilespmem:v48+s18+$0x0], $0xffff;
	[tilespmem:s0+$0xFFFFFDD0] =	vst v24  }
0x23f: {  	v3 =	vor.u32 $0x380, v3;
	v24 =	vld.idx.msk [tilespmem:v49+s18+$0x0], $0xffff;
	[tilespmem:s0+$0xFFFFFDE0] =	vst v27  }
0x240: {  	v26 =	vld.idx.msk [tilespmem:v50+s18+$0x0], $0xffff;
	[tilespmem:s0+$0xFFFFFDF0] =	vst v23  }
0x241: {  	[tilespmem:s0+$0xFFFFFE10] =	vst v28;
	v23 =	vld.idx.msk [tilespmem:v51+s18+$0x0], $0xffff  }
0x242: {  	[tilespmem:s0+$0xFFFFFE20] =	vst v25;
	v25 =	vld.idx.msk [tilespmem:v53+s18+$0x0], $0xffff  }
0x243: {  	v27 =	vld.idx.msk [tilespmem:v52+s18+$0x0], $0xffff;
	[tilespmem:s0+$0xFFFFFF80] =	vst v21  }
0x244: {  	[tilespmem:s0+$0xFFFFFE30] =	vst v22;
	v3 =	vld.idx.msk [tilespmem:v3+s18+$0x0], $0xffff  }
0x245: {  	v18 =	vld.idx.msk [tilespmem:v18+s18+$0x0], $0xffff;
	[tilespmem:s0+$0xFFFFFE40] =	vst v24  }
0x246: {  	v20 =	vld.idx.msk [tilespmem:v20+s18+$0x0], $0xffff;
	[tilespmem:s0+$0xFFFFFE50] =	vst v26  }
0x247: {  	v19 =	vld.idx.msk [tilespmem:v19+s18+$0x0], $0xffff;
	[tilespmem:s0+$0xFFFFFE60] =	vst v23  }
0x248: {  	v21 =	vld.idx.msk [tilespmem:v15+s18+$0x0], $0xffff;
	[tilespmem:s0+$0xFFFFFE70] =	vst v25  }
0x249: {  	[tilespmem:s0+$0xFFFFFE90] =	vst v27;
	v17 =	vld.idx.msk [tilespmem:v17+s18+$0x0], $0xffff  }
0x24a: {  	v15 =	vld.idx.msk [tilespmem:v16+s18+$0x0], $0xffff;
	[tilespmem:s0+$0x0] =	vst v3  }
.Ltmp14:
0x24b: {  	v14 =	vld.idx.msk [tilespmem:v14+s18+$0x0], $0xffff;
	[tilespmem:s0+$0xFFFFFEA0] =	vst v18;
	(pc) =	sbr.rel @p0 .LBB2_31-.Ltmp14, $4  }
0x24c: {  	v13 =	vld.idx.msk [tilespmem:v13+s18+$0x0], $0xffff;
	[tilespmem:s0+$0xFFFFFEB0] =	vst v20  }
0x24d: {  	v16 =	vld.idx.msk [tilespmem:v10+s18+$0x0], $0xffff;
	[tilespmem:s0+$0xFFFFFEC0] =	vst v19  }
0x24e: {  	v3 =	vld.idx.msk [tilespmem:v12+s18+$0x0], $0xffff;
	[tilespmem:s0+$0xFFFFFED0] =	vst v21  }
0x24f: {  	s6 =	sadd.s32 $0x80, s6;
	v10 =	vld.idx.msk [tilespmem:v11+s18+$0x0], $0xffff;
	[tilespmem:s0+$0xFFFFFEE0] =	vst v17  }
0x250: {  	_ =	sdelay $0x2  }
0x251: {  	[tilespmem:s0+$0xFFFFFEF0] =	vst v15  }
0x252: {  	[tilespmem:s0+$0xFFFFFF10] =	vst v14;
	v8 =	vld.idx.msk [tilespmem:v8+s18+$0x0], $0xffff  }
0x253: {  	[tilespmem:s0+$0xFFFFFF20] =	vst v13;
	v9 =	vld.idx.msk [tilespmem:v9+s18+$0x0], $0xffff  }
0x254: {  	v7 =	vld.idx.msk [tilespmem:v7+s18+$0x0], $0xffff;
	[tilespmem:s0+$0xFFFFFF30] =	vst v16  }
0x255: {  	v63 =	vld.idx.msk [tilespmem:v6+s18+$0x0], $0xffff;
	[tilespmem:s0+$0xFFFFFF40] =	vst v3  }
0x256: {  	v5 =	vld.idx.msk [tilespmem:v5+s18+$0x0], $0xffff;
	[tilespmem:s0+$0xFFFFFF50] =	vst v10  }
0x257: {  	v4 =	vld.idx.msk [tilespmem:v4+s18+$0x0], $0xffff;
	[tilespmem:s0+$0xFFFFFF60] =	vst v8  }
0x258: {  	v2 =	vld.idx.msk [tilespmem:v2+s18+$0x0], $0xffff;
	[tilespmem:s0+$0xFFFFFF70] =	vst v9  }
0x259: {  	[tilespmem:s0+$0xFFFFFF90] =	vst v7;
	v1 =	vld.idx.msk [tilespmem:v1+s18+$0x0], $0xffff  }
0x25a: {  	[tilespmem:s30+$0xFFFFFFA0] =	vst v63;
	v0 =	vld.idx.msk [tilespmem:v0+s18+$0x0], $0xffff  }
0x25b: {  	s16 =	sadd.s32 $0x1, s16;
	[tilespmem:s30+$0xFFFFFFB0] =	vst v5  }
0x25c: {  	p0 =	sne.s32 s16, $0x20;
	[tilespmem:s30+$0xFFFFFFC0] =	vst v4  }
.Ltmp15:
0x25d: {  	[tilespmem:s30+$0xFFFFFFD0] =	vst v2;
	(pc) =	sbr.rel @p0 .LBB2_10-.Ltmp15, $3  }
0x25e: {  	[tilespmem:s30+$0xFFFFFFE0] =	vst v1  }
0x25f: {  	[tilespmem:s30+$0xFFFFFFF0] =	vst v0  }
0x260: {  	[bflag:$0x0] =	sbarrier.arrive $0xFFFF;
	_ =	sdelay $0x1  }
0x261: {  	s1 =	rddreg [dreg:$0x6];
	s0 =	simm.s32 $0x12800  }
0x262: {  	[hbm4b:s1+s4] =	stream.linear.scatter [tilespmem:s0], [sflag:$0xB], $0x200, $0x38;
	[tilespmem:$0x14800] =	vst v63  }
0x263: {  	s2 =	simm.s32 $0x12C00;
	s31 =	sadd.s32 $0x80, s1  }
0x264: {  	[hbm4b:s31+s4] =	stream.linear.scatter [tilespmem:s2], [sflag:$0xB], $0x200, $0x38;
	[tilespmem:$0x14800] =	vst v63  }
0x265: {  	s16 =	simm.s32 $0x13000;
	s6 =	sadd.s32 $0x100, s1  }
0x266: {  	[hbm4b:s6+s4] =	stream.linear.scatter [tilespmem:s16], [sflag:$0xB], $0x200, $0x38;
	[tilespmem:$0x14800] =	vst v63  }
0x267: {  	s19 =	simm.s32 $0x13400;
	s17 =	sadd.s32 $0x180, s1  }
0x268: {  	[hbm4b:s17+s4] =	stream.linear.scatter [tilespmem:s19], [sflag:$0xB], $0x200, $0x38;
	[tilespmem:$0x14800] =	vst v63  }
0x269: {  	s30 =	sadd.s32 $0x200, s1;
	s31 =	simm.s32 $0x13800  }
0x26a: {  	[hbm4b:s30+s4] =	stream.linear.scatter [tilespmem:s31], [sflag:$0xB], $0x200, $0x38;
	[tilespmem:$0x14800] =	vst v63  }
0x26b: {  	s6 =	sadd.s32 $0x280, s1;
	s16 =	simm.s32 $0x13C00  }
0x26c: {  	[hbm4b:s6+s4] =	stream.linear.scatter [tilespmem:s16], [sflag:$0xB], $0x200, $0x38;
	[tilespmem:$0x14800] =	vst v63  }
0x26d: {  	s17 =	sadd.s32 $0x300, s1;
	s19 =	simm.s32 $0x14000  }
0x26e: {  	[hbm4b:s17+s4] =	stream.linear.scatter [tilespmem:s19], [sflag:$0xB], $0x200, $0x38;
	[tilespmem:$0x14800] =	vst v63  }
0x26f: {  	s30 =	sadd.s32 $0x380, s1;
	s31 =	simm.s32 $0x14400  }
0x270: {  	[hbm4b:s30+s4] =	stream.linear.scatter [tilespmem:s31], [sflag:$0xB], $0x200, $0x38;
	[tilespmem:$0x14800] =	vst v63  }
0x271: {  	s2 =	simm.s32 $0x12A00;
	s1 =	rddreg [dreg:$0x7]  }
0x272: {  	[hbm4b:s1+s4] =	stream.linear.scatter [tilespmem:s2], [sflag:$0xC], $0x200, $0x38;
	[tilespmem:$0x14800] =	vst v63  }
0x273: {  	s6 =	sadd.s32 $0x80, s1;
	s16 =	simm.s32 $0x12E00  }
0x274: {  	[hbm4b:s6+s4] =	stream.linear.scatter [tilespmem:s16], [sflag:$0xC], $0x200, $0x38;
	[tilespmem:$0x14800] =	vst v63  }
0x275: {  	s17 =	sadd.s32 $0x100, s1;
	s19 =	simm.s32 $0x13200  }
0x276: {  	[hbm4b:s17+s4] =	stream.linear.scatter [tilespmem:s19], [sflag:$0xC], $0x200, $0x38;
	[tilespmem:$0x14800] =	vst v63  }
0x277: {  	s30 =	sadd.s32 $0x180, s1;
	s31 =	simm.s32 $0x13600  }
0x278: {  	[hbm4b:s30+s4] =	stream.linear.scatter [tilespmem:s31], [sflag:$0xC], $0x200, $0x38;
	[tilespmem:$0x14800] =	vst v63  }
0x279: {  	s6 =	sadd.s32 $0x200, s1;
	s16 =	simm.s32 $0x13A00  }
0x27a: {  	[hbm4b:s6+s4] =	stream.linear.scatter [tilespmem:s16], [sflag:$0xC], $0x200, $0x38;
	[tilespmem:$0x14800] =	vst v63  }
0x27b: {  	s17 =	sadd.s32 $0x280, s1;
	s19 =	simm.s32 $0x13E00  }
0x27c: {  	[hbm4b:s17+s4] =	stream.linear.scatter [tilespmem:s19], [sflag:$0xC], $0x200, $0x38;
	[tilespmem:$0x14800] =	vst v63  }
0x27d: {  	s30 =	sadd.s32 $0x300, s1;
	s31 =	simm.s32 $0x14200  }
0x27e: {  	[hbm4b:s30+s4] =	stream.linear.scatter [tilespmem:s31], [sflag:$0xC], $0x200, $0x38;
	[tilespmem:$0x14800] =	vst v63  }
0x27f: {  	s2 =	simm.s32 $0x14600;
	s1 =	sadd.s32 $0x380, s1;
	s6 =	simm.s32 $0x9  }
0x280: {  	[hbm4b:s1+s4] =	stream.linear.scatter [tilespmem:s2], [sflag:$0xC], $0x200, $0x38;
	[tilespmem:$0x14800] =	vst v63  }
0x281: {  	_ =	swait.ge [sflag:s6], $0x1000  }
0x282: {  	[sflag:s6] =	ssyncset.done $0x0  }
0x283: {  	s16 =	simm.s32 $0xA;
	[sflag:s6] =	ssyncadd.s32 $0xFFFFF000  }
0x284: {  	_ =	swait.ge [sflag:s16], $0x1000  }
0x285: {  	[sflag:s16] =	ssyncset.done $0x0  }
0x286: {  	s17 =	simm.s32 $0xB;
	[sflag:s16] =	ssyncadd.s32 $0xFFFFF000  }
0x287: {  	_ =	swait.ge [sflag:s17], $0x1000  }
0x288: {  	[sflag:s17] =	ssyncset.done $0x0  }
0x289: {  	s19 =	simm.s32 $0xC;
	[sflag:s17] =	ssyncadd.s32 $0xFFFFF000  }
0x28a: {  	_ =	swait.ge [sflag:s19], $0x1000  }
0x28b: {  	s30 =	rddreg [dreg:$0x9]  }
0x28c: {  	s31 =	rddreg [dreg:$0x8];
	s2 =	sadd.s32 $0x1, s30  }
0x28d: {  	p0 =	sne.s32 s2, s31  }
.Ltmp16:
0x28e: {  	_ = 	snop;
	(pc) =	sbr.rel @p0 .LBB2_1-.Ltmp16, $3  }
0x28f: {  	_ =	sdelay $0x1  }
0x290: {  	[sflag:s19] =	ssyncset.done $0x0  }
0x291: {  	[sflag:s19] =	ssyncadd.s32 $0xFFFFF000  }
0x292: {  	_ =	sfence.sel $0x180000  }
0x293: {  	[bflag:$0x0] =	sbarrier.arrive $0xFFFF  }
0x294: {  	_ =	strace $0x90000047  }
0x295: {  	s0 =	stileid.u32;
	[bflag:$0x2] =	sbarrier.arrive $0xFFFF  }
0x296: {  	p0 =	sne.s32 s0, $0x0;
	s0 =	rddreg [dreg:$0x3]  }
0x297: {  	s0 =	sadd.s32 @!p0 $0x100000, s0  }
0x298: {  	[sflag:s0] =	ssyncadd.tile.s32 @!p0 $0x1;
	_ =	shalt  }
.Lfunc_end2:
_tile_overlayer_lowered:
.L_overlay_start_2:
0x299: {  	(tag) =	ssettag $0x2  }
0x29a: {  	s0 =	rddreg [dreg:$0x0];
	s2 =	stileid.u32  }
0x29b: {  	s1 =	rddreg [dreg:$0x1];
	p0 =	sne.s32 s2, $0x0  }
0x29c: {  	s3 =	rddreg [dreg:$0x2];
	[bflag:$0x3] =	sbarrier.arrive $0xFFFF;
	s2 =	simm.s32 @!p0 $0x1C0D  }
0x29d: {  	[timem:s3], [sflag:s2] =	dma.local @!p0 [hbm:s0], s1  }
0x29e: {  	s0 =	simm.s32 @!p0 $0xD  }
0x29f: {  	_ =	swait.ge @!p0 [sflag:s0], s1  }
0x2a0: {  	s1 =	ssub.s32 @!p0 $0x0, s1;
	[sflag:s0] =	ssyncset.done @!p0 $0x0  }
0x2a1: {  	[sflag:s0] =	ssyncadd.s32 @!p0 s1  }
0x2a2: {  	[bflag:$0x3] =	sbarrier.arrive $0xFFFF  }
0x2a3: {  	_ =	shalt  }

</sc_bundles>
